<compile_context>
chip_gen: v7x
topology: tpu7x:2x2x1
jax: 0.10.2.dev20260603
libtpu: 0.0.44.dev20260713+nightly
codegen_flags: <defaults>
</compile_context>

<pallas_src>
import functools
import jax
import jax.numpy as jnp
from jax import lax
from jax.experimental import pallas as pl
from jax.experimental.pallas import tpu as pltpu
from jax.experimental.pallas import tpu_sc as plsc

BB, NN = 8, 8192
NRF = 1024
GG = BB * NRF
MAXEV = 32
TSLOT = MAXEV + 1
ECH = 512
NCH = NN // ECH
NW = 32
EPW = BB * NN // NW
IDXW = 128
NIDX = EPW // IDXW
ROWS3 = GG * MAXEV + BB * NN
ROWS33 = GG * TSLOT + BB * NN


def _binning_body(cxr, cyr, vr,
                  dest3_ref, dest33_ref, rel_ref, cnt_ref, rank_s):
    b = pl.program_id(0)
    i32c = lax.broadcasted_iota(jnp.int32, (ECH, 32), 1)
    i32r = lax.broadcasted_iota(jnp.int32, (32, ECH), 0)
    ri = lax.broadcasted_iota(jnp.int32, (ECH, ECH), 0)
    ci = lax.broadcasted_iota(jnp.int32, (ECH, ECH), 1)
    tri = ci < ri
    ieq = ci == ri

    def to_col(rowv):
        return jnp.sum(jnp.where(ieq, rowv, 0), axis=1, keepdims=True)

    def to_row(colv):
        return jnp.sum(jnp.where(ieq, colv, 0), axis=0, keepdims=True)

    def rf_row(c):
        sl = pl.ds(c * ECH, ECH)
        rf = (cyr[0, :, sl] // 2) * 32 + (cxr[0, :, sl] // 2)
        return jnp.where(vr[0, :, sl] > 0.5, rf, NRF)

    def gath(tab, hi_c, lo_c):
        mhi = (hi_c == i32c).astype(jnp.float32)
        ze = jnp.dot(mhi, tab, preferred_element_type=jnp.float32)
        return jnp.sum(jnp.where(lo_c == i32c, ze, 0.0), axis=1, keepdims=True)

    def ph1(c, cnt):
        rf_r = rf_row(c)
        rf_c = to_col(rf_r)
        hi_c = rf_c // 32
        lo_c = rf_c % 32
        m = (rf_c == rf_r) & tri
        lrank = jnp.sum(m.astype(jnp.float32), axis=1, keepdims=True)
        rank = gath(cnt, hi_c, lo_c) + lrank
        rank_s[:, pl.ds(c * ECH, ECH)] = to_row(rank)
        mhit = (i32r == rf_r // 32).astype(jnp.float32)
        mlo = (lo_c == i32c).astype(jnp.float32)
        return cnt + jnp.dot(mhit, mlo, preferred_element_type=jnp.float32)

    cnt = lax.fori_loop(0, NCH, ph1, jnp.zeros((32, 32), jnp.float32))
    shift32 = cnt - jnp.minimum(cnt, float(MAXEV))
    shift33 = cnt - jnp.minimum(cnt, float(TSLOT))

    def ph2(c, _):
        sl = pl.ds(c * ECH, ECH)
        rf_r = rf_row(c)
        rf_c = to_col(rf_r)
        hi_c = rf_c // 32
        lo_c = rf_c % 32
        s32e = to_row(gath(shift32, hi_c, lo_c))
        s33e = to_row(gath(shift33, hi_c, lo_c))
        rank_r = rank_s[:, sl]
        vmask = vr[0, :, sl] > 0.5
        n32 = rank_r - s32e
        n33 = rank_r - s33e
        k32 = (n32 >= 0) & vmask
        k33 = (n33 >= 0) & vmask
        eid = b * NN + c * ECH + lax.broadcasted_iota(jnp.int32, (1, ECH), 1)
        grf = b * NRF + rf_r
        dest3_ref[0, :, sl] = jnp.where(
            k32, grf * MAXEV + n32.astype(jnp.int32), GG * MAXEV + eid)
        dest33_ref[0, :, sl] = jnp.where(
            k33, grf * TSLOT + n33.astype(jnp.int32), GG * TSLOT + eid)
        cxv = cxr[0, :, sl]
        cyv = cyr[0, :, sl]
        rel = (cxv - (cxv // 2) * 2) + 2 * (cyv - (cyv // 2) * 2)
        rel_ref[0, :, sl] = rel.astype(jnp.float32)
        return 0

    lax.fori_loop(0, NCH, ph2, 0)
    cnt_ref[0, :, :] = cnt


def _binning(cxr, cyr, vr):
    row = pl.BlockSpec((1, 1, NN), lambda i: (i, 0, 0))
    return pl.pallas_call(
        _binning_body,
        grid=(BB,),
        in_specs=[row, row, row],
        out_specs=[row, row, row,
                   pl.BlockSpec((1, 32, 32), lambda i: (i, 0, 0))],
        out_shape=[
            jax.ShapeDtypeStruct((BB, 1, NN), jnp.int32),
            jax.ShapeDtypeStruct((BB, 1, NN), jnp.int32),
            jax.ShapeDtypeStruct((BB, 1, NN), jnp.float32),
            jax.ShapeDtypeStruct((BB, 32, 32), jnp.float32),
        ],
        scratch_shapes=[pltpu.VMEM((1, NN), jnp.float32)],
        compiler_params=pltpu.CompilerParams(
            dimension_semantics=("parallel",)),
    )(cxr, cyr, vr)


def _scatter_feats(dest3, dest33, vx, vrel, vts):
    mesh = plsc.VectorSubcoreMesh(core_axis_name="c", subcore_axis_name="s")

    @functools.partial(
        pl.kernel,
        mesh=mesh,
        out_type=[
            jax.ShapeDtypeStruct((ROWS3,), jnp.float32),
            jax.ShapeDtypeStruct((ROWS3,), jnp.float32),
            jax.ShapeDtypeStruct((ROWS33,), jnp.float32),
        ],
        scratch_types=[
            pltpu.VMEM((NIDX, IDXW), jnp.int32),
            pltpu.VMEM((NIDX, IDXW), jnp.int32),
            pltpu.VMEM((NIDX, IDXW), jnp.float32),
            pltpu.VMEM((NIDX, IDXW), jnp.float32),
            pltpu.VMEM((NIDX, IDXW), jnp.float32),
            pltpu.SemaphoreType.DMA,
        ],
    )
    def k(d3_hbm, d33_hbm, x_hbm, rel_hbm, ts_hbm,
          ox_hbm, orel_hbm, ots_hbm,
          i3_v, i33_v, x_v, rel_v, ts_v, sem):
        wid = lax.axis_index("s") * 2 + lax.axis_index("c")
        pltpu.sync_copy(d3_hbm.at[wid], i3_v)
        pltpu.sync_copy(d33_hbm.at[wid], i33_v)
        pltpu.sync_copy(x_hbm.at[wid], x_v)
        pltpu.sync_copy(rel_hbm.at[wid], rel_v)
        pltpu.sync_copy(ts_hbm.at[wid], ts_v)

        def body(j, _):
            c0 = pltpu.async_copy(x_v.at[j], ox_hbm.at[i3_v.at[j]], sem)
            c1 = pltpu.async_copy(rel_v.at[j], orel_hbm.at[i3_v.at[j]], sem)
            c2 = pltpu.async_copy(ts_v.at[j], ots_hbm.at[i33_v.at[j]], sem)
            c0.wait()
            c1.wait()
            c2.wait()
            return 0

        lax.fori_loop(0, NIDX, body, 0)

    return k(dest3, dest33, vx, vrel, vts)


def _lstm_body(tx, trel, tse, cnt_ref, wx_ref, wh_ref, bias_ref, out_ref):
    gb = out_ref.shape[0]
    wh = wh_ref[...]
    bias = bias_ref[...]
    cntv = cnt_ref[0]
    lens = jnp.minimum(cntv, float(MAXEV))
    has_extra = cntv > float(MAXEV)
    ts_all = tse[...]
    d_hi = ts_all[:, 1:TSLOT] - ts_all[:, 0:MAXEV]
    d_lo = jnp.concatenate(
        [jnp.zeros((gb, 1), jnp.float32), d_hi[:, 0:MAXEV - 1]], axis=1)
    delay = jnp.where(has_extra, d_hi, d_lo)
    step = lax.broadcasted_iota(jnp.int32, (1, MAXEV), 1).astype(jnp.float32)
    tmask = step < lens
    maxd = jnp.max(jnp.where(tmask, delay, 0.0), axis=1, keepdims=True)
    nd = delay / jnp.maximum(maxd, 1e-9)
    relv = trel[...]
    rely = jnp.floor(relv * 0.5)
    relx = relv - 2.0 * rely
    xv = tx[...]
    w0 = wx_ref[0:1, :]
    w1 = wx_ref[1:2, :]
    w2 = wx_ref[2:3, :]
    w3 = wx_ref[3:4, :]
    h = jnp.zeros((gb, 16), jnp.float32)
    c = jnp.zeros((gb, 16), jnp.float32)
    for t in range(MAXEV):
        mask = lens > float(t)
        xg = (xv[:, t:t + 1] * w0 + relx[:, t:t + 1] * w1
              + rely[:, t:t + 1] * w2 + nd[:, t:t + 1] * w3)
        gates = (xg + jnp.dot(h, wh, preferred_element_type=jnp.float32)
                 + bias)
        i = 1.0 / (1.0 + jnp.exp(-gates[:, 0:16]))
        f = 1.0 / (1.0 + jnp.exp(-gates[:, 16:32]))
        g = jnp.tanh(gates[:, 32:48])
        o = 1.0 / (1.0 + jnp.exp(-gates[:, 48:64]))
        c_new = f * c + i * g
        h_new = o * jnp.tanh(c_new)
        h = jnp.where(mask, h_new, h)
        c = jnp.where(mask, c_new, c)
    out_ref[...] = h


def _lstm(t_x, t_rel, t_ts, cnt3, wx8, wh, bias):
    gblk = 1024
    return pl.pallas_call(
        _lstm_body,
        grid=(GG // gblk,),
        in_specs=[
            pl.BlockSpec((gblk, MAXEV), lambda i: (i, 0)),
            pl.BlockSpec((gblk, MAXEV), lambda i: (i, 0)),
            pl.BlockSpec((gblk, TSLOT), lambda i: (i, 0)),
            pl.BlockSpec((1, gblk, 1), lambda i: (i, 0, 0)),
            pl.BlockSpec((8, 64), lambda i: (0, 0)),
            pl.BlockSpec((16, 64), lambda i: (0, 0)),
            pl.BlockSpec((1, 64), lambda i: (0, 0)),
        ],
        out_specs=pl.BlockSpec((gblk, 16), lambda i: (i, 0)),
        out_shape=jax.ShapeDtypeStruct((GG, 16), jnp.float32),
        compiler_params=pltpu.CompilerParams(
            dimension_semantics=("parallel",)),
    )(t_x, t_rel, t_ts, cnt3, wx8, wh, bias)


def kernel(x, coords, ts, lengths, W_ih, W_hh, b_ih, b_hh):
    cx = coords[..., 0].astype(jnp.int32)
    cy = coords[..., 1].astype(jnp.int32)
    valid = (jnp.arange(NN)[None, :] < lengths[:, None]).astype(jnp.float32)
    xs = x[..., 0]
    tss = ts[..., 0]
    row = lambda a: a.reshape(BB, 1, NN)
    dest3, dest33, rel, cnt = _binning(row(cx), row(cy), row(valid))
    wrk = lambda a: a.reshape(NW, NIDX, IDXW)
    t_x, t_rel, t_ts = _scatter_feats(
        wrk(dest3), wrk(dest33), wrk(xs), wrk(rel), wrk(tss))
    wx8 = jnp.pad(W_ih.T, ((0, 4), (0, 0)))
    bias = (b_ih + b_hh).reshape(1, 64)
    h = _lstm(t_x[:GG * MAXEV].reshape(GG, MAXEV),
              t_rel[:GG * MAXEV].reshape(GG, MAXEV),
              t_ts[:GG * TSLOT].reshape(GG, TSLOT),
              cnt.reshape(BB, NRF, 1), wx8, W_hh.T, bias)
    return h.reshape(BB, 32, 32, 16)

# --- scband reference (transcript-rebuilt; emitter-appended) ---
"""Pipeline reference for scband-matrix-lstm-87746181857605 (READ-ONLY COPY).

The authoritative reference and input builder live on the scoring server;
editing this copy changes nothing except your own understanding.
"""

import jax, jax.numpy as jnp
import numpy as np

H_IN, W_IN = 64, 64
KH, KW = 2, 2
OUT_H, OUT_W = H_IN // KH, W_IN // KW
NUM_RF = OUT_H * OUT_W
MAX_EV = 32
HIDDEN = 16
IN_FEAT = 4  # 1 polarity feature + 2 relative coords + 1 time delay
B, N = 8, 8192


def setup_inputs(seed: int = 0) -> dict:
    key = jax.random.key(seed)
    ks = jax.random.split(key, 8)
    x = jax.random.normal(ks[0], (B, N, 1), dtype=jnp.float32)
    coords = jax.random.randint(ks[1], (B, N, 2), 0, 64)
    ts = jnp.sort(jax.random.uniform(ks[2], (B, N, 1), dtype=jnp.float32), axis=1)
    lengths = jax.random.randint(ks[3], (B,), N // 2, N)
    s = 1.0 / np.sqrt(HIDDEN)
    W_ih = jax.random.uniform(ks[4], (4 * HIDDEN, IN_FEAT), minval=-s, maxval=s, dtype=jnp.float32)
    W_hh = jax.random.uniform(ks[5], (4 * HIDDEN, HIDDEN), minval=-s, maxval=s, dtype=jnp.float32)
    b_ih = jax.random.uniform(ks[6], (4 * HIDDEN,), minval=-s, maxval=s, dtype=jnp.float32)
    b_hh = jax.random.uniform(ks[7], (4 * HIDDEN,), minval=-s, maxval=s, dtype=jnp.float32)
    return {"x": x, "coords": coords, "ts": ts, "lengths": lengths,
            "W_ih": W_ih, "W_hh": W_hh, "b_ih": b_ih, "b_hh": b_hh}


def _matrix_lstm(x, ts, W_ih, W_hh, b_ih, b_hh, coords, lengths):
    G = B * NUM_RF
    ev = jnp.arange(N)
    valid = ev[None, :] < lengths[:, None]  # [B, N]
    cx = coords[..., 0]
    cy = coords[..., 1]
    rx = cx // KW
    ry = cy // KH
    rf = ry * OUT_W + rx  # pixel2rf for non-overlapping 2x2 RFs
    grf = jnp.arange(B)[:, None] * NUM_RF + rf
    grf = jnp.where(valid, grf, G)  # dump slot for padded events
    grf_f = grf.reshape(-1)
    # stable sort by RF id preserves temporal order inside each RF
    order = jnp.argsort(grf_f)
    srf = grf_f[order]
    idx = jnp.arange(B * N)
    start = jnp.searchsorted(srf, srf, side='left')
    end = jnp.searchsorted(srf, srf, side='right')
    rank = idx - start
    count = end - start
    eff_len = jnp.minimum(count, MAX_EV)
    shift = count - eff_len
    nrank = rank - shift  # keep_most_recent=True: drop oldest overflow events
    keep = (nrank >= 0) & (srf < G)
    # gather event features in sorted order
    x_s = x.reshape(-1, 1)[order]
    ts_s = ts.reshape(-1)[order]
    relx = (cx - rx * KW).astype(jnp.float32).reshape(-1)[order]
    rely = (cy - ry * KH).astype(jnp.float32).reshape(-1)[order]
    prev_ts = jnp.concatenate([ts_s[:1], ts_s[:-1]])
    delay = jnp.where(rank > 0, ts_s - prev_ts, 0.0)
    # normalize_relative: scale delays by per-RF max delay
    maxd = jax.ops.segment_max(jnp.where(keep, delay, 0.0), srf, num_segments=G + 1)
    maxd = jnp.maximum(maxd, 1e-9)
    delay = delay / maxd[srf]
    feats = jnp.concatenate([x_s, relx[:, None], rely[:, None], delay[:, None]], axis=1)
    # densify: scatter events into [G+1, MAX_EV, F]
    g_idx = jnp.where(keep, srf, G)
    r_idx = jnp.clip(nrank, 0, MAX_EV - 1)
    dense = jnp.zeros((G + 1, MAX_EV, IN_FEAT), jnp.float32).at[g_idx, r_idx].set(
        jnp.where(keep[:, None], feats, 0.0))
    lens = jax.ops.segment_sum(keep.astype(jnp.int32), srf, num_segments=G + 1)
    # shared LSTM over each RF event sequence (PyTorch gate order i,f,g,o)
    xs = jnp.transpose(dense, (1, 0, 2))  # [MAX_EV, G+1, F]

    def step(carry, inp):
        h, c = carry
        t, xt = inp
        gates = xt @ W_ih.T + b_ih + h @ W_hh.T + b_hh
        i, f, g, o = jnp.split(gates, 4, axis=1)
        i = jax.nn.sigmoid(i)
        f = jax.nn.sigmoid(f)
        g = jnp.tanh(g)
        o = jax.nn.sigmoid(o)
        c_new = f * c + i * g
        h_new = o * jnp.tanh(c_new)
        m = (t < lens)[:, None].astype(jnp.float32)
        h = m * h_new + (1.0 - m) * h
        c = m * c_new + (1.0 - m) * c
        return (h, c), None

    h0 = jnp.zeros((G + 1, HIDDEN), jnp.float32)
    (h, c), _ = jax.lax.scan(step, (h0, h0), (jnp.arange(MAX_EV), xs))
    out = h[:G].reshape(B, OUT_H, OUT_W, HIDDEN)
    return out


def reference(x, coords, ts, lengths, W_ih, W_hh, b_ih, b_hh):
    return _matrix_lstm(x, ts, W_ih, W_hh, b_ih, b_hh, coords, lengths)

if __name__ == "__main__":
    import jax
    _d = setup_inputs()
    print(jax.jit(kernel)(*tuple(_d.values())))

</pallas_src>

<mosaic_0001>
#map = affine_map<(d0, d1) -> (0, 0, 0)>
#map1 = affine_map<(d0, d1) -> (0)>
module attributes {stable_mosaic.version = 14 : i64} {
  func.func @k(%arg0: i32, %arg1: i32, %arg2: memref<32x16x128xi32, #tpu.memory_space<hbm>>, %arg3: memref<32x16x128xi32, #tpu.memory_space<hbm>>, %arg4: memref<32x16x128xf32, #tpu.memory_space<hbm>>, %arg5: memref<32x16x128xf32, #tpu.memory_space<hbm>>, %arg6: memref<32x16x128xf32, #tpu.memory_space<hbm>>, %arg7: memref<327680xf32, #tpu.memory_space<hbm>>, %arg8: memref<327680xf32, #tpu.memory_space<hbm>>, %arg9: memref<335872xf32, #tpu.memory_space<hbm>>, %arg10: memref<16x128xi32, #tpu.memory_space<vmem>>, %arg11: memref<16x128xi32, #tpu.memory_space<vmem>>, %arg12: memref<16x128xf32, #tpu.memory_space<vmem>>, %arg13: memref<16x128xf32, #tpu.memory_space<vmem>>, %arg14: memref<16x128xf32, #tpu.memory_space<vmem>>, %arg15: memref<!tpu.dma_semaphore, #tpu.memory_space<semaphore_mem>>) attributes {dimension_semantics = [#tpu.dimension_semantics<core_parallel>, #tpu.dimension_semantics<subcore_parallel>], iteration_bounds = array<i64: 2, 16>, scalar_prefetch = 0 : i64, scratch_operands = 6 : i64, tpu.core_type = #tpu.core_type<sc_vector_subcore>, window_params = [{transform_indices = #map}, {transform_indices = #map}, {transform_indices = #map}, {transform_indices = #map}, {transform_indices = #map}, {transform_indices = #map1}, {transform_indices = #map1}, {transform_indices = #map1}]} {
    %mul3A = arith.constant 2 : i32
    %mul3A_0 = arith.muli %arg1, %mul3A : i32
    %add3A = arith.addi %mul3A_0, %arg0 : i32
    "tpu.region"() ({
      %run_scoped3A = tpu.sem_alloc : memref<!tpu.dma_semaphore, #tpu.memory_space<semaphore_mem>>
      %dma_start3A = arith.constant 0 : i32
      %dma_start3A_7 = arith.constant 0 : i32
      %dma_start3A_8 = tpu.memref_slice %arg2[%add3A, %dma_start3A, %dma_start3A_7] : memref<32x16x128xi32, #tpu.memory_space<hbm>> -> memref<1x16x128xi32, #tpu.memory_space<hbm>>
      %dma_start3A_9 = tpu.memref_squeeze %dma_start3A_8 : memref<1x16x128xi32, #tpu.memory_space<hbm>> -> memref<16x128xi32, #tpu.memory_space<hbm>>
      %dma_start3A_10 = arith.constant 0 : i32
      %dma_start3A_11 = arith.constant 0 : i32
      %dma_start3A_12 = tpu.memref_slice %arg2[%add3A, %dma_start3A_10, %dma_start3A_11] : memref<32x16x128xi32, #tpu.memory_space<hbm>> -> memref<1x16x128xi32, #tpu.memory_space<hbm>>
      %dma_start3A_13 = tpu.memref_squeeze %dma_start3A_12 : memref<1x16x128xi32, #tpu.memory_space<hbm>> -> memref<16x128xi32, #tpu.memory_space<hbm>>
      tpu.enqueue_dma source(%dma_start3A_13 : memref<16x128xi32, #tpu.memory_space<hbm>>) target(%arg10 : memref<16x128xi32, #tpu.memory_space<vmem>>) target_semaphore(%run_scoped3A : memref<!tpu.dma_semaphore, #tpu.memory_space<semaphore_mem>>)
      %dma_wait3A = arith.constant 0 : i32
      %dma_wait3A_14 = arith.constant 0 : i32
      %dma_wait3A_15 = tpu.memref_slice %arg2[%add3A, %dma_wait3A, %dma_wait3A_14] : memref<32x16x128xi32, #tpu.memory_space<hbm>> -> memref<1x16x128xi32, #tpu.memory_space<hbm>>
      %dma_wait3A_16 = tpu.memref_squeeze %dma_wait3A_15 : memref<1x16x128xi32, #tpu.memory_space<hbm>> -> memref<16x128xi32, #tpu.memory_space<hbm>>
      %dma_wait3A_17 = arith.constant 0 : i32
      %dma_wait3A_18 = arith.constant 0 : i32
      %dma_wait3A_19 = tpu.memref_slice %arg2[%add3A, %dma_wait3A_17, %dma_wait3A_18] : memref<32x16x128xi32, #tpu.memory_space<hbm>> -> memref<1x16x128xi32, #tpu.memory_space<hbm>>
      %dma_wait3A_20 = tpu.memref_squeeze %dma_wait3A_19 : memref<1x16x128xi32, #tpu.memory_space<hbm>> -> memref<16x128xi32, #tpu.memory_space<hbm>>
      tpu.wait_dma2 semaphore(%run_scoped3A : memref<!tpu.dma_semaphore, #tpu.memory_space<semaphore_mem>>) src(%dma_wait3A_20 : memref<16x128xi32, #tpu.memory_space<hbm>>) dst(%arg10 : memref<16x128xi32, #tpu.memory_space<vmem>>)
      tpu.yield
    }) : () -> ()
    "tpu.region"() ({
      %run_scoped3A = tpu.sem_alloc : memref<!tpu.dma_semaphore, #tpu.memory_space<semaphore_mem>>
      %dma_start3A = arith.constant 0 : i32
      %dma_start3A_7 = arith.constant 0 : i32
      %dma_start3A_8 = tpu.memref_slice %arg3[%add3A, %dma_start3A, %dma_start3A_7] : memref<32x16x128xi32, #tpu.memory_space<hbm>> -> memref<1x16x128xi32, #tpu.memory_space<hbm>>
      %dma_start3A_9 = tpu.memref_squeeze %dma_start3A_8 : memref<1x16x128xi32, #tpu.memory_space<hbm>> -> memref<16x128xi32, #tpu.memory_space<hbm>>
      %dma_start3A_10 = arith.constant 0 : i32
      %dma_start3A_11 = arith.constant 0 : i32
      %dma_start3A_12 = tpu.memref_slice %arg3[%add3A, %dma_start3A_10, %dma_start3A_11] : memref<32x16x128xi32, #tpu.memory_space<hbm>> -> memref<1x16x128xi32, #tpu.memory_space<hbm>>
      %dma_start3A_13 = tpu.memref_squeeze %dma_start3A_12 : memref<1x16x128xi32, #tpu.memory_space<hbm>> -> memref<16x128xi32, #tpu.memory_space<hbm>>
      tpu.enqueue_dma source(%dma_start3A_13 : memref<16x128xi32, #tpu.memory_space<hbm>>) target(%arg11 : memref<16x128xi32, #tpu.memory_space<vmem>>) target_semaphore(%run_scoped3A : memref<!tpu.dma_semaphore, #tpu.memory_space<semaphore_mem>>)
      %dma_wait3A = arith.constant 0 : i32
      %dma_wait3A_14 = arith.constant 0 : i32
      %dma_wait3A_15 = tpu.memref_slice %arg3[%add3A, %dma_wait3A, %dma_wait3A_14] : memref<32x16x128xi32, #tpu.memory_space<hbm>> -> memref<1x16x128xi32, #tpu.memory_space<hbm>>
      %dma_wait3A_16 = tpu.memref_squeeze %dma_wait3A_15 : memref<1x16x128xi32, #tpu.memory_space<hbm>> -> memref<16x128xi32, #tpu.memory_space<hbm>>
      %dma_wait3A_17 = arith.constant 0 : i32
      %dma_wait3A_18 = arith.constant 0 : i32
      %dma_wait3A_19 = tpu.memref_slice %arg3[%add3A, %dma_wait3A_17, %dma_wait3A_18] : memref<32x16x128xi32, #tpu.memory_space<hbm>> -> memref<1x16x128xi32, #tpu.memory_space<hbm>>
      %dma_wait3A_20 = tpu.memref_squeeze %dma_wait3A_19 : memref<1x16x128xi32, #tpu.memory_space<hbm>> -> memref<16x128xi32, #tpu.memory_space<hbm>>
      tpu.wait_dma2 semaphore(%run_scoped3A : memref<!tpu.dma_semaphore, #tpu.memory_space<semaphore_mem>>) src(%dma_wait3A_20 : memref<16x128xi32, #tpu.memory_space<hbm>>) dst(%arg11 : memref<16x128xi32, #tpu.memory_space<vmem>>)
      tpu.yield
    }) : () -> ()
    "tpu.region"() ({
      %run_scoped3A = tpu.sem_alloc : memref<!tpu.dma_semaphore, #tpu.memory_space<semaphore_mem>>
      %dma_start3A = arith.constant 0 : i32
      %dma_start3A_7 = arith.constant 0 : i32
      %dma_start3A_8 = tpu.memref_slice %arg4[%add3A, %dma_start3A, %dma_start3A_7] : memref<32x16x128xf32, #tpu.memory_space<hbm>> -> memref<1x16x128xf32, #tpu.memory_space<hbm>>
      %dma_start3A_9 = tpu.memref_squeeze %dma_start3A_8 : memref<1x16x128xf32, #tpu.memory_space<hbm>> -> memref<16x128xf32, #tpu.memory_space<hbm>>
      %dma_start3A_10 = arith.constant 0 : i32
      %dma_start3A_11 = arith.constant 0 : i32
      %dma_start3A_12 = tpu.memref_slice %arg4[%add3A, %dma_start3A_10, %dma_start3A_11] : memref<32x16x128xf32, #tpu.memory_space<hbm>> -> memref<1x16x128xf32, #tpu.memory_space<hbm>>
      %dma_start3A_13 = tpu.memref_squeeze %dma_start3A_12 : memref<1x16x128xf32, #tpu.memory_space<hbm>> -> memref<16x128xf32, #tpu.memory_space<hbm>>
      tpu.enqueue_dma source(%dma_start3A_13 : memref<16x128xf32, #tpu.memory_space<hbm>>) target(%arg12 : memref<16x128xf32, #tpu.memory_space<vmem>>) target_semaphore(%run_scoped3A : memref<!tpu.dma_semaphore, #tpu.memory_space<semaphore_mem>>)
      %dma_wait3A = arith.constant 0 : i32
      %dma_wait3A_14 = arith.constant 0 : i32
      %dma_wait3A_15 = tpu.memref_slice %arg4[%add3A, %dma_wait3A, %dma_wait3A_14] : memref<32x16x128xf32, #tpu.memory_space<hbm>> -> memref<1x16x128xf32, #tpu.memory_space<hbm>>
      %dma_wait3A_16 = tpu.memref_squeeze %dma_wait3A_15 : memref<1x16x128xf32, #tpu.memory_space<hbm>> -> memref<16x128xf32, #tpu.memory_space<hbm>>
      %dma_wait3A_17 = arith.constant 0 : i32
      %dma_wait3A_18 = arith.constant 0 : i32
      %dma_wait3A_19 = tpu.memref_slice %arg4[%add3A, %dma_wait3A_17, %dma_wait3A_18] : memref<32x16x128xf32, #tpu.memory_space<hbm>> -> memref<1x16x128xf32, #tpu.memory_space<hbm>>
      %dma_wait3A_20 = tpu.memref_squeeze %dma_wait3A_19 : memref<1x16x128xf32, #tpu.memory_space<hbm>> -> memref<16x128xf32, #tpu.memory_space<hbm>>
      tpu.wait_dma2 semaphore(%run_scoped3A : memref<!tpu.dma_semaphore, #tpu.memory_space<semaphore_mem>>) src(%dma_wait3A_20 : memref<16x128xf32, #tpu.memory_space<hbm>>) dst(%arg12 : memref<16x128xf32, #tpu.memory_space<vmem>>)
      tpu.yield
    }) : () -> ()
    "tpu.region"() ({
      %run_scoped3A = tpu.sem_alloc : memref<!tpu.dma_semaphore, #tpu.memory_space<semaphore_mem>>
      %dma_start3A = arith.constant 0 : i32
      %dma_start3A_7 = arith.constant 0 : i32
      %dma_start3A_8 = tpu.memref_slice %arg5[%add3A, %dma_start3A, %dma_start3A_7] : memref<32x16x128xf32, #tpu.memory_space<hbm>> -> memref<1x16x128xf32, #tpu.memory_space<hbm>>
      %dma_start3A_9 = tpu.memref_squeeze %dma_start3A_8 : memref<1x16x128xf32, #tpu.memory_space<hbm>> -> memref<16x128xf32, #tpu.memory_space<hbm>>
      %dma_start3A_10 = arith.constant 0 : i32
      %dma_start3A_11 = arith.constant 0 : i32
      %dma_start3A_12 = tpu.memref_slice %arg5[%add3A, %dma_start3A_10, %dma_start3A_11] : memref<32x16x128xf32, #tpu.memory_space<hbm>> -> memref<1x16x128xf32, #tpu.memory_space<hbm>>
      %dma_start3A_13 = tpu.memref_squeeze %dma_start3A_12 : memref<1x16x128xf32, #tpu.memory_space<hbm>> -> memref<16x128xf32, #tpu.memory_space<hbm>>
      tpu.enqueue_dma source(%dma_start3A_13 : memref<16x128xf32, #tpu.memory_space<hbm>>) target(%arg13 : memref<16x128xf32, #tpu.memory_space<vmem>>) target_semaphore(%run_scoped3A : memref<!tpu.dma_semaphore, #tpu.memory_space<semaphore_mem>>)
      %dma_wait3A = arith.constant 0 : i32
      %dma_wait3A_14 = arith.constant 0 : i32
      %dma_wait3A_15 = tpu.memref_slice %arg5[%add3A, %dma_wait3A, %dma_wait3A_14] : memref<32x16x128xf32, #tpu.memory_space<hbm>> -> memref<1x16x128xf32, #tpu.memory_space<hbm>>
      %dma_wait3A_16 = tpu.memref_squeeze %dma_wait3A_15 : memref<1x16x128xf32, #tpu.memory_space<hbm>> -> memref<16x128xf32, #tpu.memory_space<hbm>>
      %dma_wait3A_17 = arith.constant 0 : i32
      %dma_wait3A_18 = arith.constant 0 : i32
      %dma_wait3A_19 = tpu.memref_slice %arg5[%add3A, %dma_wait3A_17, %dma_wait3A_18] : memref<32x16x128xf32, #tpu.memory_space<hbm>> -> memref<1x16x128xf32, #tpu.memory_space<hbm>>
      %dma_wait3A_20 = tpu.memref_squeeze %dma_wait3A_19 : memref<1x16x128xf32, #tpu.memory_space<hbm>> -> memref<16x128xf32, #tpu.memory_space<hbm>>
      tpu.wait_dma2 semaphore(%run_scoped3A : memref<!tpu.dma_semaphore, #tpu.memory_space<semaphore_mem>>) src(%dma_wait3A_20 : memref<16x128xf32, #tpu.memory_space<hbm>>) dst(%arg13 : memref<16x128xf32, #tpu.memory_space<vmem>>)
      tpu.yield
    }) : () -> ()
    "tpu.region"() ({
      %run_scoped3A = tpu.sem_alloc : memref<!tpu.dma_semaphore, #tpu.memory_space<semaphore_mem>>
      %dma_start3A = arith.constant 0 : i32
      %dma_start3A_7 = arith.constant 0 : i32
      %dma_start3A_8 = tpu.memref_slice %arg6[%add3A, %dma_start3A, %dma_start3A_7] : memref<32x16x128xf32, #tpu.memory_space<hbm>> -> memref<1x16x128xf32, #tpu.memory_space<hbm>>
      %dma_start3A_9 = tpu.memref_squeeze %dma_start3A_8 : memref<1x16x128xf32, #tpu.memory_space<hbm>> -> memref<16x128xf32, #tpu.memory_space<hbm>>
      %dma_start3A_10 = arith.constant 0 : i32
      %dma_start3A_11 = arith.constant 0 : i32
      %dma_start3A_12 = tpu.memref_slice %arg6[%add3A, %dma_start3A_10, %dma_start3A_11] : memref<32x16x128xf32, #tpu.memory_space<hbm>> -> memref<1x16x128xf32, #tpu.memory_space<hbm>>
      %dma_start3A_13 = tpu.memref_squeeze %dma_start3A_12 : memref<1x16x128xf32, #tpu.memory_space<hbm>> -> memref<16x128xf32, #tpu.memory_space<hbm>>
      tpu.enqueue_dma source(%dma_start3A_13 : memref<16x128xf32, #tpu.memory_space<hbm>>) target(%arg14 : memref<16x128xf32, #tpu.memory_space<vmem>>) target_semaphore(%run_scoped3A : memref<!tpu.dma_semaphore, #tpu.memory_space<semaphore_mem>>)
      %dma_wait3A = arith.constant 0 : i32
      %dma_wait3A_14 = arith.constant 0 : i32
      %dma_wait3A_15 = tpu.memref_slice %arg6[%add3A, %dma_wait3A, %dma_wait3A_14] : memref<32x16x128xf32, #tpu.memory_space<hbm>> -> memref<1x16x128xf32, #tpu.memory_space<hbm>>
      %dma_wait3A_16 = tpu.memref_squeeze %dma_wait3A_15 : memref<1x16x128xf32, #tpu.memory_space<hbm>> -> memref<16x128xf32, #tpu.memory_space<hbm>>
      %dma_wait3A_17 = arith.constant 0 : i32
      %dma_wait3A_18 = arith.constant 0 : i32
      %dma_wait3A_19 = tpu.memref_slice %arg6[%add3A, %dma_wait3A_17, %dma_wait3A_18] : memref<32x16x128xf32, #tpu.memory_space<hbm>> -> memref<1x16x128xf32, #tpu.memory_space<hbm>>
      %dma_wait3A_20 = tpu.memref_squeeze %dma_wait3A_19 : memref<1x16x128xf32, #tpu.memory_space<hbm>> -> memref<16x128xf32, #tpu.memory_space<hbm>>
      tpu.wait_dma2 semaphore(%run_scoped3A : memref<!tpu.dma_semaphore, #tpu.memory_space<semaphore_mem>>) src(%dma_wait3A_20 : memref<16x128xf32, #tpu.memory_space<hbm>>) dst(%arg14 : memref<16x128xf32, #tpu.memory_space<vmem>>)
      tpu.yield
    }) : () -> ()
    %scan3A = arith.constant 0 : i32
    %scan3A_1 = arith.constant 0 : i32
    %scan3A_2 = arith.constant 16 : i32
    %scan3A_3 = arith.addi %scan3A_1, %scan3A_2 : i32
    %scan3A_4 = arith.constant 1 : i32
    %scan3A_5 = scf.for %scan3A_7 = %scan3A_1 to %scan3A_3 step %scan3A_4 iter_args(%scan3A_8 = %scan3A) -> (i32)  : i32 {
      %dma_start3A = arith.constant 0 : i32
      %dma_start3A_9 = tpu.memref_slice %arg12[%scan3A_7, %dma_start3A] : memref<16x128xf32, #tpu.memory_space<vmem>> -> memref<1x128xf32, #tpu.memory_space<vmem>>
      %dma_start3A_10 = tpu.memref_squeeze %dma_start3A_9 : memref<1x128xf32, #tpu.memory_space<vmem>> -> memref<128xf32, #tpu.memory_space<vmem>>
      %dma_start3A_11 = arith.constant 0 : i32
      %dma_start3A_12 = tpu.memref_slice %arg10[%scan3A_7, %dma_start3A_11] : memref<16x128xi32, #tpu.memory_space<vmem>> -> memref<1x128xi32, #tpu.memory_space<vmem>>
      %dma_start3A_13 = tpu.memref_squeeze %dma_start3A_12 : memref<1x128xi32, #tpu.memory_space<vmem>> -> memref<128xi32, #tpu.memory_space<vmem>>
      %dma_start3A_14 = arith.constant 0 : i32
      %dma_start3A_15 = tpu.memref_slice %arg7[%dma_start3A_14] : memref<327680xf32, #tpu.memory_space<hbm>> -> memref<327680xf32, #tpu.memory_space<hbm>>
      tpu.enqueue_indirect_dma source(%dma_start3A_10 : memref<128xf32, #tpu.memory_space<vmem>>) target(%dma_start3A_15 : memref<327680xf32, #tpu.memory_space<hbm>>) offsets(%dma_start3A_13 : memref<128xi32, #tpu.memory_space<vmem>>) semaphore(%arg15 : memref<!tpu.dma_semaphore, #tpu.memory_space<semaphore_mem>>)
      %dma_start3A_16 = arith.constant 0 : i32
      %dma_start3A_17 = tpu.memref_slice %arg13[%scan3A_7, %dma_start3A_16] : memref<16x128xf32, #tpu.memory_space<vmem>> -> memref<1x128xf32, #tpu.memory_space<vmem>>
      %dma_start3A_18 = tpu.memref_squeeze %dma_start3A_17 : memref<1x128xf32, #tpu.memory_space<vmem>> -> memref<128xf32, #tpu.memory_space<vmem>>
      %dma_start3A_19 = arith.constant 0 : i32
      %dma_start3A_20 = tpu.memref_slice %arg10[%scan3A_7, %dma_start3A_19] : memref<16x128xi32, #tpu.memory_space<vmem>> -> memref<1x128xi32, #tpu.memory_space<vmem>>
      %dma_start3A_21 = tpu.memref_squeeze %dma_start3A_20 : memref<1x128xi32, #tpu.memory_space<vmem>> -> memref<128xi32, #tpu.memory_space<vmem>>
      %dma_start3A_22 = arith.constant 0 : i32
      %dma_start3A_23 = tpu.memref_slice %arg8[%dma_start3A_22] : memref<327680xf32, #tpu.memory_space<hbm>> -> memref<327680xf32, #tpu.memory_space<hbm>>
      tpu.enqueue_indirect_dma source(%dma_start3A_18 : memref<128xf32, #tpu.memory_space<vmem>>) target(%dma_start3A_23 : memref<327680xf32, #tpu.memory_space<hbm>>) offsets(%dma_start3A_21 : memref<128xi32, #tpu.memory_space<vmem>>) semaphore(%arg15 : memref<!tpu.dma_semaphore, #tpu.memory_space<semaphore_mem>>)
      %dma_start3A_24 = arith.constant 0 : i32
      %dma_start3A_25 = tpu.memref_slice %arg14[%scan3A_7, %dma_start3A_24] : memref<16x128xf32, #tpu.memory_space<vmem>> -> memref<1x128xf32, #tpu.memory_space<vmem>>
      %dma_start3A_26 = tpu.memref_squeeze %dma_start3A_25 : memref<1x128xf32, #tpu.memory_space<vmem>> -> memref<128xf32, #tpu.memory_space<vmem>>
      %dma_start3A_27 = arith.constant 0 : i32
      %dma_start3A_28 = tpu.memref_slice %arg11[%scan3A_7, %dma_start3A_27] : memref<16x128xi32, #tpu.memory_space<vmem>> -> memref<1x128xi32, #tpu.memory_space<vmem>>
      %dma_start3A_29 = tpu.memref_squeeze %dma_start3A_28 : memref<1x128xi32, #tpu.memory_space<vmem>> -> memref<128xi32, #tpu.memory_space<vmem>>
      %dma_start3A_30 = arith.constant 0 : i32
      %dma_start3A_31 = tpu.memref_slice %arg9[%dma_start3A_30] : memref<335872xf32, #tpu.memory_space<hbm>> -> memref<335872xf32, #tpu.memory_space<hbm>>
      tpu.enqueue_indirect_dma source(%dma_start3A_26 : memref<128xf32, #tpu.memory_space<vmem>>) target(%dma_start3A_31 : memref<335872xf32, #tpu.memory_space<hbm>>) offsets(%dma_start3A_29 : memref<128xi32, #tpu.memory_space<vmem>>) semaphore(%arg15 : memref<!tpu.dma_semaphore, #tpu.memory_space<semaphore_mem>>)
      %dma_wait3A = arith.constant 0 : i32
      %dma_wait3A_32 = tpu.memref_slice %arg12[%scan3A_7, %dma_wait3A] : memref<16x128xf32, #tpu.memory_space<vmem>> -> memref<1x128xf32, #tpu.memory_space<vmem>>
      %dma_wait3A_33 = tpu.memref_squeeze %dma_wait3A_32 : memref<1x128xf32, #tpu.memory_space<vmem>> -> memref<128xf32, #tpu.memory_space<vmem>>
      %dma_wait3A_34 = arith.constant 0 : i32
      %dma_wait3A_35 = tpu.memref_slice %arg10[%scan3A_7, %dma_wait3A_34] : memref<16x128xi32, #tpu.memory_space<vmem>> -> memref<1x128xi32, #tpu.memory_space<vmem>>
      %dma_wait3A_36 = tpu.memref_squeeze %dma_wait3A_35 : memref<1x128xi32, #tpu.memory_space<vmem>> -> memref<128xi32, #tpu.memory_space<vmem>>
      %dma_wait3A_37 = arith.constant 0 : i32
      %dma_wait3A_38 = tpu.memref_slice %arg7[%dma_wait3A_37] : memref<327680xf32, #tpu.memory_space<hbm>> -> memref<327680xf32, #tpu.memory_space<hbm>>
      tpu.wait_indirect_dma semaphore(%arg15 : memref<!tpu.dma_semaphore, #tpu.memory_space<semaphore_mem>>) src(%dma_wait3A_33 : memref<128xf32, #tpu.memory_space<vmem>>) dst(%dma_wait3A_38 : memref<327680xf32, #tpu.memory_space<hbm>>)
      %dma_wait3A_39 = arith.constant 0 : i32
      %dma_wait3A_40 = tpu.memref_slice %arg13[%scan3A_7, %dma_wait3A_39] : memref<16x128xf32, #tpu.memory_space<vmem>> -> memref<1x128xf32, #tpu.memory_space<vmem>>
      %dma_wait3A_41 = tpu.memref_squeeze %dma_wait3A_40 : memref<1x128xf32, #tpu.memory_space<vmem>> -> memref<128xf32, #tpu.memory_space<vmem>>
      %dma_wait3A_42 = arith.constant 0 : i32
      %dma_wait3A_43 = tpu.memref_slice %arg10[%scan3A_7, %dma_wait3A_42] : memref<16x128xi32, #tpu.memory_space<vmem>> -> memref<1x128xi32, #tpu.memory_space<vmem>>
      %dma_wait3A_44 = tpu.memref_squeeze %dma_wait3A_43 : memref<1x128xi32, #tpu.memory_space<vmem>> -> memref<128xi32, #tpu.memory_space<vmem>>
      %dma_wait3A_45 = arith.constant 0 : i32
      %dma_wait3A_46 = tpu.memref_slice %arg8[%dma_wait3A_45] : memref<327680xf32, #tpu.memory_space<hbm>> -> memref<327680xf32, #tpu.memory_space<hbm>>
      tpu.wait_indirect_dma semaphore(%arg15 : memref<!tpu.dma_semaphore, #tpu.memory_space<semaphore_mem>>) src(%dma_wait3A_41 : memref<128xf32, #tpu.memory_space<vmem>>) dst(%dma_wait3A_46 : memref<327680xf32, #tpu.memory_space<hbm>>)
      %dma_wait3A_47 = arith.constant 0 : i32
      %dma_wait3A_48 = tpu.memref_slice %arg14[%scan3A_7, %dma_wait3A_47] : memref<16x128xf32, #tpu.memory_space<vmem>> -> memref<1x128xf32, #tpu.memory_space<vmem>>
      %dma_wait3A_49 = tpu.memref_squeeze %dma_wait3A_48 : memref<1x128xf32, #tpu.memory_space<vmem>> -> memref<128xf32, #tpu.memory_space<vmem>>
      %dma_wait3A_50 = arith.constant 0 : i32
      %dma_wait3A_51 = tpu.memref_slice %arg11[%scan3A_7, %dma_wait3A_50] : memref<16x128xi32, #tpu.memory_space<vmem>> -> memref<1x128xi32, #tpu.memory_space<vmem>>
      %dma_wait3A_52 = tpu.memref_squeeze %dma_wait3A_51 : memref<1x128xi32, #tpu.memory_space<vmem>> -> memref<128xi32, #tpu.memory_space<vmem>>
      %dma_wait3A_53 = arith.constant 0 : i32
      %dma_wait3A_54 = tpu.memref_slice %arg9[%dma_wait3A_53] : memref<335872xf32, #tpu.memory_space<hbm>> -> memref<335872xf32, #tpu.memory_space<hbm>>
      tpu.wait_indirect_dma semaphore(%arg15 : memref<!tpu.dma_semaphore, #tpu.memory_space<semaphore_mem>>) src(%dma_wait3A_49 : memref<128xf32, #tpu.memory_space<vmem>>) dst(%dma_wait3A_54 : memref<335872xf32, #tpu.memory_space<hbm>>)
      %scan3A_55 = arith.constant 0 : i32
      scf.yield %scan3A_55 : i32
    }
    %scan3A_6 = arith.constant 16 : i32
    return
  }
}

module attributes {stable_mosaic.version = 14 : i64} {
  func.func @_binning_body(%arg0: i32, %arg1: memref<1x1x8192xi32, #tpu.memory_space<vmem>>, %arg2: memref<1x1x8192xi32, #tpu.memory_space<vmem>>, %arg3: memref<1x1x8192xf32, #tpu.memory_space<vmem>>, %arg4: memref<1x1x8192xi32, #tpu.memory_space<vmem>>, %arg5: memref<1x1x8192xi32, #tpu.memory_space<vmem>>, %arg6: memref<1x1x8192xf32, #tpu.memory_space<vmem>>, %arg7: memref<1x32x32xf32, #tpu.memory_space<vmem>>, %arg8: memref<1x8192xf32, #tpu.memory_space<vmem>>) attributes {dimension_semantics = [#tpu.dimension_semantics<parallel>], iteration_bounds = array<i64: 8>, scalar_prefetch = 0 : i64, scratch_operands = 1 : i64, tpu.core_type = #tpu.core_type<tc>, window_params = [{transform_indices = @transform_0, window_bounds = array<i64: 1, 1, 8192>}, {transform_indices = @transform_1, window_bounds = array<i64: 1, 1, 8192>}, {transform_indices = @transform_2, window_bounds = array<i64: 1, 1, 8192>}, {transform_indices = @transform_3, window_bounds = array<i64: 1, 1, 8192>}, {transform_indices = @transform_4, window_bounds = array<i64: 1, 1, 8192>}, {transform_indices = @transform_5, window_bounds = array<i64: 1, 1, 8192>}, {transform_indices = @transform_6, window_bounds = array<i64: 1, 32, 32>}]} {
    %iota3A = tpu.iota {dimensions = array<i32: 1>} : vector<512x32xi32>
    %iota3A_0 = tpu.iota {dimensions = array<i32: 0>} : vector<32x512xi32>
    %iota3A_1 = tpu.iota {dimensions = array<i32: 0>} : vector<512x512xi32>
    %iota3A_2 = tpu.iota {dimensions = array<i32: 1>} : vector<512x512xi32>
    %lt3A = arith.cmpi slt, %iota3A_2, %iota3A_1 : vector<512x512xi32>
    %eq3A = arith.cmpi eq, %iota3A_2, %iota3A_1 : vector<512x512xi32>
    %broadcast_in_dim3A = arith.constant 0.000000e+00 : f32
    %broadcast_in_dim3A_3 = vector.broadcast %broadcast_in_dim3A : f32 to vector<32x32xf32>
    %scan3A = arith.constant 0 : i32
    %scan3A_4 = arith.constant 16 : i32
    %scan3A_5 = arith.addi %scan3A, %scan3A_4 : i32
    %scan3A_6 = arith.constant 1 : i32
    %scan3A_7 = scf.for %scan3A_25 = %scan3A to %scan3A_5 step %scan3A_6 iter_args(%scan3A_26 = %broadcast_in_dim3A_3) -> (vector<32x32xf32>)  : i32 {
      %mul3A = arith.constant 512 : i32
      %mul3A_27 = arith.muli %scan3A_25, %mul3A : i32
      %get3A = arith.constant 0 : index
      %get3A_28 = arith.constant 0 : index
      %get3A_29 = arith.index_cast %mul3A_27 : i32 to index
      %get3A_30 = vector.load %arg2[%get3A, %get3A_28, %get3A_29] : memref<1x1x8192xi32, #tpu.memory_space<vmem>>, vector<1x1x512xi32>
      %get3A_31 = vector.shape_cast %get3A_30 : vector<1x1x512xi32> to vector<1x512xi32>
      %jit3A = arith.constant 2 : i32
      %div3A = vector.broadcast %jit3A : i32 to vector<1x512xi32>
      %div3A_32 = arith.divsi %get3A_31, %div3A : vector<1x512xi32>
      %sign3A = arith.constant 0 : i32
      %sign3A_33 = vector.broadcast %sign3A : i32 to vector<1x512xi32>
      %sign3A_34 = arith.cmpi sgt, %get3A_31, %sign3A_33 : vector<1x512xi32>
      %sign3A_35 = arith.extui %sign3A_34 : vector<1x512xi1> to vector<1x512xi32>
      %sign3A_36 = arith.constant 0 : i32
      %sign3A_37 = vector.broadcast %sign3A_36 : i32 to vector<1x512xi32>
      %sign3A_38 = arith.cmpi slt, %get3A_31, %sign3A_37 : vector<1x512xi32>
      %sign3A_39 = arith.extui %sign3A_38 : vector<1x512xi1> to vector<1x512xi32>
      %sign3A_40 = arith.subi %sign3A_35, %sign3A_39 : vector<1x512xi32>
      %sign3A_41 = arith.constant 0 : i32
      %sign3A_42 = arith.cmpi sgt, %jit3A, %sign3A_41 : i32
      %sign3A_43 = arith.extui %sign3A_42 : i1 to i32
      %sign3A_44 = arith.constant 0 : i32
      %sign3A_45 = arith.cmpi slt, %jit3A, %sign3A_44 : i32
      %sign3A_46 = arith.extui %sign3A_45 : i1 to i32
      %sign3A_47 = arith.subi %sign3A_43, %sign3A_46 : i32
      %ne3A = vector.broadcast %sign3A_47 : i32 to vector<1x512xi32>
      %ne3A_48 = arith.cmpi ne, %sign3A_40, %ne3A : vector<1x512xi32>
      %rem3A = vector.broadcast %jit3A : i32 to vector<1x512xi32>
      %rem3A_49 = arith.remsi %get3A_31, %rem3A : vector<1x512xi32>
      %ne3A_50 = arith.constant 0 : i32
      %ne3A_51 = vector.broadcast %ne3A_50 : i32 to vector<1x512xi32>
      %ne3A_52 = arith.cmpi ne, %rem3A_49, %ne3A_51 : vector<1x512xi32>
      %and3A = arith.andi %ne3A_48, %ne3A_52 : vector<1x512xi1>
      %sub3A_53 = arith.constant 1 : i32
      %sub3A_54 = vector.broadcast %sub3A_53 : i32 to vector<1x512xi32>
      %sub3A_55 = arith.subi %div3A_32, %sub3A_54 : vector<1x512xi32>
      %select_n3A = arith.select %and3A, %sub3A_55, %div3A_32 : vector<1x512xi1>, vector<1x512xi32>
      %mul3A_56 = arith.constant 32 : i32
      %mul3A_57 = vector.broadcast %mul3A_56 : i32 to vector<1x512xi32>
      %mul3A_58 = arith.muli %select_n3A, %mul3A_57 : vector<1x512xi32>
      %get3A_59 = arith.constant 0 : index
      %get3A_60 = arith.constant 0 : index
      %get3A_61 = arith.index_cast %mul3A_27 : i32 to index
      %get3A_62 = vector.load %arg1[%get3A_59, %get3A_60, %get3A_61] : memref<1x1x8192xi32, #tpu.memory_space<vmem>>, vector<1x1x512xi32>
      %get3A_63 = vector.shape_cast %get3A_62 : vector<1x1x512xi32> to vector<1x512xi32>
      %jit3A_64 = arith.constant 2 : i32
      %div3A_65 = vector.broadcast %jit3A_64 : i32 to vector<1x512xi32>
      %div3A_66 = arith.divsi %get3A_63, %div3A_65 : vector<1x512xi32>
      %sign3A_67 = arith.constant 0 : i32
      %sign3A_68 = vector.broadcast %sign3A_67 : i32 to vector<1x512xi32>
      %sign3A_69 = arith.cmpi sgt, %get3A_63, %sign3A_68 : vector<1x512xi32>
      %sign3A_70 = arith.extui %sign3A_69 : vector<1x512xi1> to vector<1x512xi32>
      %sign3A_71 = arith.constant 0 : i32
      %sign3A_72 = vector.broadcast %sign3A_71 : i32 to vector<1x512xi32>
      %sign3A_73 = arith.cmpi slt, %get3A_63, %sign3A_72 : vector<1x512xi32>
      %sign3A_74 = arith.extui %sign3A_73 : vector<1x512xi1> to vector<1x512xi32>
      %sign3A_75 = arith.subi %sign3A_70, %sign3A_74 : vector<1x512xi32>
      %sign3A_76 = arith.constant 0 : i32
      %sign3A_77 = arith.cmpi sgt, %jit3A_64, %sign3A_76 : i32
      %sign3A_78 = arith.extui %sign3A_77 : i1 to i32
      %sign3A_79 = arith.constant 0 : i32
      %sign3A_80 = arith.cmpi slt, %jit3A_64, %sign3A_79 : i32
      %sign3A_81 = arith.extui %sign3A_80 : i1 to i32
      %sign3A_82 = arith.subi %sign3A_78, %sign3A_81 : i32
      %ne3A_83 = vector.broadcast %sign3A_82 : i32 to vector<1x512xi32>
      %ne3A_84 = arith.cmpi ne, %sign3A_75, %ne3A_83 : vector<1x512xi32>
      %rem3A_85 = vector.broadcast %jit3A_64 : i32 to vector<1x512xi32>
      %rem3A_86 = arith.remsi %get3A_63, %rem3A_85 : vector<1x512xi32>
      %ne3A_87 = arith.constant 0 : i32
      %ne3A_88 = vector.broadcast %ne3A_87 : i32 to vector<1x512xi32>
      %ne3A_89 = arith.cmpi ne, %rem3A_86, %ne3A_88 : vector<1x512xi32>
      %and3A_90 = arith.andi %ne3A_84, %ne3A_89 : vector<1x512xi1>
      %sub3A_91 = arith.constant 1 : i32
      %sub3A_92 = vector.broadcast %sub3A_91 : i32 to vector<1x512xi32>
      %sub3A_93 = arith.subi %div3A_66, %sub3A_92 : vector<1x512xi32>
      %select_n3A_94 = arith.select %and3A_90, %sub3A_93, %div3A_66 : vector<1x512xi1>, vector<1x512xi32>
      %add3A = arith.addi %mul3A_58, %select_n3A_94 : vector<1x512xi32>
      %get3A_95 = arith.constant 0 : index
      %get3A_96 = arith.constant 0 : index
      %get3A_97 = arith.index_cast %mul3A_27 : i32 to index
      %get3A_98 = vector.load %arg3[%get3A_95, %get3A_96, %get3A_97] : memref<1x1x8192xf32, #tpu.memory_space<vmem>>, vector<1x1x512xf32>
      %get3A_99 = vector.shape_cast %get3A_98 : vector<1x1x512xf32> to vector<1x512xf32>
      %gt3A = arith.constant 5.000000e-01 : f32
      %gt3A_100 = vector.broadcast %gt3A : f32 to vector<1x512xf32>
      %gt3A_101 = arith.cmpf ogt, %get3A_99, %gt3A_100 : vector<1x512xf32>
      %jit3A_102 = arith.constant 1024 : i32
      %broadcast_in_dim3A_103 = vector.broadcast %jit3A_102 : i32 to vector<1x512xi32>
      %select_n3A_104 = arith.select %gt3A_101, %add3A, %broadcast_in_dim3A_103 : vector<1x512xi1>, vector<1x512xi32>
      %jit3A_105 = arith.constant 0 : i32
      %broadcast_in_dim3A_106 = vector.shape_cast %select_n3A_104 : vector<1x512xi32> to vector<1x512xi32>
      %broadcast_in_dim3A_107 = vector.broadcast %broadcast_in_dim3A_106 : vector<1x512xi32> to vector<512x512xi32>
      %broadcast_in_dim3A_108 = vector.broadcast %jit3A_105 : i32 to vector<512x512xi32>
      %select_n3A_109 = arith.select %eq3A, %broadcast_in_dim3A_107, %broadcast_in_dim3A_108 : vector<512x512xi1>, vector<512x512xi32>
      %reduce_sum3A = arith.constant dense<0> : vector<512xi32>
      %reduce_sum3A_110 = vector.multi_reduction <add>, %select_n3A_109, %reduce_sum3A [1] : vector<512x512xi32> to vector<512xi32>
      %broadcast_in_dim3A_111 = vector.shape_cast %reduce_sum3A_110 : vector<512xi32> to vector<512x1xi32>
      %jit3A_112 = arith.constant 32 : i32
      %div3A_113 = vector.broadcast %jit3A_112 : i32 to vector<512x1xi32>
      %div3A_114 = arith.divsi %broadcast_in_dim3A_111, %div3A_113 : vector<512x1xi32>
      %sign3A_115 = arith.constant 0 : i32
      %sign3A_116 = vector.broadcast %sign3A_115 : i32 to vector<512x1xi32>
      %sign3A_117 = arith.cmpi sgt, %broadcast_in_dim3A_111, %sign3A_116 : vector<512x1xi32>
      %sign3A_118 = arith.extui %sign3A_117 : vector<512x1xi1> to vector<512x1xi32>
      %sign3A_119 = arith.constant 0 : i32
      %sign3A_120 = vector.broadcast %sign3A_119 : i32 to vector<512x1xi32>
      %sign3A_121 = arith.cmpi slt, %broadcast_in_dim3A_111, %sign3A_120 : vector<512x1xi32>
      %sign3A_122 = arith.extui %sign3A_121 : vector<512x1xi1> to vector<512x1xi32>
      %sign3A_123 = arith.subi %sign3A_118, %sign3A_122 : vector<512x1xi32>
      %sign3A_124 = arith.constant 0 : i32
      %sign3A_125 = arith.cmpi sgt, %jit3A_112, %sign3A_124 : i32
      %sign3A_126 = arith.extui %sign3A_125 : i1 to i32
      %sign3A_127 = arith.constant 0 : i32
      %sign3A_128 = arith.cmpi slt, %jit3A_112, %sign3A_127 : i32
      %sign3A_129 = arith.extui %sign3A_128 : i1 to i32
      %sign3A_130 = arith.subi %sign3A_126, %sign3A_129 : i32
      %ne3A_131 = vector.broadcast %sign3A_130 : i32 to vector<512x1xi32>
      %ne3A_132 = arith.cmpi ne, %sign3A_123, %ne3A_131 : vector<512x1xi32>
      %rem3A_133 = vector.broadcast %jit3A_112 : i32 to vector<512x1xi32>
      %rem3A_134 = arith.remsi %broadcast_in_dim3A_111, %rem3A_133 : vector<512x1xi32>
      %ne3A_135 = arith.constant 0 : i32
      %ne3A_136 = vector.broadcast %ne3A_135 : i32 to vector<512x1xi32>
      %ne3A_137 = arith.cmpi ne, %rem3A_134, %ne3A_136 : vector<512x1xi32>
      %and3A_138 = arith.andi %ne3A_132, %ne3A_137 : vector<512x1xi1>
      %sub3A_139 = arith.constant 1 : i32
      %sub3A_140 = vector.broadcast %sub3A_139 : i32 to vector<512x1xi32>
      %sub3A_141 = arith.subi %div3A_114, %sub3A_140 : vector<512x1xi32>
      %select_n3A_142 = arith.select %and3A_138, %sub3A_141, %div3A_114 : vector<512x1xi1>, vector<512x1xi32>
      %jit3A_143 = arith.constant 32 : i32
      %eq3A_144 = arith.constant 0 : i32
      %eq3A_145 = arith.cmpi eq, %jit3A_143, %eq3A_144 : i32
      %jit3A_146 = arith.constant 1 : i32
      %select_n3A_147 = arith.select %eq3A_145, %jit3A_146, %jit3A_143 : i32
      %rem3A_148 = vector.broadcast %select_n3A_147 : i32 to vector<512x1xi32>
      %rem3A_149 = arith.remsi %broadcast_in_dim3A_111, %rem3A_148 : vector<512x1xi32>
      %ne3A_150 = arith.constant 0 : i32
      %ne3A_151 = vector.broadcast %ne3A_150 : i32 to vector<512x1xi32>
      %ne3A_152 = arith.cmpi ne, %rem3A_149, %ne3A_151 : vector<512x1xi32>
      %lt3A_153 = arith.constant 0 : i32
      %lt3A_154 = vector.broadcast %lt3A_153 : i32 to vector<512x1xi32>
      %lt3A_155 = arith.cmpi slt, %rem3A_149, %lt3A_154 : vector<512x1xi32>
      %lt3A_156 = arith.constant 0 : i32
      %lt3A_157 = arith.cmpi slt, %select_n3A_147, %lt3A_156 : i32
      %ne3A_158 = vector.broadcast %lt3A_157 : i1 to vector<512x1xi1>
      %ne3A_159 = vector.broadcast %ne3A_158 : vector<512x1xi1> to vector<512x1xi1>
      %ne3A_160 = arith.xori %lt3A_155, %ne3A_159 : vector<512x1xi1>
      %and3A_161 = arith.andi %ne3A_160, %ne3A_152 : vector<512x1xi1>
      %add3A_162 = vector.broadcast %select_n3A_147 : i32 to vector<512x1xi32>
      %add3A_163 = arith.addi %rem3A_149, %add3A_162 : vector<512x1xi32>
      %select_n3A_164 = arith.select %and3A_161, %add3A_163, %rem3A_149 : vector<512x1xi1>, vector<512x1xi32>
      %eq3A_165 = vector.broadcast %broadcast_in_dim3A_111 : vector<512x1xi32> to vector<512x512xi32>
      %eq3A_166 = vector.broadcast %select_n3A_104 : vector<1x512xi32> to vector<512x512xi32>
      %eq3A_167 = arith.cmpi eq, %eq3A_165, %eq3A_166 : vector<512x512xi32>
      %and3A_168 = arith.andi %eq3A_167, %lt3A : vector<512x512xi1>
      %convert_element_type3A = arith.extui %and3A_168 : vector<512x512xi1> to vector<512x512xi32>
      %convert_element_type3A_169 = arith.sitofp %convert_element_type3A : vector<512x512xi32> to vector<512x512xf32>
      %reduce_sum3A_170 = arith.constant dense<0.000000e+00> : vector<512xf32>
      %reduce_sum3A_171 = vector.multi_reduction <add>, %convert_element_type3A_169, %reduce_sum3A_170 [1] : vector<512x512xf32> to vector<512xf32>
      %broadcast_in_dim3A_172 = vector.shape_cast %reduce_sum3A_171 : vector<512xf32> to vector<512x1xf32>
      %eq3A_173 = vector.broadcast %select_n3A_142 : vector<512x1xi32> to vector<512x32xi32>
      %eq3A_174 = arith.cmpi eq, %eq3A_173, %iota3A : vector<512x32xi32>
      %convert_element_type3A_175 = arith.extui %eq3A_174 : vector<512x32xi1> to vector<512x32xi32>
      %convert_element_type3A_176 = arith.sitofp %convert_element_type3A_175 : vector<512x32xi32> to vector<512x32xf32>
      %dot_general3A = arith.constant dense<0.000000e+00> : vector<512x32xf32>
      %dot_general3A_177 = tpu.matmul %convert_element_type3A_176, %scan3A_26, %dot_general3A {dimension_numbers = #tpu.dot_dimension_numbers<[1], [0], [0], [1], [0, 0, 1, 1], [], []>, transpose_lhs_hint = false} : vector<512x32xf32>, vector<32x32xf32>, vector<512x32xf32> -> vector<512x32xf32>
      %eq3A_178 = vector.broadcast %select_n3A_164 : vector<512x1xi32> to vector<512x32xi32>
      %eq3A_179 = arith.cmpi eq, %eq3A_178, %iota3A : vector<512x32xi32>
      %jit3A_180 = arith.constant 0.000000e+00 : f32
      %broadcast_in_dim3A_181 = vector.broadcast %jit3A_180 : f32 to vector<512x32xf32>
      %select_n3A_182 = arith.select %eq3A_179, %dot_general3A_177, %broadcast_in_dim3A_181 : vector<512x32xi1>, vector<512x32xf32>
      %reduce_sum3A_183 = arith.constant dense<0.000000e+00> : vector<512xf32>
      %reduce_sum3A_184 = vector.multi_reduction <add>, %select_n3A_182, %reduce_sum3A_183 [1] : vector<512x32xf32> to vector<512xf32>
      %broadcast_in_dim3A_185 = vector.shape_cast %reduce_sum3A_184 : vector<512xf32> to vector<512x1xf32>
      %add3A_186 = arith.addf %broadcast_in_dim3A_185, %broadcast_in_dim3A_172 : vector<512x1xf32>
      %jit3A_187 = arith.constant 0 : i32
      %convert_element_type3A_188 = arith.sitofp %jit3A_187 : i32 to f32
      %broadcast_in_dim3A_189 = vector.shape_cast %add3A_186 : vector<512x1xf32> to vector<512x1xf32>
      %broadcast_in_dim3A_190 = vector.broadcast %broadcast_in_dim3A_189 : vector<512x1xf32> to vector<512x512xf32>
      %broadcast_in_dim3A_191 = vector.broadcast %convert_element_type3A_188 : f32 to vector<512x512xf32>
      %select_n3A_192 = arith.select %eq3A, %broadcast_in_dim3A_190, %broadcast_in_dim3A_191 : vector<512x512xi1>, vector<512x512xf32>
      %reduce_sum3A_193 = arith.constant dense<0.000000e+00> : vector<512xf32>
      %reduce_sum3A_194 = vector.multi_reduction <add>, %select_n3A_192, %reduce_sum3A_193 [0] : vector<512x512xf32> to vector<512xf32>
      %broadcast_in_dim3A_195 = vector.shape_cast %reduce_sum3A_194 : vector<512xf32> to vector<1x512xf32>
      %mul3A_196 = arith.constant 512 : i32
      %mul3A_197 = arith.muli %scan3A_25, %mul3A_196 : i32
      %swap3A_198 = arith.constant 0 : index
      %swap3A_199 = arith.index_cast %mul3A_197 : i32 to index
      %swap3A_200 = vector.load %arg8[%swap3A_198, %swap3A_199] : memref<1x8192xf32, #tpu.memory_space<vmem>>, vector<1x512xf32>
      tpu.vector_store %arg8[%swap3A_198, %swap3A_199], %broadcast_in_dim3A_195 {strides = array<i32>} : memref<1x8192xf32, #tpu.memory_space<vmem>>, vector<1x512xf32>,
      %jit3A_201 = arith.constant 32 : i32
      %div3A_202 = vector.broadcast %jit3A_201 : i32 to vector<1x512xi32>
      %div3A_203 = arith.divsi %select_n3A_104, %div3A_202 : vector<1x512xi32>
      %sign3A_204 = arith.constant 0 : i32
      %sign3A_205 = vector.broadcast %sign3A_204 : i32 to vector<1x512xi32>
      %sign3A_206 = arith.cmpi sgt, %select_n3A_104, %sign3A_205 : vector<1x512xi32>
      %sign3A_207 = arith.extui %sign3A_206 : vector<1x512xi1> to vector<1x512xi32>
      %sign3A_208 = arith.constant 0 : i32
      %sign3A_209 = vector.broadcast %sign3A_208 : i32 to vector<1x512xi32>
      %sign3A_210 = arith.cmpi slt, %select_n3A_104, %sign3A_209 : vector<1x512xi32>
      %sign3A_211 = arith.extui %sign3A_210 : vector<1x512xi1> to vector<1x512xi32>
      %sign3A_212 = arith.subi %sign3A_207, %sign3A_211 : vector<1x512xi32>
      %sign3A_213 = arith.constant 0 : i32
      %sign3A_214 = arith.cmpi sgt, %jit3A_201, %sign3A_213 : i32
      %sign3A_215 = arith.extui %sign3A_214 : i1 to i32
      %sign3A_216 = arith.constant 0 : i32
      %sign3A_217 = arith.cmpi slt, %jit3A_201, %sign3A_216 : i32
      %sign3A_218 = arith.extui %sign3A_217 : i1 to i32
      %sign3A_219 = arith.subi %sign3A_215, %sign3A_218 : i32
      %ne3A_220 = vector.broadcast %sign3A_219 : i32 to vector<1x512xi32>
      %ne3A_221 = arith.cmpi ne, %sign3A_212, %ne3A_220 : vector<1x512xi32>
      %rem3A_222 = vector.broadcast %jit3A_201 : i32 to vector<1x512xi32>
      %rem3A_223 = arith.remsi %select_n3A_104, %rem3A_222 : vector<1x512xi32>
      %ne3A_224 = arith.constant 0 : i32
      %ne3A_225 = vector.broadcast %ne3A_224 : i32 to vector<1x512xi32>
      %ne3A_226 = arith.cmpi ne, %rem3A_223, %ne3A_225 : vector<1x512xi32>
      %and3A_227 = arith.andi %ne3A_221, %ne3A_226 : vector<1x512xi1>
      %sub3A_228 = arith.constant 1 : i32
      %sub3A_229 = vector.broadcast %sub3A_228 : i32 to vector<1x512xi32>
      %sub3A_230 = arith.subi %div3A_203, %sub3A_229 : vector<1x512xi32>
      %select_n3A_231 = arith.select %and3A_227, %sub3A_230, %div3A_203 : vector<1x512xi1>, vector<1x512xi32>
      %eq3A_232 = vector.broadcast %select_n3A_231 : vector<1x512xi32> to vector<32x512xi32>
      %eq3A_233 = arith.cmpi eq, %iota3A_0, %eq3A_232 : vector<32x512xi32>
      %convert_element_type3A_234 = arith.extui %eq3A_233 : vector<32x512xi1> to vector<32x512xi32>
      %convert_element_type3A_235 = arith.sitofp %convert_element_type3A_234 : vector<32x512xi32> to vector<32x512xf32>
      %eq3A_236 = vector.broadcast %select_n3A_164 : vector<512x1xi32> to vector<512x32xi32>
      %eq3A_237 = arith.cmpi eq, %eq3A_236, %iota3A : vector<512x32xi32>
      %convert_element_type3A_238 = arith.extui %eq3A_237 : vector<512x32xi1> to vector<512x32xi32>
      %convert_element_type3A_239 = arith.sitofp %convert_element_type3A_238 : vector<512x32xi32> to vector<512x32xf32>
      %dot_general3A_240 = arith.constant dense<0.000000e+00> : vector<32x32xf32>
      %dot_general3A_241 = tpu.matmul %convert_element_type3A_235, %convert_element_type3A_239, %dot_general3A_240 {dimension_numbers = #tpu.dot_dimension_numbers<[1], [0], [0], [1], [0, 0, 1, 1], [], []>, transpose_lhs_hint = false} : vector<32x512xf32>, vector<512x32xf32>, vector<32x32xf32> -> vector<32x32xf32>
      %add3A_242 = arith.addf %scan3A_26, %dot_general3A_241 : vector<32x32xf32>
      scf.yield %add3A_242 : vector<32x32xf32>
    }
    %scan3A_8 = arith.constant 16 : i32
    %min3A = arith.constant 3.200000e+01 : f32
    %min3A_9 = vector.broadcast %min3A : f32 to vector<32x32xf32>
    %min3A_10 = arith.minimumf %scan3A_7, %min3A_9 : vector<32x32xf32>
    %sub3A = arith.subf %scan3A_7, %min3A_10 : vector<32x32xf32>
    %min3A_11 = arith.constant 3.300000e+01 : f32
    %min3A_12 = vector.broadcast %min3A_11 : f32 to vector<32x32xf32>
    %min3A_13 = arith.minimumf %scan3A_7, %min3A_12 : vector<32x32xf32>
    %sub3A_14 = arith.subf %scan3A_7, %min3A_13 : vector<32x32xf32>
    %scan3A_15 = arith.constant 0 : i32
    %scan3A_16 = arith.constant 16 : i32
    %scan3A_17 = arith.addi %scan3A_15, %scan3A_16 : i32
    %scan3A_18 = arith.constant 1 : i32
    scf.for %scan3A_25 = %scan3A_15 to %scan3A_17 step %scan3A_18  : i32 {
      %mul3A = arith.constant 512 : i32
      %mul3A_26 = arith.muli %scan3A_25, %mul3A : i32
      %mul3A_27 = arith.constant 512 : i32
      %mul3A_28 = arith.muli %scan3A_25, %mul3A_27 : i32
      %get3A = arith.constant 0 : index
      %get3A_29 = arith.constant 0 : index
      %get3A_30 = arith.index_cast %mul3A_28 : i32 to index
      %get3A_31 = vector.load %arg2[%get3A, %get3A_29, %get3A_30] : memref<1x1x8192xi32, #tpu.memory_space<vmem>>, vector<1x1x512xi32>
      %get3A_32 = vector.shape_cast %get3A_31 : vector<1x1x512xi32> to vector<1x512xi32>
      %jit3A = arith.constant 2 : i32
      %div3A = vector.broadcast %jit3A : i32 to vector<1x512xi32>
      %div3A_33 = arith.divsi %get3A_32, %div3A : vector<1x512xi32>
      %sign3A = arith.constant 0 : i32
      %sign3A_34 = vector.broadcast %sign3A : i32 to vector<1x512xi32>
      %sign3A_35 = arith.cmpi sgt, %get3A_32, %sign3A_34 : vector<1x512xi32>
      %sign3A_36 = arith.extui %sign3A_35 : vector<1x512xi1> to vector<1x512xi32>
      %sign3A_37 = arith.constant 0 : i32
      %sign3A_38 = vector.broadcast %sign3A_37 : i32 to vector<1x512xi32>
      %sign3A_39 = arith.cmpi slt, %get3A_32, %sign3A_38 : vector<1x512xi32>
      %sign3A_40 = arith.extui %sign3A_39 : vector<1x512xi1> to vector<1x512xi32>
      %sign3A_41 = arith.subi %sign3A_36, %sign3A_40 : vector<1x512xi32>
      %sign3A_42 = arith.constant 0 : i32
      %sign3A_43 = arith.cmpi sgt, %jit3A, %sign3A_42 : i32
      %sign3A_44 = arith.extui %sign3A_43 : i1 to i32
      %sign3A_45 = arith.constant 0 : i32
      %sign3A_46 = arith.cmpi slt, %jit3A, %sign3A_45 : i32
      %sign3A_47 = arith.extui %sign3A_46 : i1 to i32
      %sign3A_48 = arith.subi %sign3A_44, %sign3A_47 : i32
      %ne3A = vector.broadcast %sign3A_48 : i32 to vector<1x512xi32>
      %ne3A_49 = arith.cmpi ne, %sign3A_41, %ne3A : vector<1x512xi32>
      %rem3A = vector.broadcast %jit3A : i32 to vector<1x512xi32>
      %rem3A_50 = arith.remsi %get3A_32, %rem3A : vector<1x512xi32>
      %ne3A_51 = arith.constant 0 : i32
      %ne3A_52 = vector.broadcast %ne3A_51 : i32 to vector<1x512xi32>
      %ne3A_53 = arith.cmpi ne, %rem3A_50, %ne3A_52 : vector<1x512xi32>
      %and3A = arith.andi %ne3A_49, %ne3A_53 : vector<1x512xi1>
      %sub3A_54 = arith.constant 1 : i32
      %sub3A_55 = vector.broadcast %sub3A_54 : i32 to vector<1x512xi32>
      %sub3A_56 = arith.subi %div3A_33, %sub3A_55 : vector<1x512xi32>
      %select_n3A = arith.select %and3A, %sub3A_56, %div3A_33 : vector<1x512xi1>, vector<1x512xi32>
      %mul3A_57 = arith.constant 32 : i32
      %mul3A_58 = vector.broadcast %mul3A_57 : i32 to vector<1x512xi32>
      %mul3A_59 = arith.muli %select_n3A, %mul3A_58 : vector<1x512xi32>
      %get3A_60 = arith.constant 0 : index
      %get3A_61 = arith.constant 0 : index
      %get3A_62 = arith.index_cast %mul3A_28 : i32 to index
      %get3A_63 = vector.load %arg1[%get3A_60, %get3A_61, %get3A_62] : memref<1x1x8192xi32, #tpu.memory_space<vmem>>, vector<1x1x512xi32>
      %get3A_64 = vector.shape_cast %get3A_63 : vector<1x1x512xi32> to vector<1x512xi32>
      %jit3A_65 = arith.constant 2 : i32
      %div3A_66 = vector.broadcast %jit3A_65 : i32 to vector<1x512xi32>
      %div3A_67 = arith.divsi %get3A_64, %div3A_66 : vector<1x512xi32>
      %sign3A_68 = arith.constant 0 : i32
      %sign3A_69 = vector.broadcast %sign3A_68 : i32 to vector<1x512xi32>
      %sign3A_70 = arith.cmpi sgt, %get3A_64, %sign3A_69 : vector<1x512xi32>
      %sign3A_71 = arith.extui %sign3A_70 : vector<1x512xi1> to vector<1x512xi32>
      %sign3A_72 = arith.constant 0 : i32
      %sign3A_73 = vector.broadcast %sign3A_72 : i32 to vector<1x512xi32>
      %sign3A_74 = arith.cmpi slt, %get3A_64, %sign3A_73 : vector<1x512xi32>
      %sign3A_75 = arith.extui %sign3A_74 : vector<1x512xi1> to vector<1x512xi32>
      %sign3A_76 = arith.subi %sign3A_71, %sign3A_75 : vector<1x512xi32>
      %sign3A_77 = arith.constant 0 : i32
      %sign3A_78 = arith.cmpi sgt, %jit3A_65, %sign3A_77 : i32
      %sign3A_79 = arith.extui %sign3A_78 : i1 to i32
      %sign3A_80 = arith.constant 0 : i32
      %sign3A_81 = arith.cmpi slt, %jit3A_65, %sign3A_80 : i32
      %sign3A_82 = arith.extui %sign3A_81 : i1 to i32
      %sign3A_83 = arith.subi %sign3A_79, %sign3A_82 : i32
      %ne3A_84 = vector.broadcast %sign3A_83 : i32 to vector<1x512xi32>
      %ne3A_85 = arith.cmpi ne, %sign3A_76, %ne3A_84 : vector<1x512xi32>
      %rem3A_86 = vector.broadcast %jit3A_65 : i32 to vector<1x512xi32>
      %rem3A_87 = arith.remsi %get3A_64, %rem3A_86 : vector<1x512xi32>
      %ne3A_88 = arith.constant 0 : i32
      %ne3A_89 = vector.broadcast %ne3A_88 : i32 to vector<1x512xi32>
      %ne3A_90 = arith.cmpi ne, %rem3A_87, %ne3A_89 : vector<1x512xi32>
      %and3A_91 = arith.andi %ne3A_85, %ne3A_90 : vector<1x512xi1>
      %sub3A_92 = arith.constant 1 : i32
      %sub3A_93 = vector.broadcast %sub3A_92 : i32 to vector<1x512xi32>
      %sub3A_94 = arith.subi %div3A_67, %sub3A_93 : vector<1x512xi32>
      %select_n3A_95 = arith.select %and3A_91, %sub3A_94, %div3A_67 : vector<1x512xi1>, vector<1x512xi32>
      %add3A = arith.addi %mul3A_59, %select_n3A_95 : vector<1x512xi32>
      %get3A_96 = arith.constant 0 : index
      %get3A_97 = arith.constant 0 : index
      %get3A_98 = arith.index_cast %mul3A_28 : i32 to index
      %get3A_99 = vector.load %arg3[%get3A_96, %get3A_97, %get3A_98] : memref<1x1x8192xf32, #tpu.memory_space<vmem>>, vector<1x1x512xf32>
      %get3A_100 = vector.shape_cast %get3A_99 : vector<1x1x512xf32> to vector<1x512xf32>
      %gt3A = arith.constant 5.000000e-01 : f32
      %gt3A_101 = vector.broadcast %gt3A : f32 to vector<1x512xf32>
      %gt3A_102 = arith.cmpf ogt, %get3A_100, %gt3A_101 : vector<1x512xf32>
      %jit3A_103 = arith.constant 1024 : i32
      %broadcast_in_dim3A_104 = vector.broadcast %jit3A_103 : i32 to vector<1x512xi32>
      %select_n3A_105 = arith.select %gt3A_102, %add3A, %broadcast_in_dim3A_104 : vector<1x512xi1>, vector<1x512xi32>
      %jit3A_106 = arith.constant 0 : i32
      %broadcast_in_dim3A_107 = vector.shape_cast %select_n3A_105 : vector<1x512xi32> to vector<1x512xi32>
      %broadcast_in_dim3A_108 = vector.broadcast %broadcast_in_dim3A_107 : vector<1x512xi32> to vector<512x512xi32>
      %broadcast_in_dim3A_109 = vector.broadcast %jit3A_106 : i32 to vector<512x512xi32>
      %select_n3A_110 = arith.select %eq3A, %broadcast_in_dim3A_108, %broadcast_in_dim3A_109 : vector<512x512xi1>, vector<512x512xi32>
      %reduce_sum3A = arith.constant dense<0> : vector<512xi32>
      %reduce_sum3A_111 = vector.multi_reduction <add>, %select_n3A_110, %reduce_sum3A [1] : vector<512x512xi32> to vector<512xi32>
      %broadcast_in_dim3A_112 = vector.shape_cast %reduce_sum3A_111 : vector<512xi32> to vector<512x1xi32>
      %jit3A_113 = arith.constant 32 : i32
      %div3A_114 = vector.broadcast %jit3A_113 : i32 to vector<512x1xi32>
      %div3A_115 = arith.divsi %broadcast_in_dim3A_112, %div3A_114 : vector<512x1xi32>
      %sign3A_116 = arith.constant 0 : i32
      %sign3A_117 = vector.broadcast %sign3A_116 : i32 to vector<512x1xi32>
      %sign3A_118 = arith.cmpi sgt, %broadcast_in_dim3A_112, %sign3A_117 : vector<512x1xi32>
      %sign3A_119 = arith.extui %sign3A_118 : vector<512x1xi1> to vector<512x1xi32>
      %sign3A_120 = arith.constant 0 : i32
      %sign3A_121 = vector.broadcast %sign3A_120 : i32 to vector<512x1xi32>
      %sign3A_122 = arith.cmpi slt, %broadcast_in_dim3A_112, %sign3A_121 : vector<512x1xi32>
      %sign3A_123 = arith.extui %sign3A_122 : vector<512x1xi1> to vector<512x1xi32>
      %sign3A_124 = arith.subi %sign3A_119, %sign3A_123 : vector<512x1xi32>
      %sign3A_125 = arith.constant 0 : i32
      %sign3A_126 = arith.cmpi sgt, %jit3A_113, %sign3A_125 : i32
      %sign3A_127 = arith.extui %sign3A_126 : i1 to i32
      %sign3A_128 = arith.constant 0 : i32
      %sign3A_129 = arith.cmpi slt, %jit3A_113, %sign3A_128 : i32
      %sign3A_130 = arith.extui %sign3A_129 : i1 to i32
      %sign3A_131 = arith.subi %sign3A_127, %sign3A_130 : i32
      %ne3A_132 = vector.broadcast %sign3A_131 : i32 to vector<512x1xi32>
      %ne3A_133 = arith.cmpi ne, %sign3A_124, %ne3A_132 : vector<512x1xi32>
      %rem3A_134 = vector.broadcast %jit3A_113 : i32 to vector<512x1xi32>
      %rem3A_135 = arith.remsi %broadcast_in_dim3A_112, %rem3A_134 : vector<512x1xi32>
      %ne3A_136 = arith.constant 0 : i32
      %ne3A_137 = vector.broadcast %ne3A_136 : i32 to vector<512x1xi32>
      %ne3A_138 = arith.cmpi ne, %rem3A_135, %ne3A_137 : vector<512x1xi32>
      %and3A_139 = arith.andi %ne3A_133, %ne3A_138 : vector<512x1xi1>
      %sub3A_140 = arith.constant 1 : i32
      %sub3A_141 = vector.broadcast %sub3A_140 : i32 to vector<512x1xi32>
      %sub3A_142 = arith.subi %div3A_115, %sub3A_141 : vector<512x1xi32>
      %select_n3A_143 = arith.select %and3A_139, %sub3A_142, %div3A_115 : vector<512x1xi1>, vector<512x1xi32>
      %jit3A_144 = arith.constant 32 : i32
      %eq3A_145 = arith.constant 0 : i32
      %eq3A_146 = arith.cmpi eq, %jit3A_144, %eq3A_145 : i32
      %jit3A_147 = arith.constant 1 : i32
      %select_n3A_148 = arith.select %eq3A_146, %jit3A_147, %jit3A_144 : i32
      %rem3A_149 = vector.broadcast %select_n3A_148 : i32 to vector<512x1xi32>
      %rem3A_150 = arith.remsi %broadcast_in_dim3A_112, %rem3A_149 : vector<512x1xi32>
      %ne3A_151 = arith.constant 0 : i32
      %ne3A_152 = vector.broadcast %ne3A_151 : i32 to vector<512x1xi32>
      %ne3A_153 = arith.cmpi ne, %rem3A_150, %ne3A_152 : vector<512x1xi32>
      %lt3A_154 = arith.constant 0 : i32
      %lt3A_155 = vector.broadcast %lt3A_154 : i32 to vector<512x1xi32>
      %lt3A_156 = arith.cmpi slt, %rem3A_150, %lt3A_155 : vector<512x1xi32>
      %lt3A_157 = arith.constant 0 : i32
      %lt3A_158 = arith.cmpi slt, %select_n3A_148, %lt3A_157 : i32
      %ne3A_159 = vector.broadcast %lt3A_158 : i1 to vector<512x1xi1>
      %ne3A_160 = vector.broadcast %ne3A_159 : vector<512x1xi1> to vector<512x1xi1>
      %ne3A_161 = arith.xori %lt3A_156, %ne3A_160 : vector<512x1xi1>
      %and3A_162 = arith.andi %ne3A_161, %ne3A_153 : vector<512x1xi1>
      %add3A_163 = vector.broadcast %select_n3A_148 : i32 to vector<512x1xi32>
      %add3A_164 = arith.addi %rem3A_150, %add3A_163 : vector<512x1xi32>
      %select_n3A_165 = arith.select %and3A_162, %add3A_164, %rem3A_150 : vector<512x1xi1>, vector<512x1xi32>
      %eq3A_166 = vector.broadcast %select_n3A_143 : vector<512x1xi32> to vector<512x32xi32>
      %eq3A_167 = arith.cmpi eq, %eq3A_166, %iota3A : vector<512x32xi32>
      %convert_element_type3A = arith.extui %eq3A_167 : vector<512x32xi1> to vector<512x32xi32>
      %convert_element_type3A_168 = arith.sitofp %convert_element_type3A : vector<512x32xi32> to vector<512x32xf32>
      %dot_general3A = arith.constant dense<0.000000e+00> : vector<512x32xf32>
      %dot_general3A_169 = tpu.matmul %convert_element_type3A_168, %sub3A, %dot_general3A {dimension_numbers = #tpu.dot_dimension_numbers<[1], [0], [0], [1], [0, 0, 1, 1], [], []>, transpose_lhs_hint = false} : vector<512x32xf32>, vector<32x32xf32>, vector<512x32xf32> -> vector<512x32xf32>
      %eq3A_170 = vector.broadcast %select_n3A_165 : vector<512x1xi32> to vector<512x32xi32>
      %eq3A_171 = arith.cmpi eq, %eq3A_170, %iota3A : vector<512x32xi32>
      %jit3A_172 = arith.constant 0.000000e+00 : f32
      %broadcast_in_dim3A_173 = vector.broadcast %jit3A_172 : f32 to vector<512x32xf32>
      %select_n3A_174 = arith.select %eq3A_171, %dot_general3A_169, %broadcast_in_dim3A_173 : vector<512x32xi1>, vector<512x32xf32>
      %reduce_sum3A_175 = arith.constant dense<0.000000e+00> : vector<512xf32>
      %reduce_sum3A_176 = vector.multi_reduction <add>, %select_n3A_174, %reduce_sum3A_175 [1] : vector<512x32xf32> to vector<512xf32>
      %broadcast_in_dim3A_177 = vector.shape_cast %reduce_sum3A_176 : vector<512xf32> to vector<512x1xf32>
      %jit3A_178 = arith.constant 0 : i32
      %convert_element_type3A_179 = arith.sitofp %jit3A_178 : i32 to f32
      %broadcast_in_dim3A_180 = vector.shape_cast %broadcast_in_dim3A_177 : vector<512x1xf32> to vector<512x1xf32>
      %broadcast_in_dim3A_181 = vector.broadcast %broadcast_in_dim3A_180 : vector<512x1xf32> to vector<512x512xf32>
      %broadcast_in_dim3A_182 = vector.broadcast %convert_element_type3A_179 : f32 to vector<512x512xf32>
      %select_n3A_183 = arith.select %eq3A, %broadcast_in_dim3A_181, %broadcast_in_dim3A_182 : vector<512x512xi1>, vector<512x512xf32>
      %reduce_sum3A_184 = arith.constant dense<0.000000e+00> : vector<512xf32>
      %reduce_sum3A_185 = vector.multi_reduction <add>, %select_n3A_183, %reduce_sum3A_184 [0] : vector<512x512xf32> to vector<512xf32>
      %broadcast_in_dim3A_186 = vector.shape_cast %reduce_sum3A_185 : vector<512xf32> to vector<1x512xf32>
      %eq3A_187 = vector.broadcast %select_n3A_143 : vector<512x1xi32> to vector<512x32xi32>
      %eq3A_188 = arith.cmpi eq, %eq3A_187, %iota3A : vector<512x32xi32>
      %convert_element_type3A_189 = arith.extui %eq3A_188 : vector<512x32xi1> to vector<512x32xi32>
      %convert_element_type3A_190 = arith.sitofp %convert_element_type3A_189 : vector<512x32xi32> to vector<512x32xf32>
      %dot_general3A_191 = arith.constant dense<0.000000e+00> : vector<512x32xf32>
      %dot_general3A_192 = tpu.matmul %convert_element_type3A_190, %sub3A_14, %dot_general3A_191 {dimension_numbers = #tpu.dot_dimension_numbers<[1], [0], [0], [1], [0, 0, 1, 1], [], []>, transpose_lhs_hint = false} : vector<512x32xf32>, vector<32x32xf32>, vector<512x32xf32> -> vector<512x32xf32>
      %eq3A_193 = vector.broadcast %select_n3A_165 : vector<512x1xi32> to vector<512x32xi32>
      %eq3A_194 = arith.cmpi eq, %eq3A_193, %iota3A : vector<512x32xi32>
      %jit3A_195 = arith.constant 0.000000e+00 : f32
      %broadcast_in_dim3A_196 = vector.broadcast %jit3A_195 : f32 to vector<512x32xf32>
      %select_n3A_197 = arith.select %eq3A_194, %dot_general3A_192, %broadcast_in_dim3A_196 : vector<512x32xi1>, vector<512x32xf32>
      %reduce_sum3A_198 = arith.constant dense<0.000000e+00> : vector<512xf32>
      %reduce_sum3A_199 = vector.multi_reduction <add>, %select_n3A_197, %reduce_sum3A_198 [1] : vector<512x32xf32> to vector<512xf32>
      %broadcast_in_dim3A_200 = vector.shape_cast %reduce_sum3A_199 : vector<512xf32> to vector<512x1xf32>
      %jit3A_201 = arith.constant 0 : i32
      %convert_element_type3A_202 = arith.sitofp %jit3A_201 : i32 to f32
      %broadcast_in_dim3A_203 = vector.shape_cast %broadcast_in_dim3A_200 : vector<512x1xf32> to vector<512x1xf32>
      %broadcast_in_dim3A_204 = vector.broadcast %broadcast_in_dim3A_203 : vector<512x1xf32> to vector<512x512xf32>
      %broadcast_in_dim3A_205 = vector.broadcast %convert_element_type3A_202 : f32 to vector<512x512xf32>
      %select_n3A_206 = arith.select %eq3A, %broadcast_in_dim3A_204, %broadcast_in_dim3A_205 : vector<512x512xi1>, vector<512x512xf32>
      %reduce_sum3A_207 = arith.constant dense<0.000000e+00> : vector<512xf32>
      %reduce_sum3A_208 = vector.multi_reduction <add>, %select_n3A_206, %reduce_sum3A_207 [0] : vector<512x512xf32> to vector<512xf32>
      %broadcast_in_dim3A_209 = vector.shape_cast %reduce_sum3A_208 : vector<512xf32> to vector<1x512xf32>
      %get3A_210 = arith.constant 0 : index
      %get3A_211 = arith.index_cast %mul3A_26 : i32 to index
      %get3A_212 = vector.load %arg8[%get3A_210, %get3A_211] : memref<1x8192xf32, #tpu.memory_space<vmem>>, vector<1x512xf32>
      %get3A_213 = arith.constant 0 : index
      %get3A_214 = arith.constant 0 : index
      %get3A_215 = arith.index_cast %mul3A_26 : i32 to index
      %get3A_216 = vector.load %arg3[%get3A_213, %get3A_214, %get3A_215] : memref<1x1x8192xf32, #tpu.memory_space<vmem>>, vector<1x1x512xf32>
      %get3A_217 = vector.shape_cast %get3A_216 : vector<1x1x512xf32> to vector<1x512xf32>
      %gt3A_218 = arith.constant 5.000000e-01 : f32
      %gt3A_219 = vector.broadcast %gt3A_218 : f32 to vector<1x512xf32>
      %gt3A_220 = arith.cmpf ogt, %get3A_217, %gt3A_219 : vector<1x512xf32>
      %sub3A_221 = arith.subf %get3A_212, %broadcast_in_dim3A_186 : vector<1x512xf32>
      %sub3A_222 = arith.subf %get3A_212, %broadcast_in_dim3A_209 : vector<1x512xf32>
      %ge3A = arith.constant 0.000000e+00 : f32
      %ge3A_223 = vector.broadcast %ge3A : f32 to vector<1x512xf32>
      %ge3A_224 = arith.cmpf oge, %sub3A_221, %ge3A_223 : vector<1x512xf32>
      %and3A_225 = arith.andi %ge3A_224, %gt3A_220 : vector<1x512xi1>
      %ge3A_226 = arith.constant 0.000000e+00 : f32
      %ge3A_227 = vector.broadcast %ge3A_226 : f32 to vector<1x512xf32>
      %ge3A_228 = arith.cmpf oge, %sub3A_222, %ge3A_227 : vector<1x512xf32>
      %and3A_229 = arith.andi %ge3A_228, %gt3A_220 : vector<1x512xi1>
      %mul3A_230 = arith.constant 8192 : i32
      %mul3A_231 = arith.muli %arg0, %mul3A_230 : i32
      %mul3A_232 = arith.constant 512 : i32
      %mul3A_233 = arith.muli %scan3A_25, %mul3A_232 : i32
      %add3A_234 = arith.addi %mul3A_231, %mul3A_233 : i32
      %iota3A_235 = tpu.iota {dimensions = array<i32: 1>} : vector<1x512xi32>
      %add3A_236 = vector.broadcast %add3A_234 : i32 to vector<1x512xi32>
      %add3A_237 = arith.addi %add3A_236, %iota3A_235 : vector<1x512xi32>
      %mul3A_238 = arith.constant 1024 : i32
      %mul3A_239 = arith.muli %arg0, %mul3A_238 : i32
      %add3A_240 = vector.broadcast %mul3A_239 : i32 to vector<1x512xi32>
      %add3A_241 = arith.addi %add3A_240, %select_n3A_105 : vector<1x512xi32>
      %mul3A_242 = arith.constant 32 : i32
      %mul3A_243 = vector.broadcast %mul3A_242 : i32 to vector<1x512xi32>
      %mul3A_244 = arith.muli %add3A_241, %mul3A_243 : vector<1x512xi32>
      %convert_element_type3A_245 = arith.fptosi %sub3A_221 : vector<1x512xf32> to vector<1x512xi32>
      %add3A_246 = arith.addi %mul3A_244, %convert_element_type3A_245 : vector<1x512xi32>
      %add3A_247 = arith.constant 262144 : i32
      %add3A_248 = vector.broadcast %add3A_247 : i32 to vector<1x512xi32>
      %add3A_249 = arith.addi %add3A_248, %add3A_237 : vector<1x512xi32>
      %select_n3A_250 = arith.select %and3A_225, %add3A_246, %add3A_249 : vector<1x512xi1>, vector<1x512xi32>
      %swap3A_251 = arith.constant 0 : index
      %swap3A_252 = arith.constant 0 : index
      %swap3A_253 = arith.index_cast %mul3A_26 : i32 to index
      %swap3A_254 = vector.load %arg4[%swap3A_251, %swap3A_252, %swap3A_253] : memref<1x1x8192xi32, #tpu.memory_space<vmem>>, vector<1x1x512xi32>
      %swap3A_255 = vector.shape_cast %swap3A_254 : vector<1x1x512xi32> to vector<1x512xi32>
      %swap3A_256 = vector.shape_cast %select_n3A_250 : vector<1x512xi32> to vector<1x1x512xi32>
      tpu.vector_store %arg4[%swap3A_251, %swap3A_252, %swap3A_253], %swap3A_256 {strides = array<i32>} : memref<1x1x8192xi32, #tpu.memory_space<vmem>>, vector<1x1x512xi32>,
      %mul3A_257 = arith.constant 33 : i32
      %mul3A_258 = vector.broadcast %mul3A_257 : i32 to vector<1x512xi32>
      %mul3A_259 = arith.muli %add3A_241, %mul3A_258 : vector<1x512xi32>
      %convert_element_type3A_260 = arith.fptosi %sub3A_222 : vector<1x512xf32> to vector<1x512xi32>
      %add3A_261 = arith.addi %mul3A_259, %convert_element_type3A_260 : vector<1x512xi32>
      %add3A_262 = arith.constant 270336 : i32
      %add3A_263 = vector.broadcast %add3A_262 : i32 to vector<1x512xi32>
      %add3A_264 = arith.addi %add3A_263, %add3A_237 : vector<1x512xi32>
      %select_n3A_265 = arith.select %and3A_229, %add3A_261, %add3A_264 : vector<1x512xi1>, vector<1x512xi32>
      %swap3A_266 = arith.constant 0 : index
      %swap3A_267 = arith.constant 0 : index
      %swap3A_268 = arith.index_cast %mul3A_26 : i32 to index
      %swap3A_269 = vector.load %arg5[%swap3A_266, %swap3A_267, %swap3A_268] : memref<1x1x8192xi32, #tpu.memory_space<vmem>>, vector<1x1x512xi32>
      %swap3A_270 = vector.shape_cast %swap3A_269 : vector<1x1x512xi32> to vector<1x512xi32>
      %swap3A_271 = vector.shape_cast %select_n3A_265 : vector<1x512xi32> to vector<1x1x512xi32>
      tpu.vector_store %arg5[%swap3A_266, %swap3A_267, %swap3A_268], %swap3A_271 {strides = array<i32>} : memref<1x1x8192xi32, #tpu.memory_space<vmem>>, vector<1x1x512xi32>,
      %get3A_272 = arith.constant 0 : index
      %get3A_273 = arith.constant 0 : index
      %get3A_274 = arith.index_cast %mul3A_26 : i32 to index
      %get3A_275 = vector.load %arg1[%get3A_272, %get3A_273, %get3A_274] : memref<1x1x8192xi32, #tpu.memory_space<vmem>>, vector<1x1x512xi32>
      %get3A_276 = vector.shape_cast %get3A_275 : vector<1x1x512xi32> to vector<1x512xi32>
      %get3A_277 = arith.constant 0 : index
      %get3A_278 = arith.constant 0 : index
      %get3A_279 = arith.index_cast %mul3A_26 : i32 to index
      %get3A_280 = vector.load %arg2[%get3A_277, %get3A_278, %get3A_279] : memref<1x1x8192xi32, #tpu.memory_space<vmem>>, vector<1x1x512xi32>
      %get3A_281 = vector.shape_cast %get3A_280 : vector<1x1x512xi32> to vector<1x512xi32>
      %jit3A_282 = arith.constant 2 : i32
      %div3A_283 = vector.broadcast %jit3A_282 : i32 to vector<1x512xi32>
      %div3A_284 = arith.divsi %get3A_276, %div3A_283 : vector<1x512xi32>
      %sign3A_285 = arith.constant 0 : i32
      %sign3A_286 = vector.broadcast %sign3A_285 : i32 to vector<1x512xi32>
      %sign3A_287 = arith.cmpi sgt, %get3A_276, %sign3A_286 : vector<1x512xi32>
      %sign3A_288 = arith.extui %sign3A_287 : vector<1x512xi1> to vector<1x512xi32>
      %sign3A_289 = arith.constant 0 : i32
      %sign3A_290 = vector.broadcast %sign3A_289 : i32 to vector<1x512xi32>
      %sign3A_291 = arith.cmpi slt, %get3A_276, %sign3A_290 : vector<1x512xi32>
      %sign3A_292 = arith.extui %sign3A_291 : vector<1x512xi1> to vector<1x512xi32>
      %sign3A_293 = arith.subi %sign3A_288, %sign3A_292 : vector<1x512xi32>
      %sign3A_294 = arith.constant 0 : i32
      %sign3A_295 = arith.cmpi sgt, %jit3A_282, %sign3A_294 : i32
      %sign3A_296 = arith.extui %sign3A_295 : i1 to i32
      %sign3A_297 = arith.constant 0 : i32
      %sign3A_298 = arith.cmpi slt, %jit3A_282, %sign3A_297 : i32
      %sign3A_299 = arith.extui %sign3A_298 : i1 to i32
      %sign3A_300 = arith.subi %sign3A_296, %sign3A_299 : i32
      %ne3A_301 = vector.broadcast %sign3A_300 : i32 to vector<1x512xi32>
      %ne3A_302 = arith.cmpi ne, %sign3A_293, %ne3A_301 : vector<1x512xi32>
      %rem3A_303 = vector.broadcast %jit3A_282 : i32 to vector<1x512xi32>
      %rem3A_304 = arith.remsi %get3A_276, %rem3A_303 : vector<1x512xi32>
      %ne3A_305 = arith.constant 0 : i32
      %ne3A_306 = vector.broadcast %ne3A_305 : i32 to vector<1x512xi32>
      %ne3A_307 = arith.cmpi ne, %rem3A_304, %ne3A_306 : vector<1x512xi32>
      %and3A_308 = arith.andi %ne3A_302, %ne3A_307 : vector<1x512xi1>
      %sub3A_309 = arith.constant 1 : i32
      %sub3A_310 = vector.broadcast %sub3A_309 : i32 to vector<1x512xi32>
      %sub3A_311 = arith.subi %div3A_284, %sub3A_310 : vector<1x512xi32>
      %select_n3A_312 = arith.select %and3A_308, %sub3A_311, %div3A_284 : vector<1x512xi1>, vector<1x512xi32>
      %mul3A_313 = arith.constant 2 : i32
      %mul3A_314 = vector.broadcast %mul3A_313 : i32 to vector<1x512xi32>
      %mul3A_315 = arith.muli %select_n3A_312, %mul3A_314 : vector<1x512xi32>
      %sub3A_316 = arith.subi %get3A_276, %mul3A_315 : vector<1x512xi32>
      %jit3A_317 = arith.constant 2 : i32
      %div3A_318 = vector.broadcast %jit3A_317 : i32 to vector<1x512xi32>
      %div3A_319 = arith.divsi %get3A_281, %div3A_318 : vector<1x512xi32>
      %sign3A_320 = arith.constant 0 : i32
      %sign3A_321 = vector.broadcast %sign3A_320 : i32 to vector<1x512xi32>
      %sign3A_322 = arith.cmpi sgt, %get3A_281, %sign3A_321 : vector<1x512xi32>
      %sign3A_323 = arith.extui %sign3A_322 : vector<1x512xi1> to vector<1x512xi32>
      %sign3A_324 = arith.constant 0 : i32
      %sign3A_325 = vector.broadcast %sign3A_324 : i32 to vector<1x512xi32>
      %sign3A_326 = arith.cmpi slt, %get3A_281, %sign3A_325 : vector<1x512xi32>
      %sign3A_327 = arith.extui %sign3A_326 : vector<1x512xi1> to vector<1x512xi32>
      %sign3A_328 = arith.subi %sign3A_323, %sign3A_327 : vector<1x512xi32>
      %sign3A_329 = arith.constant 0 : i32
      %sign3A_330 = arith.cmpi sgt, %jit3A_317, %sign3A_329 : i32
      %sign3A_331 = arith.extui %sign3A_330 : i1 to i32
      %sign3A_332 = arith.constant 0 : i32
      %sign3A_333 = arith.cmpi slt, %jit3A_317, %sign3A_332 : i32
      %sign3A_334 = arith.extui %sign3A_333 : i1 to i32
      %sign3A_335 = arith.subi %sign3A_331, %sign3A_334 : i32
      %ne3A_336 = vector.broadcast %sign3A_335 : i32 to vector<1x512xi32>
      %ne3A_337 = arith.cmpi ne, %sign3A_328, %ne3A_336 : vector<1x512xi32>
      %rem3A_338 = vector.broadcast %jit3A_317 : i32 to vector<1x512xi32>
      %rem3A_339 = arith.remsi %get3A_281, %rem3A_338 : vector<1x512xi32>
      %ne3A_340 = arith.constant 0 : i32
      %ne3A_341 = vector.broadcast %ne3A_340 : i32 to vector<1x512xi32>
      %ne3A_342 = arith.cmpi ne, %rem3A_339, %ne3A_341 : vector<1x512xi32>
      %and3A_343 = arith.andi %ne3A_337, %ne3A_342 : vector<1x512xi1>
      %sub3A_344 = arith.constant 1 : i32
      %sub3A_345 = vector.broadcast %sub3A_344 : i32 to vector<1x512xi32>
      %sub3A_346 = arith.subi %div3A_319, %sub3A_345 : vector<1x512xi32>
      %select_n3A_347 = arith.select %and3A_343, %sub3A_346, %div3A_319 : vector<1x512xi1>, vector<1x512xi32>
      %mul3A_348 = arith.constant 2 : i32
      %mul3A_349 = vector.broadcast %mul3A_348 : i32 to vector<1x512xi32>
      %mul3A_350 = arith.muli %select_n3A_347, %mul3A_349 : vector<1x512xi32>
      %sub3A_351 = arith.subi %get3A_281, %mul3A_350 : vector<1x512xi32>
      %mul3A_352 = arith.constant 2 : i32
      %mul3A_353 = vector.broadcast %mul3A_352 : i32 to vector<1x512xi32>
      %mul3A_354 = arith.muli %mul3A_353, %sub3A_351 : vector<1x512xi32>
      %add3A_355 = arith.addi %sub3A_316, %mul3A_354 : vector<1x512xi32>
      %convert_element_type3A_356 = arith.sitofp %add3A_355 : vector<1x512xi32> to vector<1x512xf32>
      %swap3A_357 = arith.constant 0 : index
      %swap3A_358 = arith.constant 0 : index
      %swap3A_359 = arith.index_cast %mul3A_26 : i32 to index
      %swap3A_360 = vector.load %arg6[%swap3A_357, %swap3A_358, %swap3A_359] : memref<1x1x8192xf32, #tpu.memory_space<vmem>>, vector<1x1x512xf32>
      %swap3A_361 = vector.shape_cast %swap3A_360 : vector<1x1x512xf32> to vector<1x512xf32>
      %swap3A_362 = vector.shape_cast %convert_element_type3A_356 : vector<1x512xf32> to vector<1x1x512xf32>
      tpu.vector_store %arg6[%swap3A_357, %swap3A_358, %swap3A_359], %swap3A_362 {strides = array<i32>} : memref<1x1x8192xf32, #tpu.memory_space<vmem>>, vector<1x1x512xf32>,
    }
    %scan3A_19 = arith.constant 16 : i32
    %swap3A = arith.constant 0 : index
    %swap3A_20 = arith.constant 0 : index
    %swap3A_21 = arith.constant 0 : index
    %swap3A_22 = vector.load %arg7[%swap3A, %swap3A_20, %swap3A_21] : memref<1x32x32xf32, #tpu.memory_space<vmem>>, vector<1x32x32xf32>
    %swap3A_23 = vector.shape_cast %swap3A_22 : vector<1x32x32xf32> to vector<32x32xf32>
    %swap3A_24 = vector.shape_cast %scan3A_7 : vector<32x32xf32> to vector<1x32x32xf32>
    tpu.vector_store %arg7[%swap3A, %swap3A_20, %swap3A_21], %swap3A_24 {strides = array<i32>} : memref<1x32x32xf32, #tpu.memory_space<vmem>>, vector<1x32x32xf32>,
    return
  }
  func.func @transform_0(%arg0: i32) -> (i32, i32, i32) {
    %c0_i32 = arith.constant 0 : i32
    %c0_i32_0 = arith.constant 0 : i32
    %c0_i32_1 = arith.constant 0 : i32
    return %arg0, %c0_i32, %c0_i32_0 : i32, i32, i32
  }
  func.func @transform_1(%arg0: i32) -> (i32, i32, i32) {
    %c0_i32 = arith.constant 0 : i32
    %c0_i32_0 = arith.constant 0 : i32
    %c0_i32_1 = arith.constant 0 : i32
    return %arg0, %c0_i32, %c0_i32_0 : i32, i32, i32
  }
  func.func @transform_2(%arg0: i32) -> (i32, i32, i32) {
    %c0_i32 = arith.constant 0 : i32
    %c0_i32_0 = arith.constant 0 : i32
    %c0_i32_1 = arith.constant 0 : i32
    return %arg0, %c0_i32, %c0_i32_0 : i32, i32, i32
  }
  func.func @transform_3(%arg0: i32) -> (i32, i32, i32) {
    %c0_i32 = arith.constant 0 : i32
    %c0_i32_0 = arith.constant 0 : i32
    %c0_i32_1 = arith.constant 0 : i32
    return %arg0, %c0_i32, %c0_i32_0 : i32, i32, i32
  }
  func.func @transform_4(%arg0: i32) -> (i32, i32, i32) {
    %c0_i32 = arith.constant 0 : i32
    %c0_i32_0 = arith.constant 0 : i32
    %c0_i32_1 = arith.constant 0 : i32
    return %arg0, %c0_i32, %c0_i32_0 : i32, i32, i32
  }
  func.func @transform_5(%arg0: i32) -> (i32, i32, i32) {
    %c0_i32 = arith.constant 0 : i32
    %c0_i32_0 = arith.constant 0 : i32
    %c0_i32_1 = arith.constant 0 : i32
    return %arg0, %c0_i32, %c0_i32_0 : i32, i32, i32
  }
  func.func @transform_6(%arg0: i32) -> (i32, i32, i32) {
    %c0_i32 = arith.constant 0 : i32
    %c0_i32_0 = arith.constant 0 : i32
    %c0_i32_1 = arith.constant 0 : i32
    return %arg0, %c0_i32, %c0_i32_0 : i32, i32, i32
  }
}

module attributes {stable_mosaic.version = 14 : i64} {
  func.func @_lstm_body(%arg0: i32, %arg1: memref<1024x32xf32, #tpu.memory_space<vmem>>, %arg2: memref<1024x32xf32, #tpu.memory_space<vmem>>, %arg3: memref<1024x33xf32, #tpu.memory_space<vmem>>, %arg4: memref<1x1024x1xf32, #tpu.memory_space<vmem>>, %arg5: memref<8x64xf32, #tpu.memory_space<vmem>>, %arg6: memref<16x64xf32, #tpu.memory_space<vmem>>, %arg7: memref<1x64xf32, #tpu.memory_space<vmem>>, %arg8: memref<1024x16xf32, #tpu.memory_space<vmem>>) attributes {dimension_semantics = [#tpu.dimension_semantics<parallel>], iteration_bounds = array<i64: 8>, scalar_prefetch = 0 : i64, scratch_operands = 0 : i64, tpu.core_type = #tpu.core_type<tc>, window_params = [{transform_indices = @transform_0, window_bounds = array<i64: 1024, 32>}, {transform_indices = @transform_1, window_bounds = array<i64: 1024, 32>}, {transform_indices = @transform_2, window_bounds = array<i64: 1024, 33>}, {transform_indices = @transform_3, window_bounds = array<i64: 1, 1024, 1>}, {pipeline_mode = #tpu.pipeline_mode<synchronous>, transform_indices = @transform_4, window_bounds = array<i64: 8, 64>}, {pipeline_mode = #tpu.pipeline_mode<synchronous>, transform_indices = @transform_5, window_bounds = array<i64: 16, 64>}, {pipeline_mode = #tpu.pipeline_mode<synchronous>, transform_indices = @transform_6, window_bounds = array<i64: 1, 64>}, {transform_indices = @transform_7, window_bounds = array<i64: 1024, 16>}]} {
    %get3A = arith.constant 0 : index
    %get3A_0 = arith.constant 0 : index
    %get3A_1 = vector.load %arg6[%get3A, %get3A_0] : memref<16x64xf32, #tpu.memory_space<vmem>>, vector<16x64xf32>
    %get3A_2 = arith.constant 0 : index
    %get3A_3 = arith.constant 0 : index
    %get3A_4 = vector.load %arg7[%get3A_2, %get3A_3] : memref<1x64xf32, #tpu.memory_space<vmem>>, vector<1x64xf32>
    %get3A_5 = arith.constant 0 : index
    %get3A_6 = arith.constant 0 : index
    %get3A_7 = arith.constant 0 : index
    %get3A_8 = vector.load %arg4[%get3A_5, %get3A_6, %get3A_7] : memref<1x1024x1xf32, #tpu.memory_space<vmem>>, vector<1x1024x1xf32>
    %get3A_9 = vector.shape_cast %get3A_8 : vector<1x1024x1xf32> to vector<1024x1xf32>
    %min3A = arith.constant 3.200000e+01 : f32
    %min3A_10 = vector.broadcast %min3A : f32 to vector<1024x1xf32>
    %min3A_11 = arith.minimumf %get3A_9, %min3A_10 : vector<1024x1xf32>
    %gt3A = arith.constant 3.200000e+01 : f32
    %gt3A_12 = vector.broadcast %gt3A : f32 to vector<1024x1xf32>
    %gt3A_13 = arith.cmpf ogt, %get3A_9, %gt3A_12 : vector<1024x1xf32>
    %get3A_14 = arith.constant 0 : index
    %get3A_15 = arith.constant 0 : index
    %get3A_16 = vector.load %arg3[%get3A_14, %get3A_15] : memref<1024x33xf32, #tpu.memory_space<vmem>>, vector<1024x33xf32>
    %slice3A = vector.extract_strided_slice %get3A_16 {offsets = [0, 1], sizes = [1024, 32], strides = [1, 1]} : vector<1024x33xf32> to vector<1024x32xf32>
    %slice3A_17 = vector.extract_strided_slice %get3A_16 {offsets = [0, 0], sizes = [1024, 32], strides = [1, 1]} : vector<1024x33xf32> to vector<1024x32xf32>
    %sub3A = arith.subf %slice3A, %slice3A_17 : vector<1024x32xf32>
    %broadcast_in_dim3A = arith.constant 0.000000e+00 : f32
    %broadcast_in_dim3A_18 = vector.broadcast %broadcast_in_dim3A : f32 to vector<1024x1xf32>
    %slice3A_19 = vector.extract_strided_slice %sub3A {offsets = [0, 0], sizes = [1024, 31], strides = [1, 1]} : vector<1024x32xf32> to vector<1024x31xf32>
    %concatenate3A = tpu.concatenate %broadcast_in_dim3A_18, %slice3A_19 in 1 : vector<1024x1xf32>, vector<1024x31xf32> -> vector<1024x32xf32>
    %broadcast_in_dim3A_20 = vector.shape_cast %gt3A_13 : vector<1024x1xi1> to vector<1024x1xi1>
    %broadcast_in_dim3A_21 = vector.broadcast %broadcast_in_dim3A_20 : vector<1024x1xi1> to vector<1024x32xi1>
    %select_n3A = arith.select %broadcast_in_dim3A_21, %sub3A, %concatenate3A : vector<1024x32xi1>, vector<1024x32xf32>
    %iota3A = tpu.iota {dimensions = array<i32: 1>} : vector<1x32xi32>
    %convert_element_type3A = arith.sitofp %iota3A : vector<1x32xi32> to vector<1x32xf32>
    %lt3A = vector.broadcast %convert_element_type3A : vector<1x32xf32> to vector<1024x32xf32>
    %lt3A_22 = vector.broadcast %min3A_11 : vector<1024x1xf32> to vector<1024x32xf32>
    %lt3A_23 = arith.cmpf olt, %lt3A, %lt3A_22 : vector<1024x32xf32>
    %jit3A = arith.constant 0.000000e+00 : f32
    %broadcast_in_dim3A_24 = vector.broadcast %jit3A : f32 to vector<1024x32xf32>
    %select_n3A_25 = arith.select %lt3A_23, %select_n3A, %broadcast_in_dim3A_24 : vector<1024x32xi1>, vector<1024x32xf32>
    %reduce_max3A = arith.constant dense<0xFF800000> : vector<1024xf32>
    %reduce_max3A_26 = vector.multi_reduction <maximumf>, %select_n3A_25, %reduce_max3A [1] : vector<1024x32xf32> to vector<1024xf32>
    %broadcast_in_dim3A_27 = vector.shape_cast %reduce_max3A_26 : vector<1024xf32> to vector<1024x1xf32>
    %max3A = arith.constant 9.99999971E-10 : f32
    %max3A_28 = vector.broadcast %max3A : f32 to vector<1024x1xf32>
    %max3A_29 = arith.maximumf %broadcast_in_dim3A_27, %max3A_28 : vector<1024x1xf32>
    %div3A = vector.broadcast %max3A_29 : vector<1024x1xf32> to vector<1024x32xf32>
    %div3A_30 = arith.divf %select_n3A, %div3A : vector<1024x32xf32>
    %get3A_31 = arith.constant 0 : index
    %get3A_32 = arith.constant 0 : index
    %get3A_33 = vector.load %arg2[%get3A_31, %get3A_32] : memref<1024x32xf32, #tpu.memory_space<vmem>>, vector<1024x32xf32>
    %mul3A = arith.constant 5.000000e-01 : f32
    %mul3A_34 = vector.broadcast %mul3A : f32 to vector<1024x32xf32>
    %mul3A_35 = arith.mulf %get3A_33, %mul3A_34 : vector<1024x32xf32>
    %floor3A = math.floor %mul3A_35 : vector<1024x32xf32>
    %mul3A_36 = arith.constant 2.000000e+00 : f32
    %mul3A_37 = vector.broadcast %mul3A_36 : f32 to vector<1024x32xf32>
    %mul3A_38 = arith.mulf %mul3A_37, %floor3A : vector<1024x32xf32>
    %sub3A_39 = arith.subf %get3A_33, %mul3A_38 : vector<1024x32xf32>
    %get3A_40 = arith.constant 0 : index
    %get3A_41 = arith.constant 0 : index
    %get3A_42 = vector.load %arg1[%get3A_40, %get3A_41] : memref<1024x32xf32, #tpu.memory_space<vmem>>, vector<1024x32xf32>
    %get3A_43 = arith.constant 0 : index
    %get3A_44 = arith.constant 0 : index
    %get3A_45 = vector.load %arg5[%get3A_43, %get3A_44] : memref<8x64xf32, #tpu.memory_space<vmem>>, vector<1x64xf32>
    %get3A_46 = arith.constant 1 : index
    %get3A_47 = arith.constant 0 : index
    %get3A_48 = vector.load %arg5[%get3A_46, %get3A_47] : memref<8x64xf32, #tpu.memory_space<vmem>>, vector<1x64xf32>
    %get3A_49 = arith.constant 2 : index
    %get3A_50 = arith.constant 0 : index
    %get3A_51 = vector.load %arg5[%get3A_49, %get3A_50] : memref<8x64xf32, #tpu.memory_space<vmem>>, vector<1x64xf32>
    %get3A_52 = arith.constant 3 : index
    %get3A_53 = arith.constant 0 : index
    %get3A_54 = vector.load %arg5[%get3A_52, %get3A_53] : memref<8x64xf32, #tpu.memory_space<vmem>>, vector<1x64xf32>
    %broadcast_in_dim3A_55 = arith.constant 0.000000e+00 : f32
    %broadcast_in_dim3A_56 = vector.broadcast %broadcast_in_dim3A_55 : f32 to vector<1024x16xf32>
    %broadcast_in_dim3A_57 = arith.constant 0.000000e+00 : f32
    %broadcast_in_dim3A_58 = vector.broadcast %broadcast_in_dim3A_57 : f32 to vector<1024x16xf32>
    %gt3A_59 = arith.constant 0.000000e+00 : f32
    %gt3A_60 = vector.broadcast %gt3A_59 : f32 to vector<1024x1xf32>
    %gt3A_61 = arith.cmpf ogt, %min3A_11, %gt3A_60 : vector<1024x1xf32>
    %slice3A_62 = vector.extract_strided_slice %get3A_42 {offsets = [0, 0], sizes = [1024, 1], strides = [1, 1]} : vector<1024x32xf32> to vector<1024x1xf32>
    %mul3A_63 = vector.broadcast %slice3A_62 : vector<1024x1xf32> to vector<1024x64xf32>
    %mul3A_64 = vector.broadcast %get3A_45 : vector<1x64xf32> to vector<1024x64xf32>
    %mul3A_65 = arith.mulf %mul3A_63, %mul3A_64 : vector<1024x64xf32>
    %slice3A_66 = vector.extract_strided_slice %sub3A_39 {offsets = [0, 0], sizes = [1024, 1], strides = [1, 1]} : vector<1024x32xf32> to vector<1024x1xf32>
    %mul3A_67 = vector.broadcast %slice3A_66 : vector<1024x1xf32> to vector<1024x64xf32>
    %mul3A_68 = vector.broadcast %get3A_48 : vector<1x64xf32> to vector<1024x64xf32>
    %mul3A_69 = arith.mulf %mul3A_67, %mul3A_68 : vector<1024x64xf32>
    %add3A = arith.addf %mul3A_65, %mul3A_69 : vector<1024x64xf32>
    %slice3A_70 = vector.extract_strided_slice %floor3A {offsets = [0, 0], sizes = [1024, 1], strides = [1, 1]} : vector<1024x32xf32> to vector<1024x1xf32>
    %mul3A_71 = vector.broadcast %slice3A_70 : vector<1024x1xf32> to vector<1024x64xf32>
    %mul3A_72 = vector.broadcast %get3A_51 : vector<1x64xf32> to vector<1024x64xf32>
    %mul3A_73 = arith.mulf %mul3A_71, %mul3A_72 : vector<1024x64xf32>
    %add3A_74 = arith.addf %add3A, %mul3A_73 : vector<1024x64xf32>
    %slice3A_75 = vector.extract_strided_slice %div3A_30 {offsets = [0, 0], sizes = [1024, 1], strides = [1, 1]} : vector<1024x32xf32> to vector<1024x1xf32>
    %mul3A_76 = vector.broadcast %slice3A_75 : vector<1024x1xf32> to vector<1024x64xf32>
    %mul3A_77 = vector.broadcast %get3A_54 : vector<1x64xf32> to vector<1024x64xf32>
    %mul3A_78 = arith.mulf %mul3A_76, %mul3A_77 : vector<1024x64xf32>
    %add3A_79 = arith.addf %add3A_74, %mul3A_78 : vector<1024x64xf32>
    %dot_general3A = arith.constant dense<0.000000e+00> : vector<1024x64xf32>
    %dot_general3A_80 = tpu.matmul %broadcast_in_dim3A_56, %get3A_1, %dot_general3A {dimension_numbers = #tpu.dot_dimension_numbers<[1], [0], [0], [1], [0, 0, 1, 1], [], []>, transpose_lhs_hint = false} : vector<1024x16xf32>, vector<16x64xf32>, vector<1024x64xf32> -> vector<1024x64xf32>
    %add3A_81 = arith.addf %add3A_79, %dot_general3A_80 : vector<1024x64xf32>
    %add3A_82 = vector.broadcast %get3A_4 : vector<1x64xf32> to vector<1024x64xf32>
    %add3A_83 = arith.addf %add3A_81, %add3A_82 : vector<1024x64xf32>
    %slice3A_84 = vector.extract_strided_slice %add3A_83 {offsets = [0, 0], sizes = [1024, 16], strides = [1, 1]} : vector<1024x64xf32> to vector<1024x16xf32>
    %neg3A = arith.constant 0.000000e+00 : f32
    %neg3A_85 = vector.broadcast %neg3A : f32 to vector<1024x16xf32>
    %neg3A_86 = arith.subf %neg3A_85, %slice3A_84 : vector<1024x16xf32>
    %exp3A = math.exp %neg3A_86 : vector<1024x16xf32>
    %add3A_87 = arith.constant 1.000000e+00 : f32
    %add3A_88 = vector.broadcast %add3A_87 : f32 to vector<1024x16xf32>
    %add3A_89 = arith.addf %add3A_88, %exp3A : vector<1024x16xf32>
    %div3A_90 = arith.constant 1.000000e+00 : f32
    %div3A_91 = vector.broadcast %div3A_90 : f32 to vector<1024x16xf32>
    %div3A_92 = arith.divf %div3A_91, %add3A_89 : vector<1024x16xf32>
    %slice3A_93 = vector.extract_strided_slice %add3A_83 {offsets = [0, 16], sizes = [1024, 16], strides = [1, 1]} : vector<1024x64xf32> to vector<1024x16xf32>
    %neg3A_94 = arith.constant 0.000000e+00 : f32
    %neg3A_95 = vector.broadcast %neg3A_94 : f32 to vector<1024x16xf32>
    %neg3A_96 = arith.subf %neg3A_95, %slice3A_93 : vector<1024x16xf32>
    %exp3A_97 = math.exp %neg3A_96 : vector<1024x16xf32>
    %add3A_98 = arith.constant 1.000000e+00 : f32
    %add3A_99 = vector.broadcast %add3A_98 : f32 to vector<1024x16xf32>
    %add3A_100 = arith.addf %add3A_99, %exp3A_97 : vector<1024x16xf32>
    %div3A_101 = arith.constant 1.000000e+00 : f32
    %div3A_102 = vector.broadcast %div3A_101 : f32 to vector<1024x16xf32>
    %div3A_103 = arith.divf %div3A_102, %add3A_100 : vector<1024x16xf32>
    %slice3A_104 = vector.extract_strided_slice %add3A_83 {offsets = [0, 32], sizes = [1024, 16], strides = [1, 1]} : vector<1024x64xf32> to vector<1024x16xf32>
    %tanh3A = math.tanh %slice3A_104 : vector<1024x16xf32>
    %slice3A_105 = vector.extract_strided_slice %add3A_83 {offsets = [0, 48], sizes = [1024, 16], strides = [1, 1]} : vector<1024x64xf32> to vector<1024x16xf32>
    %neg3A_106 = arith.constant 0.000000e+00 : f32
    %neg3A_107 = vector.broadcast %neg3A_106 : f32 to vector<1024x16xf32>
    %neg3A_108 = arith.subf %neg3A_107, %slice3A_105 : vector<1024x16xf32>
    %exp3A_109 = math.exp %neg3A_108 : vector<1024x16xf32>
    %add3A_110 = arith.constant 1.000000e+00 : f32
    %add3A_111 = vector.broadcast %add3A_110 : f32 to vector<1024x16xf32>
    %add3A_112 = arith.addf %add3A_111, %exp3A_109 : vector<1024x16xf32>
    %div3A_113 = arith.constant 1.000000e+00 : f32
    %div3A_114 = vector.broadcast %div3A_113 : f32 to vector<1024x16xf32>
    %div3A_115 = arith.divf %div3A_114, %add3A_112 : vector<1024x16xf32>
    %mul3A_116 = arith.mulf %div3A_103, %broadcast_in_dim3A_58 : vector<1024x16xf32>
    %mul3A_117 = arith.mulf %div3A_92, %tanh3A : vector<1024x16xf32>
    %add3A_118 = arith.addf %mul3A_116, %mul3A_117 : vector<1024x16xf32>
    %tanh3A_119 = math.tanh %add3A_118 : vector<1024x16xf32>
    %mul3A_120 = arith.mulf %div3A_115, %tanh3A_119 : vector<1024x16xf32>
    %broadcast_in_dim3A_121 = vector.shape_cast %gt3A_61 : vector<1024x1xi1> to vector<1024x1xi1>
    %broadcast_in_dim3A_122 = vector.broadcast %broadcast_in_dim3A_121 : vector<1024x1xi1> to vector<1024x16xi1>
    %select_n3A_123 = arith.select %broadcast_in_dim3A_122, %mul3A_120, %broadcast_in_dim3A_56 : vector<1024x16xi1>, vector<1024x16xf32>
    %broadcast_in_dim3A_124 = vector.shape_cast %gt3A_61 : vector<1024x1xi1> to vector<1024x1xi1>
    %broadcast_in_dim3A_125 = vector.broadcast %broadcast_in_dim3A_124 : vector<1024x1xi1> to vector<1024x16xi1>
    %select_n3A_126 = arith.select %broadcast_in_dim3A_125, %add3A_118, %broadcast_in_dim3A_58 : vector<1024x16xi1>, vector<1024x16xf32>
    %gt3A_127 = arith.constant 1.000000e+00 : f32
    %gt3A_128 = vector.broadcast %gt3A_127 : f32 to vector<1024x1xf32>
    %gt3A_129 = arith.cmpf ogt, %min3A_11, %gt3A_128 : vector<1024x1xf32>
    %slice3A_130 = vector.extract_strided_slice %get3A_42 {offsets = [0, 1], sizes = [1024, 1], strides = [1, 1]} : vector<1024x32xf32> to vector<1024x1xf32>
    %mul3A_131 = vector.broadcast %slice3A_130 : vector<1024x1xf32> to vector<1024x64xf32>
    %mul3A_132 = vector.broadcast %get3A_45 : vector<1x64xf32> to vector<1024x64xf32>
    %mul3A_133 = arith.mulf %mul3A_131, %mul3A_132 : vector<1024x64xf32>
    %slice3A_134 = vector.extract_strided_slice %sub3A_39 {offsets = [0, 1], sizes = [1024, 1], strides = [1, 1]} : vector<1024x32xf32> to vector<1024x1xf32>
    %mul3A_135 = vector.broadcast %slice3A_134 : vector<1024x1xf32> to vector<1024x64xf32>
    %mul3A_136 = vector.broadcast %get3A_48 : vector<1x64xf32> to vector<1024x64xf32>
    %mul3A_137 = arith.mulf %mul3A_135, %mul3A_136 : vector<1024x64xf32>
    %add3A_138 = arith.addf %mul3A_133, %mul3A_137 : vector<1024x64xf32>
    %slice3A_139 = vector.extract_strided_slice %floor3A {offsets = [0, 1], sizes = [1024, 1], strides = [1, 1]} : vector<1024x32xf32> to vector<1024x1xf32>
    %mul3A_140 = vector.broadcast %slice3A_139 : vector<1024x1xf32> to vector<1024x64xf32>
    %mul3A_141 = vector.broadcast %get3A_51 : vector<1x64xf32> to vector<1024x64xf32>
    %mul3A_142 = arith.mulf %mul3A_140, %mul3A_141 : vector<1024x64xf32>
    %add3A_143 = arith.addf %add3A_138, %mul3A_142 : vector<1024x64xf32>
    %slice3A_144 = vector.extract_strided_slice %div3A_30 {offsets = [0, 1], sizes = [1024, 1], strides = [1, 1]} : vector<1024x32xf32> to vector<1024x1xf32>
    %mul3A_145 = vector.broadcast %slice3A_144 : vector<1024x1xf32> to vector<1024x64xf32>
    %mul3A_146 = vector.broadcast %get3A_54 : vector<1x64xf32> to vector<1024x64xf32>
    %mul3A_147 = arith.mulf %mul3A_145, %mul3A_146 : vector<1024x64xf32>
    %add3A_148 = arith.addf %add3A_143, %mul3A_147 : vector<1024x64xf32>
    %dot_general3A_149 = arith.constant dense<0.000000e+00> : vector<1024x64xf32>
    %dot_general3A_150 = tpu.matmul %select_n3A_123, %get3A_1, %dot_general3A_149 {dimension_numbers = #tpu.dot_dimension_numbers<[1], [0], [0], [1], [0, 0, 1, 1], [], []>, transpose_lhs_hint = false} : vector<1024x16xf32>, vector<16x64xf32>, vector<1024x64xf32> -> vector<1024x64xf32>
    %add3A_151 = arith.addf %add3A_148, %dot_general3A_150 : vector<1024x64xf32>
    %add3A_152 = vector.broadcast %get3A_4 : vector<1x64xf32> to vector<1024x64xf32>
    %add3A_153 = arith.addf %add3A_151, %add3A_152 : vector<1024x64xf32>
    %slice3A_154 = vector.extract_strided_slice %add3A_153 {offsets = [0, 0], sizes = [1024, 16], strides = [1, 1]} : vector<1024x64xf32> to vector<1024x16xf32>
    %neg3A_155 = arith.constant 0.000000e+00 : f32
    %neg3A_156 = vector.broadcast %neg3A_155 : f32 to vector<1024x16xf32>
    %neg3A_157 = arith.subf %neg3A_156, %slice3A_154 : vector<1024x16xf32>
    %exp3A_158 = math.exp %neg3A_157 : vector<1024x16xf32>
    %add3A_159 = arith.constant 1.000000e+00 : f32
    %add3A_160 = vector.broadcast %add3A_159 : f32 to vector<1024x16xf32>
    %add3A_161 = arith.addf %add3A_160, %exp3A_158 : vector<1024x16xf32>
    %div3A_162 = arith.constant 1.000000e+00 : f32
    %div3A_163 = vector.broadcast %div3A_162 : f32 to vector<1024x16xf32>
    %div3A_164 = arith.divf %div3A_163, %add3A_161 : vector<1024x16xf32>
    %slice3A_165 = vector.extract_strided_slice %add3A_153 {offsets = [0, 16], sizes = [1024, 16], strides = [1, 1]} : vector<1024x64xf32> to vector<1024x16xf32>
    %neg3A_166 = arith.constant 0.000000e+00 : f32
    %neg3A_167 = vector.broadcast %neg3A_166 : f32 to vector<1024x16xf32>
    %neg3A_168 = arith.subf %neg3A_167, %slice3A_165 : vector<1024x16xf32>
    %exp3A_169 = math.exp %neg3A_168 : vector<1024x16xf32>
    %add3A_170 = arith.constant 1.000000e+00 : f32
    %add3A_171 = vector.broadcast %add3A_170 : f32 to vector<1024x16xf32>
    %add3A_172 = arith.addf %add3A_171, %exp3A_169 : vector<1024x16xf32>
    %div3A_173 = arith.constant 1.000000e+00 : f32
    %div3A_174 = vector.broadcast %div3A_173 : f32 to vector<1024x16xf32>
    %div3A_175 = arith.divf %div3A_174, %add3A_172 : vector<1024x16xf32>
    %slice3A_176 = vector.extract_strided_slice %add3A_153 {offsets = [0, 32], sizes = [1024, 16], strides = [1, 1]} : vector<1024x64xf32> to vector<1024x16xf32>
    %tanh3A_177 = math.tanh %slice3A_176 : vector<1024x16xf32>
    %slice3A_178 = vector.extract_strided_slice %add3A_153 {offsets = [0, 48], sizes = [1024, 16], strides = [1, 1]} : vector<1024x64xf32> to vector<1024x16xf32>
    %neg3A_179 = arith.constant 0.000000e+00 : f32
    %neg3A_180 = vector.broadcast %neg3A_179 : f32 to vector<1024x16xf32>
    %neg3A_181 = arith.subf %neg3A_180, %slice3A_178 : vector<1024x16xf32>
    %exp3A_182 = math.exp %neg3A_181 : vector<1024x16xf32>
    %add3A_183 = arith.constant 1.000000e+00 : f32
    %add3A_184 = vector.broadcast %add3A_183 : f32 to vector<1024x16xf32>
    %add3A_185 = arith.addf %add3A_184, %exp3A_182 : vector<1024x16xf32>
    %div3A_186 = arith.constant 1.000000e+00 : f32
    %div3A_187 = vector.broadcast %div3A_186 : f32 to vector<1024x16xf32>
    %div3A_188 = arith.divf %div3A_187, %add3A_185 : vector<1024x16xf32>
    %mul3A_189 = arith.mulf %div3A_175, %select_n3A_126 : vector<1024x16xf32>
    %mul3A_190 = arith.mulf %div3A_164, %tanh3A_177 : vector<1024x16xf32>
    %add3A_191 = arith.addf %mul3A_189, %mul3A_190 : vector<1024x16xf32>
    %tanh3A_192 = math.tanh %add3A_191 : vector<1024x16xf32>
    %mul3A_193 = arith.mulf %div3A_188, %tanh3A_192 : vector<1024x16xf32>
    %broadcast_in_dim3A_194 = vector.shape_cast %gt3A_129 : vector<1024x1xi1> to vector<1024x1xi1>
    %broadcast_in_dim3A_195 = vector.broadcast %broadcast_in_dim3A_194 : vector<1024x1xi1> to vector<1024x16xi1>
    %select_n3A_196 = arith.select %broadcast_in_dim3A_195, %mul3A_193, %select_n3A_123 : vector<1024x16xi1>, vector<1024x16xf32>
    %broadcast_in_dim3A_197 = vector.shape_cast %gt3A_129 : vector<1024x1xi1> to vector<1024x1xi1>
    %broadcast_in_dim3A_198 = vector.broadcast %broadcast_in_dim3A_197 : vector<1024x1xi1> to vector<1024x16xi1>
    %select_n3A_199 = arith.select %broadcast_in_dim3A_198, %add3A_191, %select_n3A_126 : vector<1024x16xi1>, vector<1024x16xf32>
    %gt3A_200 = arith.constant 2.000000e+00 : f32
    %gt3A_201 = vector.broadcast %gt3A_200 : f32 to vector<1024x1xf32>
    %gt3A_202 = arith.cmpf ogt, %min3A_11, %gt3A_201 : vector<1024x1xf32>
    %slice3A_203 = vector.extract_strided_slice %get3A_42 {offsets = [0, 2], sizes = [1024, 1], strides = [1, 1]} : vector<1024x32xf32> to vector<1024x1xf32>
    %mul3A_204 = vector.broadcast %slice3A_203 : vector<1024x1xf32> to vector<1024x64xf32>
    %mul3A_205 = vector.broadcast %get3A_45 : vector<1x64xf32> to vector<1024x64xf32>
    %mul3A_206 = arith.mulf %mul3A_204, %mul3A_205 : vector<1024x64xf32>
    %slice3A_207 = vector.extract_strided_slice %sub3A_39 {offsets = [0, 2], sizes = [1024, 1], strides = [1, 1]} : vector<1024x32xf32> to vector<1024x1xf32>
    %mul3A_208 = vector.broadcast %slice3A_207 : vector<1024x1xf32> to vector<1024x64xf32>
    %mul3A_209 = vector.broadcast %get3A_48 : vector<1x64xf32> to vector<1024x64xf32>
    %mul3A_210 = arith.mulf %mul3A_208, %mul3A_209 : vector<1024x64xf32>
    %add3A_211 = arith.addf %mul3A_206, %mul3A_210 : vector<1024x64xf32>
    %slice3A_212 = vector.extract_strided_slice %floor3A {offsets = [0, 2], sizes = [1024, 1], strides = [1, 1]} : vector<1024x32xf32> to vector<1024x1xf32>
    %mul3A_213 = vector.broadcast %slice3A_212 : vector<1024x1xf32> to vector<1024x64xf32>
    %mul3A_214 = vector.broadcast %get3A_51 : vector<1x64xf32> to vector<1024x64xf32>
    %mul3A_215 = arith.mulf %mul3A_213, %mul3A_214 : vector<1024x64xf32>
    %add3A_216 = arith.addf %add3A_211, %mul3A_215 : vector<1024x64xf32>
    %slice3A_217 = vector.extract_strided_slice %div3A_30 {offsets = [0, 2], sizes = [1024, 1], strides = [1, 1]} : vector<1024x32xf32> to vector<1024x1xf32>
    %mul3A_218 = vector.broadcast %slice3A_217 : vector<1024x1xf32> to vector<1024x64xf32>
    %mul3A_219 = vector.broadcast %get3A_54 : vector<1x64xf32> to vector<1024x64xf32>
    %mul3A_220 = arith.mulf %mul3A_218, %mul3A_219 : vector<1024x64xf32>
    %add3A_221 = arith.addf %add3A_216, %mul3A_220 : vector<1024x64xf32>
    %dot_general3A_222 = arith.constant dense<0.000000e+00> : vector<1024x64xf32>
    %dot_general3A_223 = tpu.matmul %select_n3A_196, %get3A_1, %dot_general3A_222 {dimension_numbers = #tpu.dot_dimension_numbers<[1], [0], [0], [1], [0, 0, 1, 1], [], []>, transpose_lhs_hint = false} : vector<1024x16xf32>, vector<16x64xf32>, vector<1024x64xf32> -> vector<1024x64xf32>
    %add3A_224 = arith.addf %add3A_221, %dot_general3A_223 : vector<1024x64xf32>
    %add3A_225 = vector.broadcast %get3A_4 : vector<1x64xf32> to vector<1024x64xf32>
    %add3A_226 = arith.addf %add3A_224, %add3A_225 : vector<1024x64xf32>
    %slice3A_227 = vector.extract_strided_slice %add3A_226 {offsets = [0, 0], sizes = [1024, 16], strides = [1, 1]} : vector<1024x64xf32> to vector<1024x16xf32>
    %neg3A_228 = arith.constant 0.000000e+00 : f32
    %neg3A_229 = vector.broadcast %neg3A_228 : f32 to vector<1024x16xf32>
    %neg3A_230 = arith.subf %neg3A_229, %slice3A_227 : vector<1024x16xf32>
    %exp3A_231 = math.exp %neg3A_230 : vector<1024x16xf32>
    %add3A_232 = arith.constant 1.000000e+00 : f32
    %add3A_233 = vector.broadcast %add3A_232 : f32 to vector<1024x16xf32>
    %add3A_234 = arith.addf %add3A_233, %exp3A_231 : vector<1024x16xf32>
    %div3A_235 = arith.constant 1.000000e+00 : f32
    %div3A_236 = vector.broadcast %div3A_235 : f32 to vector<1024x16xf32>
    %div3A_237 = arith.divf %div3A_236, %add3A_234 : vector<1024x16xf32>
    %slice3A_238 = vector.extract_strided_slice %add3A_226 {offsets = [0, 16], sizes = [1024, 16], strides = [1, 1]} : vector<1024x64xf32> to vector<1024x16xf32>
    %neg3A_239 = arith.constant 0.000000e+00 : f32
    %neg3A_240 = vector.broadcast %neg3A_239 : f32 to vector<1024x16xf32>
    %neg3A_241 = arith.subf %neg3A_240, %slice3A_238 : vector<1024x16xf32>
    %exp3A_242 = math.exp %neg3A_241 : vector<1024x16xf32>
    %add3A_243 = arith.constant 1.000000e+00 : f32
    %add3A_244 = vector.broadcast %add3A_243 : f32 to vector<1024x16xf32>
    %add3A_245 = arith.addf %add3A_244, %exp3A_242 : vector<1024x16xf32>
    %div3A_246 = arith.constant 1.000000e+00 : f32
    %div3A_247 = vector.broadcast %div3A_246 : f32 to vector<1024x16xf32>
    %div3A_248 = arith.divf %div3A_247, %add3A_245 : vector<1024x16xf32>
    %slice3A_249 = vector.extract_strided_slice %add3A_226 {offsets = [0, 32], sizes = [1024, 16], strides = [1, 1]} : vector<1024x64xf32> to vector<1024x16xf32>
    %tanh3A_250 = math.tanh %slice3A_249 : vector<1024x16xf32>
    %slice3A_251 = vector.extract_strided_slice %add3A_226 {offsets = [0, 48], sizes = [1024, 16], strides = [1, 1]} : vector<1024x64xf32> to vector<1024x16xf32>
    %neg3A_252 = arith.constant 0.000000e+00 : f32
    %neg3A_253 = vector.broadcast %neg3A_252 : f32 to vector<1024x16xf32>
    %neg3A_254 = arith.subf %neg3A_253, %slice3A_251 : vector<1024x16xf32>
    %exp3A_255 = math.exp %neg3A_254 : vector<1024x16xf32>
    %add3A_256 = arith.constant 1.000000e+00 : f32
    %add3A_257 = vector.broadcast %add3A_256 : f32 to vector<1024x16xf32>
    %add3A_258 = arith.addf %add3A_257, %exp3A_255 : vector<1024x16xf32>
    %div3A_259 = arith.constant 1.000000e+00 : f32
    %div3A_260 = vector.broadcast %div3A_259 : f32 to vector<1024x16xf32>
    %div3A_261 = arith.divf %div3A_260, %add3A_258 : vector<1024x16xf32>
    %mul3A_262 = arith.mulf %div3A_248, %select_n3A_199 : vector<1024x16xf32>
    %mul3A_263 = arith.mulf %div3A_237, %tanh3A_250 : vector<1024x16xf32>
    %add3A_264 = arith.addf %mul3A_262, %mul3A_263 : vector<1024x16xf32>
    %tanh3A_265 = math.tanh %add3A_264 : vector<1024x16xf32>
    %mul3A_266 = arith.mulf %div3A_261, %tanh3A_265 : vector<1024x16xf32>
    %broadcast_in_dim3A_267 = vector.shape_cast %gt3A_202 : vector<1024x1xi1> to vector<1024x1xi1>
    %broadcast_in_dim3A_268 = vector.broadcast %broadcast_in_dim3A_267 : vector<1024x1xi1> to vector<1024x16xi1>
    %select_n3A_269 = arith.select %broadcast_in_dim3A_268, %mul3A_266, %select_n3A_196 : vector<1024x16xi1>, vector<1024x16xf32>
    %broadcast_in_dim3A_270 = vector.shape_cast %gt3A_202 : vector<1024x1xi1> to vector<1024x1xi1>
    %broadcast_in_dim3A_271 = vector.broadcast %broadcast_in_dim3A_270 : vector<1024x1xi1> to vector<1024x16xi1>
    %select_n3A_272 = arith.select %broadcast_in_dim3A_271, %add3A_264, %select_n3A_199 : vector<1024x16xi1>, vector<1024x16xf32>
    %gt3A_273 = arith.constant 3.000000e+00 : f32
    %gt3A_274 = vector.broadcast %gt3A_273 : f32 to vector<1024x1xf32>
    %gt3A_275 = arith.cmpf ogt, %min3A_11, %gt3A_274 : vector<1024x1xf32>
    %slice3A_276 = vector.extract_strided_slice %get3A_42 {offsets = [0, 3], sizes = [1024, 1], strides = [1, 1]} : vector<1024x32xf32> to vector<1024x1xf32>
    %mul3A_277 = vector.broadcast %slice3A_276 : vector<1024x1xf32> to vector<1024x64xf32>
    %mul3A_278 = vector.broadcast %get3A_45 : vector<1x64xf32> to vector<1024x64xf32>
    %mul3A_279 = arith.mulf %mul3A_277, %mul3A_278 : vector<1024x64xf32>
    %slice3A_280 = vector.extract_strided_slice %sub3A_39 {offsets = [0, 3], sizes = [1024, 1], strides = [1, 1]} : vector<1024x32xf32> to vector<1024x1xf32>
    %mul3A_281 = vector.broadcast %slice3A_280 : vector<1024x1xf32> to vector<1024x64xf32>
    %mul3A_282 = vector.broadcast %get3A_48 : vector<1x64xf32> to vector<1024x64xf32>
    %mul3A_283 = arith.mulf %mul3A_281, %mul3A_282 : vector<1024x64xf32>
    %add3A_284 = arith.addf %mul3A_279, %mul3A_283 : vector<1024x64xf32>
    %slice3A_285 = vector.extract_strided_slice %floor3A {offsets = [0, 3], sizes = [1024, 1], strides = [1, 1]} : vector<1024x32xf32> to vector<1024x1xf32>
    %mul3A_286 = vector.broadcast %slice3A_285 : vector<1024x1xf32> to vector<1024x64xf32>
    %mul3A_287 = vector.broadcast %get3A_51 : vector<1x64xf32> to vector<1024x64xf32>
    %mul3A_288 = arith.mulf %mul3A_286, %mul3A_287 : vector<1024x64xf32>
    %add3A_289 = arith.addf %add3A_284, %mul3A_288 : vector<1024x64xf32>
    %slice3A_290 = vector.extract_strided_slice %div3A_30 {offsets = [0, 3], sizes = [1024, 1], strides = [1, 1]} : vector<1024x32xf32> to vector<1024x1xf32>
    %mul3A_291 = vector.broadcast %slice3A_290 : vector<1024x1xf32> to vector<1024x64xf32>
    %mul3A_292 = vector.broadcast %get3A_54 : vector<1x64xf32> to vector<1024x64xf32>
    %mul3A_293 = arith.mulf %mul3A_291, %mul3A_292 : vector<1024x64xf32>
    %add3A_294 = arith.addf %add3A_289, %mul3A_293 : vector<1024x64xf32>
    %dot_general3A_295 = arith.constant dense<0.000000e+00> : vector<1024x64xf32>
    %dot_general3A_296 = tpu.matmul %select_n3A_269, %get3A_1, %dot_general3A_295 {dimension_numbers = #tpu.dot_dimension_numbers<[1], [0], [0], [1], [0, 0, 1, 1], [], []>, transpose_lhs_hint = false} : vector<1024x16xf32>, vector<16x64xf32>, vector<1024x64xf32> -> vector<1024x64xf32>
    %add3A_297 = arith.addf %add3A_294, %dot_general3A_296 : vector<1024x64xf32>
    %add3A_298 = vector.broadcast %get3A_4 : vector<1x64xf32> to vector<1024x64xf32>
    %add3A_299 = arith.addf %add3A_297, %add3A_298 : vector<1024x64xf32>
    %slice3A_300 = vector.extract_strided_slice %add3A_299 {offsets = [0, 0], sizes = [1024, 16], strides = [1, 1]} : vector<1024x64xf32> to vector<1024x16xf32>
    %neg3A_301 = arith.constant 0.000000e+00 : f32
    %neg3A_302 = vector.broadcast %neg3A_301 : f32 to vector<1024x16xf32>
    %neg3A_303 = arith.subf %neg3A_302, %slice3A_300 : vector<1024x16xf32>
    %exp3A_304 = math.exp %neg3A_303 : vector<1024x16xf32>
    %add3A_305 = arith.constant 1.000000e+00 : f32
    %add3A_306 = vector.broadcast %add3A_305 : f32 to vector<1024x16xf32>
    %add3A_307 = arith.addf %add3A_306, %exp3A_304 : vector<1024x16xf32>
    %div3A_308 = arith.constant 1.000000e+00 : f32
    %div3A_309 = vector.broadcast %div3A_308 : f32 to vector<1024x16xf32>
    %div3A_310 = arith.divf %div3A_309, %add3A_307 : vector<1024x16xf32>
    %slice3A_311 = vector.extract_strided_slice %add3A_299 {offsets = [0, 16], sizes = [1024, 16], strides = [1, 1]} : vector<1024x64xf32> to vector<1024x16xf32>
    %neg3A_312 = arith.constant 0.000000e+00 : f32
    %neg3A_313 = vector.broadcast %neg3A_312 : f32 to vector<1024x16xf32>
    %neg3A_314 = arith.subf %neg3A_313, %slice3A_311 : vector<1024x16xf32>
    %exp3A_315 = math.exp %neg3A_314 : vector<1024x16xf32>
    %add3A_316 = arith.constant 1.000000e+00 : f32
    %add3A_317 = vector.broadcast %add3A_316 : f32 to vector<1024x16xf32>
    %add3A_318 = arith.addf %add3A_317, %exp3A_315 : vector<1024x16xf32>
    %div3A_319 = arith.constant 1.000000e+00 : f32
    %div3A_320 = vector.broadcast %div3A_319 : f32 to vector<1024x16xf32>
    %div3A_321 = arith.divf %div3A_320, %add3A_318 : vector<1024x16xf32>
    %slice3A_322 = vector.extract_strided_slice %add3A_299 {offsets = [0, 32], sizes = [1024, 16], strides = [1, 1]} : vector<1024x64xf32> to vector<1024x16xf32>
    %tanh3A_323 = math.tanh %slice3A_322 : vector<1024x16xf32>
    %slice3A_324 = vector.extract_strided_slice %add3A_299 {offsets = [0, 48], sizes = [1024, 16], strides = [1, 1]} : vector<1024x64xf32> to vector<1024x16xf32>
    %neg3A_325 = arith.constant 0.000000e+00 : f32
    %neg3A_326 = vector.broadcast %neg3A_325 : f32 to vector<1024x16xf32>
    %neg3A_327 = arith.subf %neg3A_326, %slice3A_324 : vector<1024x16xf32>
    %exp3A_328 = math.exp %neg3A_327 : vector<1024x16xf32>
    %add3A_329 = arith.constant 1.000000e+00 : f32
    %add3A_330 = vector.broadcast %add3A_329 : f32 to vector<1024x16xf32>
    %add3A_331 = arith.addf %add3A_330, %exp3A_328 : vector<1024x16xf32>
    %div3A_332 = arith.constant 1.000000e+00 : f32
    %div3A_333 = vector.broadcast %div3A_332 : f32 to vector<1024x16xf32>
    %div3A_334 = arith.divf %div3A_333, %add3A_331 : vector<1024x16xf32>
    %mul3A_335 = arith.mulf %div3A_321, %select_n3A_272 : vector<1024x16xf32>
    %mul3A_336 = arith.mulf %div3A_310, %tanh3A_323 : vector<1024x16xf32>
    %add3A_337 = arith.addf %mul3A_335, %mul3A_336 : vector<1024x16xf32>
    %tanh3A_338 = math.tanh %add3A_337 : vector<1024x16xf32>
    %mul3A_339 = arith.mulf %div3A_334, %tanh3A_338 : vector<1024x16xf32>
    %broadcast_in_dim3A_340 = vector.shape_cast %gt3A_275 : vector<1024x1xi1> to vector<1024x1xi1>
    %broadcast_in_dim3A_341 = vector.broadcast %broadcast_in_dim3A_340 : vector<1024x1xi1> to vector<1024x16xi1>
    %select_n3A_342 = arith.select %broadcast_in_dim3A_341, %mul3A_339, %select_n3A_269 : vector<1024x16xi1>, vector<1024x16xf32>
    %broadcast_in_dim3A_343 = vector.shape_cast %gt3A_275 : vector<1024x1xi1> to vector<1024x1xi1>
    %broadcast_in_dim3A_344 = vector.broadcast %broadcast_in_dim3A_343 : vector<1024x1xi1> to vector<1024x16xi1>
    %select_n3A_345 = arith.select %broadcast_in_dim3A_344, %add3A_337, %select_n3A_272 : vector<1024x16xi1>, vector<1024x16xf32>
    %gt3A_346 = arith.constant 4.000000e+00 : f32
    %gt3A_347 = vector.broadcast %gt3A_346 : f32 to vector<1024x1xf32>
    %gt3A_348 = arith.cmpf ogt, %min3A_11, %gt3A_347 : vector<1024x1xf32>
    %slice3A_349 = vector.extract_strided_slice %get3A_42 {offsets = [0, 4], sizes = [1024, 1], strides = [1, 1]} : vector<1024x32xf32> to vector<1024x1xf32>
    %mul3A_350 = vector.broadcast %slice3A_349 : vector<1024x1xf32> to vector<1024x64xf32>
    %mul3A_351 = vector.broadcast %get3A_45 : vector<1x64xf32> to vector<1024x64xf32>
    %mul3A_352 = arith.mulf %mul3A_350, %mul3A_351 : vector<1024x64xf32>
    %slice3A_353 = vector.extract_strided_slice %sub3A_39 {offsets = [0, 4], sizes = [1024, 1], strides = [1, 1]} : vector<1024x32xf32> to vector<1024x1xf32>
    %mul3A_354 = vector.broadcast %slice3A_353 : vector<1024x1xf32> to vector<1024x64xf32>
    %mul3A_355 = vector.broadcast %get3A_48 : vector<1x64xf32> to vector<1024x64xf32>
    %mul3A_356 = arith.mulf %mul3A_354, %mul3A_355 : vector<1024x64xf32>
    %add3A_357 = arith.addf %mul3A_352, %mul3A_356 : vector<1024x64xf32>
    %slice3A_358 = vector.extract_strided_slice %floor3A {offsets = [0, 4], sizes = [1024, 1], strides = [1, 1]} : vector<1024x32xf32> to vector<1024x1xf32>
    %mul3A_359 = vector.broadcast %slice3A_358 : vector<1024x1xf32> to vector<1024x64xf32>
    %mul3A_360 = vector.broadcast %get3A_51 : vector<1x64xf32> to vector<1024x64xf32>
    %mul3A_361 = arith.mulf %mul3A_359, %mul3A_360 : vector<1024x64xf32>
    %add3A_362 = arith.addf %add3A_357, %mul3A_361 : vector<1024x64xf32>
    %slice3A_363 = vector.extract_strided_slice %div3A_30 {offsets = [0, 4], sizes = [1024, 1], strides = [1, 1]} : vector<1024x32xf32> to vector<1024x1xf32>
    %mul3A_364 = vector.broadcast %slice3A_363 : vector<1024x1xf32> to vector<1024x64xf32>
    %mul3A_365 = vector.broadcast %get3A_54 : vector<1x64xf32> to vector<1024x64xf32>
    %mul3A_366 = arith.mulf %mul3A_364, %mul3A_365 : vector<1024x64xf32>
    %add3A_367 = arith.addf %add3A_362, %mul3A_366 : vector<1024x64xf32>
    %dot_general3A_368 = arith.constant dense<0.000000e+00> : vector<1024x64xf32>
    %dot_general3A_369 = tpu.matmul %select_n3A_342, %get3A_1, %dot_general3A_368 {dimension_numbers = #tpu.dot_dimension_numbers<[1], [0], [0], [1], [0, 0, 1, 1], [], []>, transpose_lhs_hint = false} : vector<1024x16xf32>, vector<16x64xf32>, vector<1024x64xf32> -> vector<1024x64xf32>
    %add3A_370 = arith.addf %add3A_367, %dot_general3A_369 : vector<1024x64xf32>
    %add3A_371 = vector.broadcast %get3A_4 : vector<1x64xf32> to vector<1024x64xf32>
    %add3A_372 = arith.addf %add3A_370, %add3A_371 : vector<1024x64xf32>
    %slice3A_373 = vector.extract_strided_slice %add3A_372 {offsets = [0, 0], sizes = [1024, 16], strides = [1, 1]} : vector<1024x64xf32> to vector<1024x16xf32>
    %neg3A_374 = arith.constant 0.000000e+00 : f32
    %neg3A_375 = vector.broadcast %neg3A_374 : f32 to vector<1024x16xf32>
    %neg3A_376 = arith.subf %neg3A_375, %slice3A_373 : vector<1024x16xf32>
    %exp3A_377 = math.exp %neg3A_376 : vector<1024x16xf32>
    %add3A_378 = arith.constant 1.000000e+00 : f32
    %add3A_379 = vector.broadcast %add3A_378 : f32 to vector<1024x16xf32>
    %add3A_380 = arith.addf %add3A_379, %exp3A_377 : vector<1024x16xf32>
    %div3A_381 = arith.constant 1.000000e+00 : f32
    %div3A_382 = vector.broadcast %div3A_381 : f32 to vector<1024x16xf32>
    %div3A_383 = arith.divf %div3A_382, %add3A_380 : vector<1024x16xf32>
    %slice3A_384 = vector.extract_strided_slice %add3A_372 {offsets = [0, 16], sizes = [1024, 16], strides = [1, 1]} : vector<1024x64xf32> to vector<1024x16xf32>
    %neg3A_385 = arith.constant 0.000000e+00 : f32
    %neg3A_386 = vector.broadcast %neg3A_385 : f32 to vector<1024x16xf32>
    %neg3A_387 = arith.subf %neg3A_386, %slice3A_384 : vector<1024x16xf32>
    %exp3A_388 = math.exp %neg3A_387 : vector<1024x16xf32>
    %add3A_389 = arith.constant 1.000000e+00 : f32
    %add3A_390 = vector.broadcast %add3A_389 : f32 to vector<1024x16xf32>
    %add3A_391 = arith.addf %add3A_390, %exp3A_388 : vector<1024x16xf32>
    %div3A_392 = arith.constant 1.000000e+00 : f32
    %div3A_393 = vector.broadcast %div3A_392 : f32 to vector<1024x16xf32>
    %div3A_394 = arith.divf %div3A_393, %add3A_391 : vector<1024x16xf32>
    %slice3A_395 = vector.extract_strided_slice %add3A_372 {offsets = [0, 32], sizes = [1024, 16], strides = [1, 1]} : vector<1024x64xf32> to vector<1024x16xf32>
    %tanh3A_396 = math.tanh %slice3A_395 : vector<1024x16xf32>
    %slice3A_397 = vector.extract_strided_slice %add3A_372 {offsets = [0, 48], sizes = [1024, 16], strides = [1, 1]} : vector<1024x64xf32> to vector<1024x16xf32>
    %neg3A_398 = arith.constant 0.000000e+00 : f32
    %neg3A_399 = vector.broadcast %neg3A_398 : f32 to vector<1024x16xf32>
    %neg3A_400 = arith.subf %neg3A_399, %slice3A_397 : vector<1024x16xf32>
    %exp3A_401 = math.exp %neg3A_400 : vector<1024x16xf32>
    %add3A_402 = arith.constant 1.000000e+00 : f32
    %add3A_403 = vector.broadcast %add3A_402 : f32 to vector<1024x16xf32>
    %add3A_404 = arith.addf %add3A_403, %exp3A_401 : vector<1024x16xf32>
    %div3A_405 = arith.constant 1.000000e+00 : f32
    %div3A_406 = vector.broadcast %div3A_405 : f32 to vector<1024x16xf32>
    %div3A_407 = arith.divf %div3A_406, %add3A_404 : vector<1024x16xf32>
    %mul3A_408 = arith.mulf %div3A_394, %select_n3A_345 : vector<1024x16xf32>
    %mul3A_409 = arith.mulf %div3A_383, %tanh3A_396 : vector<1024x16xf32>
    %add3A_410 = arith.addf %mul3A_408, %mul3A_409 : vector<1024x16xf32>
    %tanh3A_411 = math.tanh %add3A_410 : vector<1024x16xf32>
    %mul3A_412 = arith.mulf %div3A_407, %tanh3A_411 : vector<1024x16xf32>
    %broadcast_in_dim3A_413 = vector.shape_cast %gt3A_348 : vector<1024x1xi1> to vector<1024x1xi1>
    %broadcast_in_dim3A_414 = vector.broadcast %broadcast_in_dim3A_413 : vector<1024x1xi1> to vector<1024x16xi1>
    %select_n3A_415 = arith.select %broadcast_in_dim3A_414, %mul3A_412, %select_n3A_342 : vector<1024x16xi1>, vector<1024x16xf32>
    %broadcast_in_dim3A_416 = vector.shape_cast %gt3A_348 : vector<1024x1xi1> to vector<1024x1xi1>
    %broadcast_in_dim3A_417 = vector.broadcast %broadcast_in_dim3A_416 : vector<1024x1xi1> to vector<1024x16xi1>
    %select_n3A_418 = arith.select %broadcast_in_dim3A_417, %add3A_410, %select_n3A_345 : vector<1024x16xi1>, vector<1024x16xf32>
    %gt3A_419 = arith.constant 5.000000e+00 : f32
    %gt3A_420 = vector.broadcast %gt3A_419 : f32 to vector<1024x1xf32>
    %gt3A_421 = arith.cmpf ogt, %min3A_11, %gt3A_420 : vector<1024x1xf32>
    %slice3A_422 = vector.extract_strided_slice %get3A_42 {offsets = [0, 5], sizes = [1024, 1], strides = [1, 1]} : vector<1024x32xf32> to vector<1024x1xf32>
    %mul3A_423 = vector.broadcast %slice3A_422 : vector<1024x1xf32> to vector<1024x64xf32>
    %mul3A_424 = vector.broadcast %get3A_45 : vector<1x64xf32> to vector<1024x64xf32>
    %mul3A_425 = arith.mulf %mul3A_423, %mul3A_424 : vector<1024x64xf32>
    %slice3A_426 = vector.extract_strided_slice %sub3A_39 {offsets = [0, 5], sizes = [1024, 1], strides = [1, 1]} : vector<1024x32xf32> to vector<1024x1xf32>
    %mul3A_427 = vector.broadcast %slice3A_426 : vector<1024x1xf32> to vector<1024x64xf32>
    %mul3A_428 = vector.broadcast %get3A_48 : vector<1x64xf32> to vector<1024x64xf32>
    %mul3A_429 = arith.mulf %mul3A_427, %mul3A_428 : vector<1024x64xf32>
    %add3A_430 = arith.addf %mul3A_425, %mul3A_429 : vector<1024x64xf32>
    %slice3A_431 = vector.extract_strided_slice %floor3A {offsets = [0, 5], sizes = [1024, 1], strides = [1, 1]} : vector<1024x32xf32> to vector<1024x1xf32>
    %mul3A_432 = vector.broadcast %slice3A_431 : vector<1024x1xf32> to vector<1024x64xf32>
    %mul3A_433 = vector.broadcast %get3A_51 : vector<1x64xf32> to vector<1024x64xf32>
    %mul3A_434 = arith.mulf %mul3A_432, %mul3A_433 : vector<1024x64xf32>
    %add3A_435 = arith.addf %add3A_430, %mul3A_434 : vector<1024x64xf32>
    %slice3A_436 = vector.extract_strided_slice %div3A_30 {offsets = [0, 5], sizes = [1024, 1], strides = [1, 1]} : vector<1024x32xf32> to vector<1024x1xf32>
    %mul3A_437 = vector.broadcast %slice3A_436 : vector<1024x1xf32> to vector<1024x64xf32>
    %mul3A_438 = vector.broadcast %get3A_54 : vector<1x64xf32> to vector<1024x64xf32>
    %mul3A_439 = arith.mulf %mul3A_437, %mul3A_438 : vector<1024x64xf32>
    %add3A_440 = arith.addf %add3A_435, %mul3A_439 : vector<1024x64xf32>
    %dot_general3A_441 = arith.constant dense<0.000000e+00> : vector<1024x64xf32>
    %dot_general3A_442 = tpu.matmul %select_n3A_415, %get3A_1, %dot_general3A_441 {dimension_numbers = #tpu.dot_dimension_numbers<[1], [0], [0], [1], [0, 0, 1, 1], [], []>, transpose_lhs_hint = false} : vector<1024x16xf32>, vector<16x64xf32>, vector<1024x64xf32> -> vector<1024x64xf32>
    %add3A_443 = arith.addf %add3A_440, %dot_general3A_442 : vector<1024x64xf32>
    %add3A_444 = vector.broadcast %get3A_4 : vector<1x64xf32> to vector<1024x64xf32>
    %add3A_445 = arith.addf %add3A_443, %add3A_444 : vector<1024x64xf32>
    %slice3A_446 = vector.extract_strided_slice %add3A_445 {offsets = [0, 0], sizes = [1024, 16], strides = [1, 1]} : vector<1024x64xf32> to vector<1024x16xf32>
    %neg3A_447 = arith.constant 0.000000e+00 : f32
    %neg3A_448 = vector.broadcast %neg3A_447 : f32 to vector<1024x16xf32>
    %neg3A_449 = arith.subf %neg3A_448, %slice3A_446 : vector<1024x16xf32>
    %exp3A_450 = math.exp %neg3A_449 : vector<1024x16xf32>
    %add3A_451 = arith.constant 1.000000e+00 : f32
    %add3A_452 = vector.broadcast %add3A_451 : f32 to vector<1024x16xf32>
    %add3A_453 = arith.addf %add3A_452, %exp3A_450 : vector<1024x16xf32>
    %div3A_454 = arith.constant 1.000000e+00 : f32
    %div3A_455 = vector.broadcast %div3A_454 : f32 to vector<1024x16xf32>
    %div3A_456 = arith.divf %div3A_455, %add3A_453 : vector<1024x16xf32>
    %slice3A_457 = vector.extract_strided_slice %add3A_445 {offsets = [0, 16], sizes = [1024, 16], strides = [1, 1]} : vector<1024x64xf32> to vector<1024x16xf32>
    %neg3A_458 = arith.constant 0.000000e+00 : f32
    %neg3A_459 = vector.broadcast %neg3A_458 : f32 to vector<1024x16xf32>
    %neg3A_460 = arith.subf %neg3A_459, %slice3A_457 : vector<1024x16xf32>
    %exp3A_461 = math.exp %neg3A_460 : vector<1024x16xf32>
    %add3A_462 = arith.constant 1.000000e+00 : f32
    %add3A_463 = vector.broadcast %add3A_462 : f32 to vector<1024x16xf32>
    %add3A_464 = arith.addf %add3A_463, %exp3A_461 : vector<1024x16xf32>
    %div3A_465 = arith.constant 1.000000e+00 : f32
    %div3A_466 = vector.broadcast %div3A_465 : f32 to vector<1024x16xf32>
    %div3A_467 = arith.divf %div3A_466, %add3A_464 : vector<1024x16xf32>
    %slice3A_468 = vector.extract_strided_slice %add3A_445 {offsets = [0, 32], sizes = [1024, 16], strides = [1, 1]} : vector<1024x64xf32> to vector<1024x16xf32>
    %tanh3A_469 = math.tanh %slice3A_468 : vector<1024x16xf32>
    %slice3A_470 = vector.extract_strided_slice %add3A_445 {offsets = [0, 48], sizes = [1024, 16], strides = [1, 1]} : vector<1024x64xf32> to vector<1024x16xf32>
    %neg3A_471 = arith.constant 0.000000e+00 : f32
    %neg3A_472 = vector.broadcast %neg3A_471 : f32 to vector<1024x16xf32>
    %neg3A_473 = arith.subf %neg3A_472, %slice3A_470 : vector<1024x16xf32>
    %exp3A_474 = math.exp %neg3A_473 : vector<1024x16xf32>
    %add3A_475 = arith.constant 1.000000e+00 : f32
    %add3A_476 = vector.broadcast %add3A_475 : f32 to vector<1024x16xf32>
    %add3A_477 = arith.addf %add3A_476, %exp3A_474 : vector<1024x16xf32>
    %div3A_478 = arith.constant 1.000000e+00 : f32
    %div3A_479 = vector.broadcast %div3A_478 : f32 to vector<1024x16xf32>
    %div3A_480 = arith.divf %div3A_479, %add3A_477 : vector<1024x16xf32>
    %mul3A_481 = arith.mulf %div3A_467, %select_n3A_418 : vector<1024x16xf32>
    %mul3A_482 = arith.mulf %div3A_456, %tanh3A_469 : vector<1024x16xf32>
    %add3A_483 = arith.addf %mul3A_481, %mul3A_482 : vector<1024x16xf32>
    %tanh3A_484 = math.tanh %add3A_483 : vector<1024x16xf32>
    %mul3A_485 = arith.mulf %div3A_480, %tanh3A_484 : vector<1024x16xf32>
    %broadcast_in_dim3A_486 = vector.shape_cast %gt3A_421 : vector<1024x1xi1> to vector<1024x1xi1>
    %broadcast_in_dim3A_487 = vector.broadcast %broadcast_in_dim3A_486 : vector<1024x1xi1> to vector<1024x16xi1>
    %select_n3A_488 = arith.select %broadcast_in_dim3A_487, %mul3A_485, %select_n3A_415 : vector<1024x16xi1>, vector<1024x16xf32>
    %broadcast_in_dim3A_489 = vector.shape_cast %gt3A_421 : vector<1024x1xi1> to vector<1024x1xi1>
    %broadcast_in_dim3A_490 = vector.broadcast %broadcast_in_dim3A_489 : vector<1024x1xi1> to vector<1024x16xi1>
    %select_n3A_491 = arith.select %broadcast_in_dim3A_490, %add3A_483, %select_n3A_418 : vector<1024x16xi1>, vector<1024x16xf32>
    %gt3A_492 = arith.constant 6.000000e+00 : f32
    %gt3A_493 = vector.broadcast %gt3A_492 : f32 to vector<1024x1xf32>
    %gt3A_494 = arith.cmpf ogt, %min3A_11, %gt3A_493 : vector<1024x1xf32>
    %slice3A_495 = vector.extract_strided_slice %get3A_42 {offsets = [0, 6], sizes = [1024, 1], strides = [1, 1]} : vector<1024x32xf32> to vector<1024x1xf32>
    %mul3A_496 = vector.broadcast %slice3A_495 : vector<1024x1xf32> to vector<1024x64xf32>
    %mul3A_497 = vector.broadcast %get3A_45 : vector<1x64xf32> to vector<1024x64xf32>
    %mul3A_498 = arith.mulf %mul3A_496, %mul3A_497 : vector<1024x64xf32>
    %slice3A_499 = vector.extract_strided_slice %sub3A_39 {offsets = [0, 6], sizes = [1024, 1], strides = [1, 1]} : vector<1024x32xf32> to vector<1024x1xf32>
    %mul3A_500 = vector.broadcast %slice3A_499 : vector<1024x1xf32> to vector<1024x64xf32>
    %mul3A_501 = vector.broadcast %get3A_48 : vector<1x64xf32> to vector<1024x64xf32>
    %mul3A_502 = arith.mulf %mul3A_500, %mul3A_501 : vector<1024x64xf32>
    %add3A_503 = arith.addf %mul3A_498, %mul3A_502 : vector<1024x64xf32>
    %slice3A_504 = vector.extract_strided_slice %floor3A {offsets = [0, 6], sizes = [1024, 1], strides = [1, 1]} : vector<1024x32xf32> to vector<1024x1xf32>
    %mul3A_505 = vector.broadcast %slice3A_504 : vector<1024x1xf32> to vector<1024x64xf32>
    %mul3A_506 = vector.broadcast %get3A_51 : vector<1x64xf32> to vector<1024x64xf32>
    %mul3A_507 = arith.mulf %mul3A_505, %mul3A_506 : vector<1024x64xf32>
    %add3A_508 = arith.addf %add3A_503, %mul3A_507 : vector<1024x64xf32>
    %slice3A_509 = vector.extract_strided_slice %div3A_30 {offsets = [0, 6], sizes = [1024, 1], strides = [1, 1]} : vector<1024x32xf32> to vector<1024x1xf32>
    %mul3A_510 = vector.broadcast %slice3A_509 : vector<1024x1xf32> to vector<1024x64xf32>
    %mul3A_511 = vector.broadcast %get3A_54 : vector<1x64xf32> to vector<1024x64xf32>
    %mul3A_512 = arith.mulf %mul3A_510, %mul3A_511 : vector<1024x64xf32>
    %add3A_513 = arith.addf %add3A_508, %mul3A_512 : vector<1024x64xf32>
    %dot_general3A_514 = arith.constant dense<0.000000e+00> : vector<1024x64xf32>
    %dot_general3A_515 = tpu.matmul %select_n3A_488, %get3A_1, %dot_general3A_514 {dimension_numbers = #tpu.dot_dimension_numbers<[1], [0], [0], [1], [0, 0, 1, 1], [], []>, transpose_lhs_hint = false} : vector<1024x16xf32>, vector<16x64xf32>, vector<1024x64xf32> -> vector<1024x64xf32>
    %add3A_516 = arith.addf %add3A_513, %dot_general3A_515 : vector<1024x64xf32>
    %add3A_517 = vector.broadcast %get3A_4 : vector<1x64xf32> to vector<1024x64xf32>
    %add3A_518 = arith.addf %add3A_516, %add3A_517 : vector<1024x64xf32>
    %slice3A_519 = vector.extract_strided_slice %add3A_518 {offsets = [0, 0], sizes = [1024, 16], strides = [1, 1]} : vector<1024x64xf32> to vector<1024x16xf32>
    %neg3A_520 = arith.constant 0.000000e+00 : f32
    %neg3A_521 = vector.broadcast %neg3A_520 : f32 to vector<1024x16xf32>
    %neg3A_522 = arith.subf %neg3A_521, %slice3A_519 : vector<1024x16xf32>
    %exp3A_523 = math.exp %neg3A_522 : vector<1024x16xf32>
    %add3A_524 = arith.constant 1.000000e+00 : f32
    %add3A_525 = vector.broadcast %add3A_524 : f32 to vector<1024x16xf32>
    %add3A_526 = arith.addf %add3A_525, %exp3A_523 : vector<1024x16xf32>
    %div3A_527 = arith.constant 1.000000e+00 : f32
    %div3A_528 = vector.broadcast %div3A_527 : f32 to vector<1024x16xf32>
    %div3A_529 = arith.divf %div3A_528, %add3A_526 : vector<1024x16xf32>
    %slice3A_530 = vector.extract_strided_slice %add3A_518 {offsets = [0, 16], sizes = [1024, 16], strides = [1, 1]} : vector<1024x64xf32> to vector<1024x16xf32>
    %neg3A_531 = arith.constant 0.000000e+00 : f32
    %neg3A_532 = vector.broadcast %neg3A_531 : f32 to vector<1024x16xf32>
    %neg3A_533 = arith.subf %neg3A_532, %slice3A_530 : vector<1024x16xf32>
    %exp3A_534 = math.exp %neg3A_533 : vector<1024x16xf32>
    %add3A_535 = arith.constant 1.000000e+00 : f32
    %add3A_536 = vector.broadcast %add3A_535 : f32 to vector<1024x16xf32>
    %add3A_537 = arith.addf %add3A_536, %exp3A_534 : vector<1024x16xf32>
    %div3A_538 = arith.constant 1.000000e+00 : f32
    %div3A_539 = vector.broadcast %div3A_538 : f32 to vector<1024x16xf32>
    %div3A_540 = arith.divf %div3A_539, %add3A_537 : vector<1024x16xf32>
    %slice3A_541 = vector.extract_strided_slice %add3A_518 {offsets = [0, 32], sizes = [1024, 16], strides = [1, 1]} : vector<1024x64xf32> to vector<1024x16xf32>
    %tanh3A_542 = math.tanh %slice3A_541 : vector<1024x16xf32>
    %slice3A_543 = vector.extract_strided_slice %add3A_518 {offsets = [0, 48], sizes = [1024, 16], strides = [1, 1]} : vector<1024x64xf32> to vector<1024x16xf32>
    %neg3A_544 = arith.constant 0.000000e+00 : f32
    %neg3A_545 = vector.broadcast %neg3A_544 : f32 to vector<1024x16xf32>
    %neg3A_546 = arith.subf %neg3A_545, %slice3A_543 : vector<1024x16xf32>
    %exp3A_547 = math.exp %neg3A_546 : vector<1024x16xf32>
    %add3A_548 = arith.constant 1.000000e+00 : f32
    %add3A_549 = vector.broadcast %add3A_548 : f32 to vector<1024x16xf32>
    %add3A_550 = arith.addf %add3A_549, %exp3A_547 : vector<1024x16xf32>
    %div3A_551 = arith.constant 1.000000e+00 : f32
    %div3A_552 = vector.broadcast %div3A_551 : f32 to vector<1024x16xf32>
    %div3A_553 = arith.divf %div3A_552, %add3A_550 : vector<1024x16xf32>
    %mul3A_554 = arith.mulf %div3A_540, %select_n3A_491 : vector<1024x16xf32>
    %mul3A_555 = arith.mulf %div3A_529, %tanh3A_542 : vector<1024x16xf32>
    %add3A_556 = arith.addf %mul3A_554, %mul3A_555 : vector<1024x16xf32>
    %tanh3A_557 = math.tanh %add3A_556 : vector<1024x16xf32>
    %mul3A_558 = arith.mulf %div3A_553, %tanh3A_557 : vector<1024x16xf32>
    %broadcast_in_dim3A_559 = vector.shape_cast %gt3A_494 : vector<1024x1xi1> to vector<1024x1xi1>
    %broadcast_in_dim3A_560 = vector.broadcast %broadcast_in_dim3A_559 : vector<1024x1xi1> to vector<1024x16xi1>
    %select_n3A_561 = arith.select %broadcast_in_dim3A_560, %mul3A_558, %select_n3A_488 : vector<1024x16xi1>, vector<1024x16xf32>
    %broadcast_in_dim3A_562 = vector.shape_cast %gt3A_494 : vector<1024x1xi1> to vector<1024x1xi1>
    %broadcast_in_dim3A_563 = vector.broadcast %broadcast_in_dim3A_562 : vector<1024x1xi1> to vector<1024x16xi1>
    %select_n3A_564 = arith.select %broadcast_in_dim3A_563, %add3A_556, %select_n3A_491 : vector<1024x16xi1>, vector<1024x16xf32>
    %gt3A_565 = arith.constant 7.000000e+00 : f32
    %gt3A_566 = vector.broadcast %gt3A_565 : f32 to vector<1024x1xf32>
    %gt3A_567 = arith.cmpf ogt, %min3A_11, %gt3A_566 : vector<1024x1xf32>
    %slice3A_568 = vector.extract_strided_slice %get3A_42 {offsets = [0, 7], sizes = [1024, 1], strides = [1, 1]} : vector<1024x32xf32> to vector<1024x1xf32>
    %mul3A_569 = vector.broadcast %slice3A_568 : vector<1024x1xf32> to vector<1024x64xf32>
    %mul3A_570 = vector.broadcast %get3A_45 : vector<1x64xf32> to vector<1024x64xf32>
    %mul3A_571 = arith.mulf %mul3A_569, %mul3A_570 : vector<1024x64xf32>
    %slice3A_572 = vector.extract_strided_slice %sub3A_39 {offsets = [0, 7], sizes = [1024, 1], strides = [1, 1]} : vector<1024x32xf32> to vector<1024x1xf32>
    %mul3A_573 = vector.broadcast %slice3A_572 : vector<1024x1xf32> to vector<1024x64xf32>
    %mul3A_574 = vector.broadcast %get3A_48 : vector<1x64xf32> to vector<1024x64xf32>
    %mul3A_575 = arith.mulf %mul3A_573, %mul3A_574 : vector<1024x64xf32>
    %add3A_576 = arith.addf %mul3A_571, %mul3A_575 : vector<1024x64xf32>
    %slice3A_577 = vector.extract_strided_slice %floor3A {offsets = [0, 7], sizes = [1024, 1], strides = [1, 1]} : vector<1024x32xf32> to vector<1024x1xf32>
    %mul3A_578 = vector.broadcast %slice3A_577 : vector<1024x1xf32> to vector<1024x64xf32>
    %mul3A_579 = vector.broadcast %get3A_51 : vector<1x64xf32> to vector<1024x64xf32>
    %mul3A_580 = arith.mulf %mul3A_578, %mul3A_579 : vector<1024x64xf32>
    %add3A_581 = arith.addf %add3A_576, %mul3A_580 : vector<1024x64xf32>
    %slice3A_582 = vector.extract_strided_slice %div3A_30 {offsets = [0, 7], sizes = [1024, 1], strides = [1, 1]} : vector<1024x32xf32> to vector<1024x1xf32>
    %mul3A_583 = vector.broadcast %slice3A_582 : vector<1024x1xf32> to vector<1024x64xf32>
    %mul3A_584 = vector.broadcast %get3A_54 : vector<1x64xf32> to vector<1024x64xf32>
    %mul3A_585 = arith.mulf %mul3A_583, %mul3A_584 : vector<1024x64xf32>
    %add3A_586 = arith.addf %add3A_581, %mul3A_585 : vector<1024x64xf32>
    %dot_general3A_587 = arith.constant dense<0.000000e+00> : vector<1024x64xf32>
    %dot_general3A_588 = tpu.matmul %select_n3A_561, %get3A_1, %dot_general3A_587 {dimension_numbers = #tpu.dot_dimension_numbers<[1], [0], [0], [1], [0, 0, 1, 1], [], []>, transpose_lhs_hint = false} : vector<1024x16xf32>, vector<16x64xf32>, vector<1024x64xf32> -> vector<1024x64xf32>
    %add3A_589 = arith.addf %add3A_586, %dot_general3A_588 : vector<1024x64xf32>
    %add3A_590 = vector.broadcast %get3A_4 : vector<1x64xf32> to vector<1024x64xf32>
    %add3A_591 = arith.addf %add3A_589, %add3A_590 : vector<1024x64xf32>
    %slice3A_592 = vector.extract_strided_slice %add3A_591 {offsets = [0, 0], sizes = [1024, 16], strides = [1, 1]} : vector<1024x64xf32> to vector<1024x16xf32>
    %neg3A_593 = arith.constant 0.000000e+00 : f32
    %neg3A_594 = vector.broadcast %neg3A_593 : f32 to vector<1024x16xf32>
    %neg3A_595 = arith.subf %neg3A_594, %slice3A_592 : vector<1024x16xf32>
    %exp3A_596 = math.exp %neg3A_595 : vector<1024x16xf32>
    %add3A_597 = arith.constant 1.000000e+00 : f32
    %add3A_598 = vector.broadcast %add3A_597 : f32 to vector<1024x16xf32>
    %add3A_599 = arith.addf %add3A_598, %exp3A_596 : vector<1024x16xf32>
    %div3A_600 = arith.constant 1.000000e+00 : f32
    %div3A_601 = vector.broadcast %div3A_600 : f32 to vector<1024x16xf32>
    %div3A_602 = arith.divf %div3A_601, %add3A_599 : vector<1024x16xf32>
    %slice3A_603 = vector.extract_strided_slice %add3A_591 {offsets = [0, 16], sizes = [1024, 16], strides = [1, 1]} : vector<1024x64xf32> to vector<1024x16xf32>
    %neg3A_604 = arith.constant 0.000000e+00 : f32
    %neg3A_605 = vector.broadcast %neg3A_604 : f32 to vector<1024x16xf32>
    %neg3A_606 = arith.subf %neg3A_605, %slice3A_603 : vector<1024x16xf32>
    %exp3A_607 = math.exp %neg3A_606 : vector<1024x16xf32>
    %add3A_608 = arith.constant 1.000000e+00 : f32
    %add3A_609 = vector.broadcast %add3A_608 : f32 to vector<1024x16xf32>
    %add3A_610 = arith.addf %add3A_609, %exp3A_607 : vector<1024x16xf32>
    %div3A_611 = arith.constant 1.000000e+00 : f32
    %div3A_612 = vector.broadcast %div3A_611 : f32 to vector<1024x16xf32>
    %div3A_613 = arith.divf %div3A_612, %add3A_610 : vector<1024x16xf32>
    %slice3A_614 = vector.extract_strided_slice %add3A_591 {offsets = [0, 32], sizes = [1024, 16], strides = [1, 1]} : vector<1024x64xf32> to vector<1024x16xf32>
    %tanh3A_615 = math.tanh %slice3A_614 : vector<1024x16xf32>
    %slice3A_616 = vector.extract_strided_slice %add3A_591 {offsets = [0, 48], sizes = [1024, 16], strides = [1, 1]} : vector<1024x64xf32> to vector<1024x16xf32>
    %neg3A_617 = arith.constant 0.000000e+00 : f32
    %neg3A_618 = vector.broadcast %neg3A_617 : f32 to vector<1024x16xf32>
    %neg3A_619 = arith.subf %neg3A_618, %slice3A_616 : vector<1024x16xf32>
    %exp3A_620 = math.exp %neg3A_619 : vector<1024x16xf32>
    %add3A_621 = arith.constant 1.000000e+00 : f32
    %add3A_622 = vector.broadcast %add3A_621 : f32 to vector<1024x16xf32>
    %add3A_623 = arith.addf %add3A_622, %exp3A_620 : vector<1024x16xf32>
    %div3A_624 = arith.constant 1.000000e+00 : f32
    %div3A_625 = vector.broadcast %div3A_624 : f32 to vector<1024x16xf32>
    %div3A_626 = arith.divf %div3A_625, %add3A_623 : vector<1024x16xf32>
    %mul3A_627 = arith.mulf %div3A_613, %select_n3A_564 : vector<1024x16xf32>
    %mul3A_628 = arith.mulf %div3A_602, %tanh3A_615 : vector<1024x16xf32>
    %add3A_629 = arith.addf %mul3A_627, %mul3A_628 : vector<1024x16xf32>
    %tanh3A_630 = math.tanh %add3A_629 : vector<1024x16xf32>
    %mul3A_631 = arith.mulf %div3A_626, %tanh3A_630 : vector<1024x16xf32>
    %broadcast_in_dim3A_632 = vector.shape_cast %gt3A_567 : vector<1024x1xi1> to vector<1024x1xi1>
    %broadcast_in_dim3A_633 = vector.broadcast %broadcast_in_dim3A_632 : vector<1024x1xi1> to vector<1024x16xi1>
    %select_n3A_634 = arith.select %broadcast_in_dim3A_633, %mul3A_631, %select_n3A_561 : vector<1024x16xi1>, vector<1024x16xf32>
    %broadcast_in_dim3A_635 = vector.shape_cast %gt3A_567 : vector<1024x1xi1> to vector<1024x1xi1>
    %broadcast_in_dim3A_636 = vector.broadcast %broadcast_in_dim3A_635 : vector<1024x1xi1> to vector<1024x16xi1>
    %select_n3A_637 = arith.select %broadcast_in_dim3A_636, %add3A_629, %select_n3A_564 : vector<1024x16xi1>, vector<1024x16xf32>
    %gt3A_638 = arith.constant 8.000000e+00 : f32
    %gt3A_639 = vector.broadcast %gt3A_638 : f32 to vector<1024x1xf32>
    %gt3A_640 = arith.cmpf ogt, %min3A_11, %gt3A_639 : vector<1024x1xf32>
    %slice3A_641 = vector.extract_strided_slice %get3A_42 {offsets = [0, 8], sizes = [1024, 1], strides = [1, 1]} : vector<1024x32xf32> to vector<1024x1xf32>
    %mul3A_642 = vector.broadcast %slice3A_641 : vector<1024x1xf32> to vector<1024x64xf32>
    %mul3A_643 = vector.broadcast %get3A_45 : vector<1x64xf32> to vector<1024x64xf32>
    %mul3A_644 = arith.mulf %mul3A_642, %mul3A_643 : vector<1024x64xf32>
    %slice3A_645 = vector.extract_strided_slice %sub3A_39 {offsets = [0, 8], sizes = [1024, 1], strides = [1, 1]} : vector<1024x32xf32> to vector<1024x1xf32>
    %mul3A_646 = vector.broadcast %slice3A_645 : vector<1024x1xf32> to vector<1024x64xf32>
    %mul3A_647 = vector.broadcast %get3A_48 : vector<1x64xf32> to vector<1024x64xf32>
    %mul3A_648 = arith.mulf %mul3A_646, %mul3A_647 : vector<1024x64xf32>
    %add3A_649 = arith.addf %mul3A_644, %mul3A_648 : vector<1024x64xf32>
    %slice3A_650 = vector.extract_strided_slice %floor3A {offsets = [0, 8], sizes = [1024, 1], strides = [1, 1]} : vector<1024x32xf32> to vector<1024x1xf32>
    %mul3A_651 = vector.broadcast %slice3A_650 : vector<1024x1xf32> to vector<1024x64xf32>
    %mul3A_652 = vector.broadcast %get3A_51 : vector<1x64xf32> to vector<1024x64xf32>
    %mul3A_653 = arith.mulf %mul3A_651, %mul3A_652 : vector<1024x64xf32>
    %add3A_654 = arith.addf %add3A_649, %mul3A_653 : vector<1024x64xf32>
    %slice3A_655 = vector.extract_strided_slice %div3A_30 {offsets = [0, 8], sizes = [1024, 1], strides = [1, 1]} : vector<1024x32xf32> to vector<1024x1xf32>
    %mul3A_656 = vector.broadcast %slice3A_655 : vector<1024x1xf32> to vector<1024x64xf32>
    %mul3A_657 = vector.broadcast %get3A_54 : vector<1x64xf32> to vector<1024x64xf32>
    %mul3A_658 = arith.mulf %mul3A_656, %mul3A_657 : vector<1024x64xf32>
    %add3A_659 = arith.addf %add3A_654, %mul3A_658 : vector<1024x64xf32>
    %dot_general3A_660 = arith.constant dense<0.000000e+00> : vector<1024x64xf32>
    %dot_general3A_661 = tpu.matmul %select_n3A_634, %get3A_1, %dot_general3A_660 {dimension_numbers = #tpu.dot_dimension_numbers<[1], [0], [0], [1], [0, 0, 1, 1], [], []>, transpose_lhs_hint = false} : vector<1024x16xf32>, vector<16x64xf32>, vector<1024x64xf32> -> vector<1024x64xf32>
    %add3A_662 = arith.addf %add3A_659, %dot_general3A_661 : vector<1024x64xf32>
    %add3A_663 = vector.broadcast %get3A_4 : vector<1x64xf32> to vector<1024x64xf32>
    %add3A_664 = arith.addf %add3A_662, %add3A_663 : vector<1024x64xf32>
    %slice3A_665 = vector.extract_strided_slice %add3A_664 {offsets = [0, 0], sizes = [1024, 16], strides = [1, 1]} : vector<1024x64xf32> to vector<1024x16xf32>
    %neg3A_666 = arith.constant 0.000000e+00 : f32
    %neg3A_667 = vector.broadcast %neg3A_666 : f32 to vector<1024x16xf32>
    %neg3A_668 = arith.subf %neg3A_667, %slice3A_665 : vector<1024x16xf32>
    %exp3A_669 = math.exp %neg3A_668 : vector<1024x16xf32>
    %add3A_670 = arith.constant 1.000000e+00 : f32
    %add3A_671 = vector.broadcast %add3A_670 : f32 to vector<1024x16xf32>
    %add3A_672 = arith.addf %add3A_671, %exp3A_669 : vector<1024x16xf32>
    %div3A_673 = arith.constant 1.000000e+00 : f32
    %div3A_674 = vector.broadcast %div3A_673 : f32 to vector<1024x16xf32>
    %div3A_675 = arith.divf %div3A_674, %add3A_672 : vector<1024x16xf32>
    %slice3A_676 = vector.extract_strided_slice %add3A_664 {offsets = [0, 16], sizes = [1024, 16], strides = [1, 1]} : vector<1024x64xf32> to vector<1024x16xf32>
    %neg3A_677 = arith.constant 0.000000e+00 : f32
    %neg3A_678 = vector.broadcast %neg3A_677 : f32 to vector<1024x16xf32>
    %neg3A_679 = arith.subf %neg3A_678, %slice3A_676 : vector<1024x16xf32>
    %exp3A_680 = math.exp %neg3A_679 : vector<1024x16xf32>
    %add3A_681 = arith.constant 1.000000e+00 : f32
    %add3A_682 = vector.broadcast %add3A_681 : f32 to vector<1024x16xf32>
    %add3A_683 = arith.addf %add3A_682, %exp3A_680 : vector<1024x16xf32>
    %div3A_684 = arith.constant 1.000000e+00 : f32
    %div3A_685 = vector.broadcast %div3A_684 : f32 to vector<1024x16xf32>
    %div3A_686 = arith.divf %div3A_685, %add3A_683 : vector<1024x16xf32>
    %slice3A_687 = vector.extract_strided_slice %add3A_664 {offsets = [0, 32], sizes = [1024, 16], strides = [1, 1]} : vector<1024x64xf32> to vector<1024x16xf32>
    %tanh3A_688 = math.tanh %slice3A_687 : vector<1024x16xf32>
    %slice3A_689 = vector.extract_strided_slice %add3A_664 {offsets = [0, 48], sizes = [1024, 16], strides = [1, 1]} : vector<1024x64xf32> to vector<1024x16xf32>
    %neg3A_690 = arith.constant 0.000000e+00 : f32
    %neg3A_691 = vector.broadcast %neg3A_690 : f32 to vector<1024x16xf32>
    %neg3A_692 = arith.subf %neg3A_691, %slice3A_689 : vector<1024x16xf32>
    %exp3A_693 = math.exp %neg3A_692 : vector<1024x16xf32>
    %add3A_694 = arith.constant 1.000000e+00 : f32
    %add3A_695 = vector.broadcast %add3A_694 : f32 to vector<1024x16xf32>
    %add3A_696 = arith.addf %add3A_695, %exp3A_693 : vector<1024x16xf32>
    %div3A_697 = arith.constant 1.000000e+00 : f32
    %div3A_698 = vector.broadcast %div3A_697 : f32 to vector<1024x16xf32>
    %div3A_699 = arith.divf %div3A_698, %add3A_696 : vector<1024x16xf32>
    %mul3A_700 = arith.mulf %div3A_686, %select_n3A_637 : vector<1024x16xf32>
    %mul3A_701 = arith.mulf %div3A_675, %tanh3A_688 : vector<1024x16xf32>
    %add3A_702 = arith.addf %mul3A_700, %mul3A_701 : vector<1024x16xf32>
    %tanh3A_703 = math.tanh %add3A_702 : vector<1024x16xf32>
    %mul3A_704 = arith.mulf %div3A_699, %tanh3A_703 : vector<1024x16xf32>
    %broadcast_in_dim3A_705 = vector.shape_cast %gt3A_640 : vector<1024x1xi1> to vector<1024x1xi1>
    %broadcast_in_dim3A_706 = vector.broadcast %broadcast_in_dim3A_705 : vector<1024x1xi1> to vector<1024x16xi1>
    %select_n3A_707 = arith.select %broadcast_in_dim3A_706, %mul3A_704, %select_n3A_634 : vector<1024x16xi1>, vector<1024x16xf32>
    %broadcast_in_dim3A_708 = vector.shape_cast %gt3A_640 : vector<1024x1xi1> to vector<1024x1xi1>
    %broadcast_in_dim3A_709 = vector.broadcast %broadcast_in_dim3A_708 : vector<1024x1xi1> to vector<1024x16xi1>
    %select_n3A_710 = arith.select %broadcast_in_dim3A_709, %add3A_702, %select_n3A_637 : vector<1024x16xi1>, vector<1024x16xf32>
    %gt3A_711 = arith.constant 9.000000e+00 : f32
    %gt3A_712 = vector.broadcast %gt3A_711 : f32 to vector<1024x1xf32>
    %gt3A_713 = arith.cmpf ogt, %min3A_11, %gt3A_712 : vector<1024x1xf32>
    %slice3A_714 = vector.extract_strided_slice %get3A_42 {offsets = [0, 9], sizes = [1024, 1], strides = [1, 1]} : vector<1024x32xf32> to vector<1024x1xf32>
    %mul3A_715 = vector.broadcast %slice3A_714 : vector<1024x1xf32> to vector<1024x64xf32>
    %mul3A_716 = vector.broadcast %get3A_45 : vector<1x64xf32> to vector<1024x64xf32>
    %mul3A_717 = arith.mulf %mul3A_715, %mul3A_716 : vector<1024x64xf32>
    %slice3A_718 = vector.extract_strided_slice %sub3A_39 {offsets = [0, 9], sizes = [1024, 1], strides = [1, 1]} : vector<1024x32xf32> to vector<1024x1xf32>
    %mul3A_719 = vector.broadcast %slice3A_718 : vector<1024x1xf32> to vector<1024x64xf32>
    %mul3A_720 = vector.broadcast %get3A_48 : vector<1x64xf32> to vector<1024x64xf32>
    %mul3A_721 = arith.mulf %mul3A_719, %mul3A_720 : vector<1024x64xf32>
    %add3A_722 = arith.addf %mul3A_717, %mul3A_721 : vector<1024x64xf32>
    %slice3A_723 = vector.extract_strided_slice %floor3A {offsets = [0, 9], sizes = [1024, 1], strides = [1, 1]} : vector<1024x32xf32> to vector<1024x1xf32>
    %mul3A_724 = vector.broadcast %slice3A_723 : vector<1024x1xf32> to vector<1024x64xf32>
    %mul3A_725 = vector.broadcast %get3A_51 : vector<1x64xf32> to vector<1024x64xf32>
    %mul3A_726 = arith.mulf %mul3A_724, %mul3A_725 : vector<1024x64xf32>
    %add3A_727 = arith.addf %add3A_722, %mul3A_726 : vector<1024x64xf32>
    %slice3A_728 = vector.extract_strided_slice %div3A_30 {offsets = [0, 9], sizes = [1024, 1], strides = [1, 1]} : vector<1024x32xf32> to vector<1024x1xf32>
    %mul3A_729 = vector.broadcast %slice3A_728 : vector<1024x1xf32> to vector<1024x64xf32>
    %mul3A_730 = vector.broadcast %get3A_54 : vector<1x64xf32> to vector<1024x64xf32>
    %mul3A_731 = arith.mulf %mul3A_729, %mul3A_730 : vector<1024x64xf32>
    %add3A_732 = arith.addf %add3A_727, %mul3A_731 : vector<1024x64xf32>
    %dot_general3A_733 = arith.constant dense<0.000000e+00> : vector<1024x64xf32>
    %dot_general3A_734 = tpu.matmul %select_n3A_707, %get3A_1, %dot_general3A_733 {dimension_numbers = #tpu.dot_dimension_numbers<[1], [0], [0], [1], [0, 0, 1, 1], [], []>, transpose_lhs_hint = false} : vector<1024x16xf32>, vector<16x64xf32>, vector<1024x64xf32> -> vector<1024x64xf32>
    %add3A_735 = arith.addf %add3A_732, %dot_general3A_734 : vector<1024x64xf32>
    %add3A_736 = vector.broadcast %get3A_4 : vector<1x64xf32> to vector<1024x64xf32>
    %add3A_737 = arith.addf %add3A_735, %add3A_736 : vector<1024x64xf32>
    %slice3A_738 = vector.extract_strided_slice %add3A_737 {offsets = [0, 0], sizes = [1024, 16], strides = [1, 1]} : vector<1024x64xf32> to vector<1024x16xf32>
    %neg3A_739 = arith.constant 0.000000e+00 : f32
    %neg3A_740 = vector.broadcast %neg3A_739 : f32 to vector<1024x16xf32>
    %neg3A_741 = arith.subf %neg3A_740, %slice3A_738 : vector<1024x16xf32>
    %exp3A_742 = math.exp %neg3A_741 : vector<1024x16xf32>
    %add3A_743 = arith.constant 1.000000e+00 : f32
    %add3A_744 = vector.broadcast %add3A_743 : f32 to vector<1024x16xf32>
    %add3A_745 = arith.addf %add3A_744, %exp3A_742 : vector<1024x16xf32>
    %div3A_746 = arith.constant 1.000000e+00 : f32
    %div3A_747 = vector.broadcast %div3A_746 : f32 to vector<1024x16xf32>
    %div3A_748 = arith.divf %div3A_747, %add3A_745 : vector<1024x16xf32>
    %slice3A_749 = vector.extract_strided_slice %add3A_737 {offsets = [0, 16], sizes = [1024, 16], strides = [1, 1]} : vector<1024x64xf32> to vector<1024x16xf32>
    %neg3A_750 = arith.constant 0.000000e+00 : f32
    %neg3A_751 = vector.broadcast %neg3A_750 : f32 to vector<1024x16xf32>
    %neg3A_752 = arith.subf %neg3A_751, %slice3A_749 : vector<1024x16xf32>
    %exp3A_753 = math.exp %neg3A_752 : vector<1024x16xf32>
    %add3A_754 = arith.constant 1.000000e+00 : f32
    %add3A_755 = vector.broadcast %add3A_754 : f32 to vector<1024x16xf32>
    %add3A_756 = arith.addf %add3A_755, %exp3A_753 : vector<1024x16xf32>
    %div3A_757 = arith.constant 1.000000e+00 : f32
    %div3A_758 = vector.broadcast %div3A_757 : f32 to vector<1024x16xf32>
    %div3A_759 = arith.divf %div3A_758, %add3A_756 : vector<1024x16xf32>
    %slice3A_760 = vector.extract_strided_slice %add3A_737 {offsets = [0, 32], sizes = [1024, 16], strides = [1, 1]} : vector<1024x64xf32> to vector<1024x16xf32>
    %tanh3A_761 = math.tanh %slice3A_760 : vector<1024x16xf32>
    %slice3A_762 = vector.extract_strided_slice %add3A_737 {offsets = [0, 48], sizes = [1024, 16], strides = [1, 1]} : vector<1024x64xf32> to vector<1024x16xf32>
    %neg3A_763 = arith.constant 0.000000e+00 : f32
    %neg3A_764 = vector.broadcast %neg3A_763 : f32 to vector<1024x16xf32>
    %neg3A_765 = arith.subf %neg3A_764, %slice3A_762 : vector<1024x16xf32>
    %exp3A_766 = math.exp %neg3A_765 : vector<1024x16xf32>
    %add3A_767 = arith.constant 1.000000e+00 : f32
    %add3A_768 = vector.broadcast %add3A_767 : f32 to vector<1024x16xf32>
    %add3A_769 = arith.addf %add3A_768, %exp3A_766 : vector<1024x16xf32>
    %div3A_770 = arith.constant 1.000000e+00 : f32
    %div3A_771 = vector.broadcast %div3A_770 : f32 to vector<1024x16xf32>
    %div3A_772 = arith.divf %div3A_771, %add3A_769 : vector<1024x16xf32>
    %mul3A_773 = arith.mulf %div3A_759, %select_n3A_710 : vector<1024x16xf32>
    %mul3A_774 = arith.mulf %div3A_748, %tanh3A_761 : vector<1024x16xf32>
    %add3A_775 = arith.addf %mul3A_773, %mul3A_774 : vector<1024x16xf32>
    %tanh3A_776 = math.tanh %add3A_775 : vector<1024x16xf32>
    %mul3A_777 = arith.mulf %div3A_772, %tanh3A_776 : vector<1024x16xf32>
    %broadcast_in_dim3A_778 = vector.shape_cast %gt3A_713 : vector<1024x1xi1> to vector<1024x1xi1>
    %broadcast_in_dim3A_779 = vector.broadcast %broadcast_in_dim3A_778 : vector<1024x1xi1> to vector<1024x16xi1>
    %select_n3A_780 = arith.select %broadcast_in_dim3A_779, %mul3A_777, %select_n3A_707 : vector<1024x16xi1>, vector<1024x16xf32>
    %broadcast_in_dim3A_781 = vector.shape_cast %gt3A_713 : vector<1024x1xi1> to vector<1024x1xi1>
    %broadcast_in_dim3A_782 = vector.broadcast %broadcast_in_dim3A_781 : vector<1024x1xi1> to vector<1024x16xi1>
    %select_n3A_783 = arith.select %broadcast_in_dim3A_782, %add3A_775, %select_n3A_710 : vector<1024x16xi1>, vector<1024x16xf32>
    %gt3A_784 = arith.constant 1.000000e+01 : f32
    %gt3A_785 = vector.broadcast %gt3A_784 : f32 to vector<1024x1xf32>
    %gt3A_786 = arith.cmpf ogt, %min3A_11, %gt3A_785 : vector<1024x1xf32>
    %slice3A_787 = vector.extract_strided_slice %get3A_42 {offsets = [0, 10], sizes = [1024, 1], strides = [1, 1]} : vector<1024x32xf32> to vector<1024x1xf32>
    %mul3A_788 = vector.broadcast %slice3A_787 : vector<1024x1xf32> to vector<1024x64xf32>
    %mul3A_789 = vector.broadcast %get3A_45 : vector<1x64xf32> to vector<1024x64xf32>
    %mul3A_790 = arith.mulf %mul3A_788, %mul3A_789 : vector<1024x64xf32>
    %slice3A_791 = vector.extract_strided_slice %sub3A_39 {offsets = [0, 10], sizes = [1024, 1], strides = [1, 1]} : vector<1024x32xf32> to vector<1024x1xf32>
    %mul3A_792 = vector.broadcast %slice3A_791 : vector<1024x1xf32> to vector<1024x64xf32>
    %mul3A_793 = vector.broadcast %get3A_48 : vector<1x64xf32> to vector<1024x64xf32>
    %mul3A_794 = arith.mulf %mul3A_792, %mul3A_793 : vector<1024x64xf32>
    %add3A_795 = arith.addf %mul3A_790, %mul3A_794 : vector<1024x64xf32>
    %slice3A_796 = vector.extract_strided_slice %floor3A {offsets = [0, 10], sizes = [1024, 1], strides = [1, 1]} : vector<1024x32xf32> to vector<1024x1xf32>
    %mul3A_797 = vector.broadcast %slice3A_796 : vector<1024x1xf32> to vector<1024x64xf32>
    %mul3A_798 = vector.broadcast %get3A_51 : vector<1x64xf32> to vector<1024x64xf32>
    %mul3A_799 = arith.mulf %mul3A_797, %mul3A_798 : vector<1024x64xf32>
    %add3A_800 = arith.addf %add3A_795, %mul3A_799 : vector<1024x64xf32>
    %slice3A_801 = vector.extract_strided_slice %div3A_30 {offsets = [0, 10], sizes = [1024, 1], strides = [1, 1]} : vector<1024x32xf32> to vector<1024x1xf32>
    %mul3A_802 = vector.broadcast %slice3A_801 : vector<1024x1xf32> to vector<1024x64xf32>
    %mul3A_803 = vector.broadcast %get3A_54 : vector<1x64xf32> to vector<1024x64xf32>
    %mul3A_804 = arith.mulf %mul3A_802, %mul3A_803 : vector<1024x64xf32>
    %add3A_805 = arith.addf %add3A_800, %mul3A_804 : vector<1024x64xf32>
    %dot_general3A_806 = arith.constant dense<0.000000e+00> : vector<1024x64xf32>
    %dot_general3A_807 = tpu.matmul %select_n3A_780, %get3A_1, %dot_general3A_806 {dimension_numbers = #tpu.dot_dimension_numbers<[1], [0], [0], [1], [0, 0, 1, 1], [], []>, transpose_lhs_hint = false} : vector<1024x16xf32>, vector<16x64xf32>, vector<1024x64xf32> -> vector<1024x64xf32>
    %add3A_808 = arith.addf %add3A_805, %dot_general3A_807 : vector<1024x64xf32>
    %add3A_809 = vector.broadcast %get3A_4 : vector<1x64xf32> to vector<1024x64xf32>
    %add3A_810 = arith.addf %add3A_808, %add3A_809 : vector<1024x64xf32>
    %slice3A_811 = vector.extract_strided_slice %add3A_810 {offsets = [0, 0], sizes = [1024, 16], strides = [1, 1]} : vector<1024x64xf32> to vector<1024x16xf32>
    %neg3A_812 = arith.constant 0.000000e+00 : f32
    %neg3A_813 = vector.broadcast %neg3A_812 : f32 to vector<1024x16xf32>
    %neg3A_814 = arith.subf %neg3A_813, %slice3A_811 : vector<1024x16xf32>
    %exp3A_815 = math.exp %neg3A_814 : vector<1024x16xf32>
    %add3A_816 = arith.constant 1.000000e+00 : f32
    %add3A_817 = vector.broadcast %add3A_816 : f32 to vector<1024x16xf32>
    %add3A_818 = arith.addf %add3A_817, %exp3A_815 : vector<1024x16xf32>
    %div3A_819 = arith.constant 1.000000e+00 : f32
    %div3A_820 = vector.broadcast %div3A_819 : f32 to vector<1024x16xf32>
    %div3A_821 = arith.divf %div3A_820, %add3A_818 : vector<1024x16xf32>
    %slice3A_822 = vector.extract_strided_slice %add3A_810 {offsets = [0, 16], sizes = [1024, 16], strides = [1, 1]} : vector<1024x64xf32> to vector<1024x16xf32>
    %neg3A_823 = arith.constant 0.000000e+00 : f32
    %neg3A_824 = vector.broadcast %neg3A_823 : f32 to vector<1024x16xf32>
    %neg3A_825 = arith.subf %neg3A_824, %slice3A_822 : vector<1024x16xf32>
    %exp3A_826 = math.exp %neg3A_825 : vector<1024x16xf32>
    %add3A_827 = arith.constant 1.000000e+00 : f32
    %add3A_828 = vector.broadcast %add3A_827 : f32 to vector<1024x16xf32>
    %add3A_829 = arith.addf %add3A_828, %exp3A_826 : vector<1024x16xf32>
    %div3A_830 = arith.constant 1.000000e+00 : f32
    %div3A_831 = vector.broadcast %div3A_830 : f32 to vector<1024x16xf32>
    %div3A_832 = arith.divf %div3A_831, %add3A_829 : vector<1024x16xf32>
    %slice3A_833 = vector.extract_strided_slice %add3A_810 {offsets = [0, 32], sizes = [1024, 16], strides = [1, 1]} : vector<1024x64xf32> to vector<1024x16xf32>
    %tanh3A_834 = math.tanh %slice3A_833 : vector<1024x16xf32>
    %slice3A_835 = vector.extract_strided_slice %add3A_810 {offsets = [0, 48], sizes = [1024, 16], strides = [1, 1]} : vector<1024x64xf32> to vector<1024x16xf32>
    %neg3A_836 = arith.constant 0.000000e+00 : f32
    %neg3A_837 = vector.broadcast %neg3A_836 : f32 to vector<1024x16xf32>
    %neg3A_838 = arith.subf %neg3A_837, %slice3A_835 : vector<1024x16xf32>
    %exp3A_839 = math.exp %neg3A_838 : vector<1024x16xf32>
    %add3A_840 = arith.constant 1.000000e+00 : f32
    %add3A_841 = vector.broadcast %add3A_840 : f32 to vector<1024x16xf32>
    %add3A_842 = arith.addf %add3A_841, %exp3A_839 : vector<1024x16xf32>
    %div3A_843 = arith.constant 1.000000e+00 : f32
    %div3A_844 = vector.broadcast %div3A_843 : f32 to vector<1024x16xf32>
    %div3A_845 = arith.divf %div3A_844, %add3A_842 : vector<1024x16xf32>
    %mul3A_846 = arith.mulf %div3A_832, %select_n3A_783 : vector<1024x16xf32>
    %mul3A_847 = arith.mulf %div3A_821, %tanh3A_834 : vector<1024x16xf32>
    %add3A_848 = arith.addf %mul3A_846, %mul3A_847 : vector<1024x16xf32>
    %tanh3A_849 = math.tanh %add3A_848 : vector<1024x16xf32>
    %mul3A_850 = arith.mulf %div3A_845, %tanh3A_849 : vector<1024x16xf32>
    %broadcast_in_dim3A_851 = vector.shape_cast %gt3A_786 : vector<1024x1xi1> to vector<1024x1xi1>
    %broadcast_in_dim3A_852 = vector.broadcast %broadcast_in_dim3A_851 : vector<1024x1xi1> to vector<1024x16xi1>
    %select_n3A_853 = arith.select %broadcast_in_dim3A_852, %mul3A_850, %select_n3A_780 : vector<1024x16xi1>, vector<1024x16xf32>
    %broadcast_in_dim3A_854 = vector.shape_cast %gt3A_786 : vector<1024x1xi1> to vector<1024x1xi1>
    %broadcast_in_dim3A_855 = vector.broadcast %broadcast_in_dim3A_854 : vector<1024x1xi1> to vector<1024x16xi1>
    %select_n3A_856 = arith.select %broadcast_in_dim3A_855, %add3A_848, %select_n3A_783 : vector<1024x16xi1>, vector<1024x16xf32>
    %gt3A_857 = arith.constant 1.100000e+01 : f32
    %gt3A_858 = vector.broadcast %gt3A_857 : f32 to vector<1024x1xf32>
    %gt3A_859 = arith.cmpf ogt, %min3A_11, %gt3A_858 : vector<1024x1xf32>
    %slice3A_860 = vector.extract_strided_slice %get3A_42 {offsets = [0, 11], sizes = [1024, 1], strides = [1, 1]} : vector<1024x32xf32> to vector<1024x1xf32>
    %mul3A_861 = vector.broadcast %slice3A_860 : vector<1024x1xf32> to vector<1024x64xf32>
    %mul3A_862 = vector.broadcast %get3A_45 : vector<1x64xf32> to vector<1024x64xf32>
    %mul3A_863 = arith.mulf %mul3A_861, %mul3A_862 : vector<1024x64xf32>
    %slice3A_864 = vector.extract_strided_slice %sub3A_39 {offsets = [0, 11], sizes = [1024, 1], strides = [1, 1]} : vector<1024x32xf32> to vector<1024x1xf32>
    %mul3A_865 = vector.broadcast %slice3A_864 : vector<1024x1xf32> to vector<1024x64xf32>
    %mul3A_866 = vector.broadcast %get3A_48 : vector<1x64xf32> to vector<1024x64xf32>
    %mul3A_867 = arith.mulf %mul3A_865, %mul3A_866 : vector<1024x64xf32>
    %add3A_868 = arith.addf %mul3A_863, %mul3A_867 : vector<1024x64xf32>
    %slice3A_869 = vector.extract_strided_slice %floor3A {offsets = [0, 11], sizes = [1024, 1], strides = [1, 1]} : vector<1024x32xf32> to vector<1024x1xf32>
    %mul3A_870 = vector.broadcast %slice3A_869 : vector<1024x1xf32> to vector<1024x64xf32>
    %mul3A_871 = vector.broadcast %get3A_51 : vector<1x64xf32> to vector<1024x64xf32>
    %mul3A_872 = arith.mulf %mul3A_870, %mul3A_871 : vector<1024x64xf32>
    %add3A_873 = arith.addf %add3A_868, %mul3A_872 : vector<1024x64xf32>
    %slice3A_874 = vector.extract_strided_slice %div3A_30 {offsets = [0, 11], sizes = [1024, 1], strides = [1, 1]} : vector<1024x32xf32> to vector<1024x1xf32>
    %mul3A_875 = vector.broadcast %slice3A_874 : vector<1024x1xf32> to vector<1024x64xf32>
    %mul3A_876 = vector.broadcast %get3A_54 : vector<1x64xf32> to vector<1024x64xf32>
    %mul3A_877 = arith.mulf %mul3A_875, %mul3A_876 : vector<1024x64xf32>
    %add3A_878 = arith.addf %add3A_873, %mul3A_877 : vector<1024x64xf32>
    %dot_general3A_879 = arith.constant dense<0.000000e+00> : vector<1024x64xf32>
    %dot_general3A_880 = tpu.matmul %select_n3A_853, %get3A_1, %dot_general3A_879 {dimension_numbers = #tpu.dot_dimension_numbers<[1], [0], [0], [1], [0, 0, 1, 1], [], []>, transpose_lhs_hint = false} : vector<1024x16xf32>, vector<16x64xf32>, vector<1024x64xf32> -> vector<1024x64xf32>
    %add3A_881 = arith.addf %add3A_878, %dot_general3A_880 : vector<1024x64xf32>
    %add3A_882 = vector.broadcast %get3A_4 : vector<1x64xf32> to vector<1024x64xf32>
    %add3A_883 = arith.addf %add3A_881, %add3A_882 : vector<1024x64xf32>
    %slice3A_884 = vector.extract_strided_slice %add3A_883 {offsets = [0, 0], sizes = [1024, 16], strides = [1, 1]} : vector<1024x64xf32> to vector<1024x16xf32>
    %neg3A_885 = arith.constant 0.000000e+00 : f32
    %neg3A_886 = vector.broadcast %neg3A_885 : f32 to vector<1024x16xf32>
    %neg3A_887 = arith.subf %neg3A_886, %slice3A_884 : vector<1024x16xf32>
    %exp3A_888 = math.exp %neg3A_887 : vector<1024x16xf32>
    %add3A_889 = arith.constant 1.000000e+00 : f32
    %add3A_890 = vector.broadcast %add3A_889 : f32 to vector<1024x16xf32>
    %add3A_891 = arith.addf %add3A_890, %exp3A_888 : vector<1024x16xf32>
    %div3A_892 = arith.constant 1.000000e+00 : f32
    %div3A_893 = vector.broadcast %div3A_892 : f32 to vector<1024x16xf32>
    %div3A_894 = arith.divf %div3A_893, %add3A_891 : vector<1024x16xf32>
    %slice3A_895 = vector.extract_strided_slice %add3A_883 {offsets = [0, 16], sizes = [1024, 16], strides = [1, 1]} : vector<1024x64xf32> to vector<1024x16xf32>
    %neg3A_896 = arith.constant 0.000000e+00 : f32
    %neg3A_897 = vector.broadcast %neg3A_896 : f32 to vector<1024x16xf32>
    %neg3A_898 = arith.subf %neg3A_897, %slice3A_895 : vector<1024x16xf32>
    %exp3A_899 = math.exp %neg3A_898 : vector<1024x16xf32>
    %add3A_900 = arith.constant 1.000000e+00 : f32
    %add3A_901 = vector.broadcast %add3A_900 : f32 to vector<1024x16xf32>
    %add3A_902 = arith.addf %add3A_901, %exp3A_899 : vector<1024x16xf32>
    %div3A_903 = arith.constant 1.000000e+00 : f32
    %div3A_904 = vector.broadcast %div3A_903 : f32 to vector<1024x16xf32>
    %div3A_905 = arith.divf %div3A_904, %add3A_902 : vector<1024x16xf32>
    %slice3A_906 = vector.extract_strided_slice %add3A_883 {offsets = [0, 32], sizes = [1024, 16], strides = [1, 1]} : vector<1024x64xf32> to vector<1024x16xf32>
    %tanh3A_907 = math.tanh %slice3A_906 : vector<1024x16xf32>
    %slice3A_908 = vector.extract_strided_slice %add3A_883 {offsets = [0, 48], sizes = [1024, 16], strides = [1, 1]} : vector<1024x64xf32> to vector<1024x16xf32>
    %neg3A_909 = arith.constant 0.000000e+00 : f32
    %neg3A_910 = vector.broadcast %neg3A_909 : f32 to vector<1024x16xf32>
    %neg3A_911 = arith.subf %neg3A_910, %slice3A_908 : vector<1024x16xf32>
    %exp3A_912 = math.exp %neg3A_911 : vector<1024x16xf32>
    %add3A_913 = arith.constant 1.000000e+00 : f32
    %add3A_914 = vector.broadcast %add3A_913 : f32 to vector<1024x16xf32>
    %add3A_915 = arith.addf %add3A_914, %exp3A_912 : vector<1024x16xf32>
    %div3A_916 = arith.constant 1.000000e+00 : f32
    %div3A_917 = vector.broadcast %div3A_916 : f32 to vector<1024x16xf32>
    %div3A_918 = arith.divf %div3A_917, %add3A_915 : vector<1024x16xf32>
    %mul3A_919 = arith.mulf %div3A_905, %select_n3A_856 : vector<1024x16xf32>
    %mul3A_920 = arith.mulf %div3A_894, %tanh3A_907 : vector<1024x16xf32>
    %add3A_921 = arith.addf %mul3A_919, %mul3A_920 : vector<1024x16xf32>
    %tanh3A_922 = math.tanh %add3A_921 : vector<1024x16xf32>
    %mul3A_923 = arith.mulf %div3A_918, %tanh3A_922 : vector<1024x16xf32>
    %broadcast_in_dim3A_924 = vector.shape_cast %gt3A_859 : vector<1024x1xi1> to vector<1024x1xi1>
    %broadcast_in_dim3A_925 = vector.broadcast %broadcast_in_dim3A_924 : vector<1024x1xi1> to vector<1024x16xi1>
    %select_n3A_926 = arith.select %broadcast_in_dim3A_925, %mul3A_923, %select_n3A_853 : vector<1024x16xi1>, vector<1024x16xf32>
    %broadcast_in_dim3A_927 = vector.shape_cast %gt3A_859 : vector<1024x1xi1> to vector<1024x1xi1>
    %broadcast_in_dim3A_928 = vector.broadcast %broadcast_in_dim3A_927 : vector<1024x1xi1> to vector<1024x16xi1>
    %select_n3A_929 = arith.select %broadcast_in_dim3A_928, %add3A_921, %select_n3A_856 : vector<1024x16xi1>, vector<1024x16xf32>
    %gt3A_930 = arith.constant 1.200000e+01 : f32
    %gt3A_931 = vector.broadcast %gt3A_930 : f32 to vector<1024x1xf32>
    %gt3A_932 = arith.cmpf ogt, %min3A_11, %gt3A_931 : vector<1024x1xf32>
    %slice3A_933 = vector.extract_strided_slice %get3A_42 {offsets = [0, 12], sizes = [1024, 1], strides = [1, 1]} : vector<1024x32xf32> to vector<1024x1xf32>
    %mul3A_934 = vector.broadcast %slice3A_933 : vector<1024x1xf32> to vector<1024x64xf32>
    %mul3A_935 = vector.broadcast %get3A_45 : vector<1x64xf32> to vector<1024x64xf32>
    %mul3A_936 = arith.mulf %mul3A_934, %mul3A_935 : vector<1024x64xf32>
    %slice3A_937 = vector.extract_strided_slice %sub3A_39 {offsets = [0, 12], sizes = [1024, 1], strides = [1, 1]} : vector<1024x32xf32> to vector<1024x1xf32>
    %mul3A_938 = vector.broadcast %slice3A_937 : vector<1024x1xf32> to vector<1024x64xf32>
    %mul3A_939 = vector.broadcast %get3A_48 : vector<1x64xf32> to vector<1024x64xf32>
    %mul3A_940 = arith.mulf %mul3A_938, %mul3A_939 : vector<1024x64xf32>
    %add3A_941 = arith.addf %mul3A_936, %mul3A_940 : vector<1024x64xf32>
    %slice3A_942 = vector.extract_strided_slice %floor3A {offsets = [0, 12], sizes = [1024, 1], strides = [1, 1]} : vector<1024x32xf32> to vector<1024x1xf32>
    %mul3A_943 = vector.broadcast %slice3A_942 : vector<1024x1xf32> to vector<1024x64xf32>
    %mul3A_944 = vector.broadcast %get3A_51 : vector<1x64xf32> to vector<1024x64xf32>
    %mul3A_945 = arith.mulf %mul3A_943, %mul3A_944 : vector<1024x64xf32>
    %add3A_946 = arith.addf %add3A_941, %mul3A_945 : vector<1024x64xf32>
    %slice3A_947 = vector.extract_strided_slice %div3A_30 {offsets = [0, 12], sizes = [1024, 1], strides = [1, 1]} : vector<1024x32xf32> to vector<1024x1xf32>
    %mul3A_948 = vector.broadcast %slice3A_947 : vector<1024x1xf32> to vector<1024x64xf32>
    %mul3A_949 = vector.broadcast %get3A_54 : vector<1x64xf32> to vector<1024x64xf32>
    %mul3A_950 = arith.mulf %mul3A_948, %mul3A_949 : vector<1024x64xf32>
    %add3A_951 = arith.addf %add3A_946, %mul3A_950 : vector<1024x64xf32>
    %dot_general3A_952 = arith.constant dense<0.000000e+00> : vector<1024x64xf32>
    %dot_general3A_953 = tpu.matmul %select_n3A_926, %get3A_1, %dot_general3A_952 {dimension_numbers = #tpu.dot_dimension_numbers<[1], [0], [0], [1], [0, 0, 1, 1], [], []>, transpose_lhs_hint = false} : vector<1024x16xf32>, vector<16x64xf32>, vector<1024x64xf32> -> vector<1024x64xf32>
    %add3A_954 = arith.addf %add3A_951, %dot_general3A_953 : vector<1024x64xf32>
    %add3A_955 = vector.broadcast %get3A_4 : vector<1x64xf32> to vector<1024x64xf32>
    %add3A_956 = arith.addf %add3A_954, %add3A_955 : vector<1024x64xf32>
    %slice3A_957 = vector.extract_strided_slice %add3A_956 {offsets = [0, 0], sizes = [1024, 16], strides = [1, 1]} : vector<1024x64xf32> to vector<1024x16xf32>
    %neg3A_958 = arith.constant 0.000000e+00 : f32
    %neg3A_959 = vector.broadcast %neg3A_958 : f32 to vector<1024x16xf32>
    %neg3A_960 = arith.subf %neg3A_959, %slice3A_957 : vector<1024x16xf32>
    %exp3A_961 = math.exp %neg3A_960 : vector<1024x16xf32>
    %add3A_962 = arith.constant 1.000000e+00 : f32
    %add3A_963 = vector.broadcast %add3A_962 : f32 to vector<1024x16xf32>
    %add3A_964 = arith.addf %add3A_963, %exp3A_961 : vector<1024x16xf32>
    %div3A_965 = arith.constant 1.000000e+00 : f32
    %div3A_966 = vector.broadcast %div3A_965 : f32 to vector<1024x16xf32>
    %div3A_967 = arith.divf %div3A_966, %add3A_964 : vector<1024x16xf32>
    %slice3A_968 = vector.extract_strided_slice %add3A_956 {offsets = [0, 16], sizes = [1024, 16], strides = [1, 1]} : vector<1024x64xf32> to vector<1024x16xf32>
    %neg3A_969 = arith.constant 0.000000e+00 : f32
    %neg3A_970 = vector.broadcast %neg3A_969 : f32 to vector<1024x16xf32>
    %neg3A_971 = arith.subf %neg3A_970, %slice3A_968 : vector<1024x16xf32>
    %exp3A_972 = math.exp %neg3A_971 : vector<1024x16xf32>
    %add3A_973 = arith.constant 1.000000e+00 : f32
    %add3A_974 = vector.broadcast %add3A_973 : f32 to vector<1024x16xf32>
    %add3A_975 = arith.addf %add3A_974, %exp3A_972 : vector<1024x16xf32>
    %div3A_976 = arith.constant 1.000000e+00 : f32
    %div3A_977 = vector.broadcast %div3A_976 : f32 to vector<1024x16xf32>
    %div3A_978 = arith.divf %div3A_977, %add3A_975 : vector<1024x16xf32>
    %slice3A_979 = vector.extract_strided_slice %add3A_956 {offsets = [0, 32], sizes = [1024, 16], strides = [1, 1]} : vector<1024x64xf32> to vector<1024x16xf32>
    %tanh3A_980 = math.tanh %slice3A_979 : vector<1024x16xf32>
    %slice3A_981 = vector.extract_strided_slice %add3A_956 {offsets = [0, 48], sizes = [1024, 16], strides = [1, 1]} : vector<1024x64xf32> to vector<1024x16xf32>
    %neg3A_982 = arith.constant 0.000000e+00 : f32
    %neg3A_983 = vector.broadcast %neg3A_982 : f32 to vector<1024x16xf32>
    %neg3A_984 = arith.subf %neg3A_983, %slice3A_981 : vector<1024x16xf32>
    %exp3A_985 = math.exp %neg3A_984 : vector<1024x16xf32>
    %add3A_986 = arith.constant 1.000000e+00 : f32
    %add3A_987 = vector.broadcast %add3A_986 : f32 to vector<1024x16xf32>
    %add3A_988 = arith.addf %add3A_987, %exp3A_985 : vector<1024x16xf32>
    %div3A_989 = arith.constant 1.000000e+00 : f32
    %div3A_990 = vector.broadcast %div3A_989 : f32 to vector<1024x16xf32>
    %div3A_991 = arith.divf %div3A_990, %add3A_988 : vector<1024x16xf32>
    %mul3A_992 = arith.mulf %div3A_978, %select_n3A_929 : vector<1024x16xf32>
    %mul3A_993 = arith.mulf %div3A_967, %tanh3A_980 : vector<1024x16xf32>
    %add3A_994 = arith.addf %mul3A_992, %mul3A_993 : vector<1024x16xf32>
    %tanh3A_995 = math.tanh %add3A_994 : vector<1024x16xf32>
    %mul3A_996 = arith.mulf %div3A_991, %tanh3A_995 : vector<1024x16xf32>
    %broadcast_in_dim3A_997 = vector.shape_cast %gt3A_932 : vector<1024x1xi1> to vector<1024x1xi1>
    %broadcast_in_dim3A_998 = vector.broadcast %broadcast_in_dim3A_997 : vector<1024x1xi1> to vector<1024x16xi1>
    %select_n3A_999 = arith.select %broadcast_in_dim3A_998, %mul3A_996, %select_n3A_926 : vector<1024x16xi1>, vector<1024x16xf32>
    %broadcast_in_dim3A_1000 = vector.shape_cast %gt3A_932 : vector<1024x1xi1> to vector<1024x1xi1>
    %broadcast_in_dim3A_1001 = vector.broadcast %broadcast_in_dim3A_1000 : vector<1024x1xi1> to vector<1024x16xi1>
    %select_n3A_1002 = arith.select %broadcast_in_dim3A_1001, %add3A_994, %select_n3A_929 : vector<1024x16xi1>, vector<1024x16xf32>
    %gt3A_1003 = arith.constant 1.300000e+01 : f32
    %gt3A_1004 = vector.broadcast %gt3A_1003 : f32 to vector<1024x1xf32>
    %gt3A_1005 = arith.cmpf ogt, %min3A_11, %gt3A_1004 : vector<1024x1xf32>
    %slice3A_1006 = vector.extract_strided_slice %get3A_42 {offsets = [0, 13], sizes = [1024, 1], strides = [1, 1]} : vector<1024x32xf32> to vector<1024x1xf32>
    %mul3A_1007 = vector.broadcast %slice3A_1006 : vector<1024x1xf32> to vector<1024x64xf32>
    %mul3A_1008 = vector.broadcast %get3A_45 : vector<1x64xf32> to vector<1024x64xf32>
    %mul3A_1009 = arith.mulf %mul3A_1007, %mul3A_1008 : vector<1024x64xf32>
    %slice3A_1010 = vector.extract_strided_slice %sub3A_39 {offsets = [0, 13], sizes = [1024, 1], strides = [1, 1]} : vector<1024x32xf32> to vector<1024x1xf32>
    %mul3A_1011 = vector.broadcast %slice3A_1010 : vector<1024x1xf32> to vector<1024x64xf32>
    %mul3A_1012 = vector.broadcast %get3A_48 : vector<1x64xf32> to vector<1024x64xf32>
    %mul3A_1013 = arith.mulf %mul3A_1011, %mul3A_1012 : vector<1024x64xf32>
    %add3A_1014 = arith.addf %mul3A_1009, %mul3A_1013 : vector<1024x64xf32>
    %slice3A_1015 = vector.extract_strided_slice %floor3A {offsets = [0, 13], sizes = [1024, 1], strides = [1, 1]} : vector<1024x32xf32> to vector<1024x1xf32>
    %mul3A_1016 = vector.broadcast %slice3A_1015 : vector<1024x1xf32> to vector<1024x64xf32>
    %mul3A_1017 = vector.broadcast %get3A_51 : vector<1x64xf32> to vector<1024x64xf32>
    %mul3A_1018 = arith.mulf %mul3A_1016, %mul3A_1017 : vector<1024x64xf32>
    %add3A_1019 = arith.addf %add3A_1014, %mul3A_1018 : vector<1024x64xf32>
    %slice3A_1020 = vector.extract_strided_slice %div3A_30 {offsets = [0, 13], sizes = [1024, 1], strides = [1, 1]} : vector<1024x32xf32> to vector<1024x1xf32>
    %mul3A_1021 = vector.broadcast %slice3A_1020 : vector<1024x1xf32> to vector<1024x64xf32>
    %mul3A_1022 = vector.broadcast %get3A_54 : vector<1x64xf32> to vector<1024x64xf32>
    %mul3A_1023 = arith.mulf %mul3A_1021, %mul3A_1022 : vector<1024x64xf32>
    %add3A_1024 = arith.addf %add3A_1019, %mul3A_1023 : vector<1024x64xf32>
    %dot_general3A_1025 = arith.constant dense<0.000000e+00> : vector<1024x64xf32>
    %dot_general3A_1026 = tpu.matmul %select_n3A_999, %get3A_1, %dot_general3A_1025 {dimension_numbers = #tpu.dot_dimension_numbers<[1], [0], [0], [1], [0, 0, 1, 1], [], []>, transpose_lhs_hint = false} : vector<1024x16xf32>, vector<16x64xf32>, vector<1024x64xf32> -> vector<1024x64xf32>
    %add3A_1027 = arith.addf %add3A_1024, %dot_general3A_1026 : vector<1024x64xf32>
    %add3A_1028 = vector.broadcast %get3A_4 : vector<1x64xf32> to vector<1024x64xf32>
    %add3A_1029 = arith.addf %add3A_1027, %add3A_1028 : vector<1024x64xf32>
    %slice3A_1030 = vector.extract_strided_slice %add3A_1029 {offsets = [0, 0], sizes = [1024, 16], strides = [1, 1]} : vector<1024x64xf32> to vector<1024x16xf32>
    %neg3A_1031 = arith.constant 0.000000e+00 : f32
    %neg3A_1032 = vector.broadcast %neg3A_1031 : f32 to vector<1024x16xf32>
    %neg3A_1033 = arith.subf %neg3A_1032, %slice3A_1030 : vector<1024x16xf32>
    %exp3A_1034 = math.exp %neg3A_1033 : vector<1024x16xf32>
    %add3A_1035 = arith.constant 1.000000e+00 : f32
    %add3A_1036 = vector.broadcast %add3A_1035 : f32 to vector<1024x16xf32>
    %add3A_1037 = arith.addf %add3A_1036, %exp3A_1034 : vector<1024x16xf32>
    %div3A_1038 = arith.constant 1.000000e+00 : f32
    %div3A_1039 = vector.broadcast %div3A_1038 : f32 to vector<1024x16xf32>
    %div3A_1040 = arith.divf %div3A_1039, %add3A_1037 : vector<1024x16xf32>
    %slice3A_1041 = vector.extract_strided_slice %add3A_1029 {offsets = [0, 16], sizes = [1024, 16], strides = [1, 1]} : vector<1024x64xf32> to vector<1024x16xf32>
    %neg3A_1042 = arith.constant 0.000000e+00 : f32
    %neg3A_1043 = vector.broadcast %neg3A_1042 : f32 to vector<1024x16xf32>
    %neg3A_1044 = arith.subf %neg3A_1043, %slice3A_1041 : vector<1024x16xf32>
    %exp3A_1045 = math.exp %neg3A_1044 : vector<1024x16xf32>
    %add3A_1046 = arith.constant 1.000000e+00 : f32
    %add3A_1047 = vector.broadcast %add3A_1046 : f32 to vector<1024x16xf32>
    %add3A_1048 = arith.addf %add3A_1047, %exp3A_1045 : vector<1024x16xf32>
    %div3A_1049 = arith.constant 1.000000e+00 : f32
    %div3A_1050 = vector.broadcast %div3A_1049 : f32 to vector<1024x16xf32>
    %div3A_1051 = arith.divf %div3A_1050, %add3A_1048 : vector<1024x16xf32>
    %slice3A_1052 = vector.extract_strided_slice %add3A_1029 {offsets = [0, 32], sizes = [1024, 16], strides = [1, 1]} : vector<1024x64xf32> to vector<1024x16xf32>
    %tanh3A_1053 = math.tanh %slice3A_1052 : vector<1024x16xf32>
    %slice3A_1054 = vector.extract_strided_slice %add3A_1029 {offsets = [0, 48], sizes = [1024, 16], strides = [1, 1]} : vector<1024x64xf32> to vector<1024x16xf32>
    %neg3A_1055 = arith.constant 0.000000e+00 : f32
    %neg3A_1056 = vector.broadcast %neg3A_1055 : f32 to vector<1024x16xf32>
    %neg3A_1057 = arith.subf %neg3A_1056, %slice3A_1054 : vector<1024x16xf32>
    %exp3A_1058 = math.exp %neg3A_1057 : vector<1024x16xf32>
    %add3A_1059 = arith.constant 1.000000e+00 : f32
    %add3A_1060 = vector.broadcast %add3A_1059 : f32 to vector<1024x16xf32>
    %add3A_1061 = arith.addf %add3A_1060, %exp3A_1058 : vector<1024x16xf32>
    %div3A_1062 = arith.constant 1.000000e+00 : f32
    %div3A_1063 = vector.broadcast %div3A_1062 : f32 to vector<1024x16xf32>
    %div3A_1064 = arith.divf %div3A_1063, %add3A_1061 : vector<1024x16xf32>
    %mul3A_1065 = arith.mulf %div3A_1051, %select_n3A_1002 : vector<1024x16xf32>
    %mul3A_1066 = arith.mulf %div3A_1040, %tanh3A_1053 : vector<1024x16xf32>
    %add3A_1067 = arith.addf %mul3A_1065, %mul3A_1066 : vector<1024x16xf32>
    %tanh3A_1068 = math.tanh %add3A_1067 : vector<1024x16xf32>
    %mul3A_1069 = arith.mulf %div3A_1064, %tanh3A_1068 : vector<1024x16xf32>
    %broadcast_in_dim3A_1070 = vector.shape_cast %gt3A_1005 : vector<1024x1xi1> to vector<1024x1xi1>
    %broadcast_in_dim3A_1071 = vector.broadcast %broadcast_in_dim3A_1070 : vector<1024x1xi1> to vector<1024x16xi1>
    %select_n3A_1072 = arith.select %broadcast_in_dim3A_1071, %mul3A_1069, %select_n3A_999 : vector<1024x16xi1>, vector<1024x16xf32>
    %broadcast_in_dim3A_1073 = vector.shape_cast %gt3A_1005 : vector<1024x1xi1> to vector<1024x1xi1>
    %broadcast_in_dim3A_1074 = vector.broadcast %broadcast_in_dim3A_1073 : vector<1024x1xi1> to vector<1024x16xi1>
    %select_n3A_1075 = arith.select %broadcast_in_dim3A_1074, %add3A_1067, %select_n3A_1002 : vector<1024x16xi1>, vector<1024x16xf32>
    %gt3A_1076 = arith.constant 1.400000e+01 : f32
    %gt3A_1077 = vector.broadcast %gt3A_1076 : f32 to vector<1024x1xf32>
    %gt3A_1078 = arith.cmpf ogt, %min3A_11, %gt3A_1077 : vector<1024x1xf32>
    %slice3A_1079 = vector.extract_strided_slice %get3A_42 {offsets = [0, 14], sizes = [1024, 1], strides = [1, 1]} : vector<1024x32xf32> to vector<1024x1xf32>
    %mul3A_1080 = vector.broadcast %slice3A_1079 : vector<1024x1xf32> to vector<1024x64xf32>
    %mul3A_1081 = vector.broadcast %get3A_45 : vector<1x64xf32> to vector<1024x64xf32>
    %mul3A_1082 = arith.mulf %mul3A_1080, %mul3A_1081 : vector<1024x64xf32>
    %slice3A_1083 = vector.extract_strided_slice %sub3A_39 {offsets = [0, 14], sizes = [1024, 1], strides = [1, 1]} : vector<1024x32xf32> to vector<1024x1xf32>
    %mul3A_1084 = vector.broadcast %slice3A_1083 : vector<1024x1xf32> to vector<1024x64xf32>
    %mul3A_1085 = vector.broadcast %get3A_48 : vector<1x64xf32> to vector<1024x64xf32>
    %mul3A_1086 = arith.mulf %mul3A_1084, %mul3A_1085 : vector<1024x64xf32>
    %add3A_1087 = arith.addf %mul3A_1082, %mul3A_1086 : vector<1024x64xf32>
    %slice3A_1088 = vector.extract_strided_slice %floor3A {offsets = [0, 14], sizes = [1024, 1], strides = [1, 1]} : vector<1024x32xf32> to vector<1024x1xf32>
    %mul3A_1089 = vector.broadcast %slice3A_1088 : vector<1024x1xf32> to vector<1024x64xf32>
    %mul3A_1090 = vector.broadcast %get3A_51 : vector<1x64xf32> to vector<1024x64xf32>
    %mul3A_1091 = arith.mulf %mul3A_1089, %mul3A_1090 : vector<1024x64xf32>
    %add3A_1092 = arith.addf %add3A_1087, %mul3A_1091 : vector<1024x64xf32>
    %slice3A_1093 = vector.extract_strided_slice %div3A_30 {offsets = [0, 14], sizes = [1024, 1], strides = [1, 1]} : vector<1024x32xf32> to vector<1024x1xf32>
    %mul3A_1094 = vector.broadcast %slice3A_1093 : vector<1024x1xf32> to vector<1024x64xf32>
    %mul3A_1095 = vector.broadcast %get3A_54 : vector<1x64xf32> to vector<1024x64xf32>
    %mul3A_1096 = arith.mulf %mul3A_1094, %mul3A_1095 : vector<1024x64xf32>
    %add3A_1097 = arith.addf %add3A_1092, %mul3A_1096 : vector<1024x64xf32>
    %dot_general3A_1098 = arith.constant dense<0.000000e+00> : vector<1024x64xf32>
    %dot_general3A_1099 = tpu.matmul %select_n3A_1072, %get3A_1, %dot_general3A_1098 {dimension_numbers = #tpu.dot_dimension_numbers<[1], [0], [0], [1], [0, 0, 1, 1], [], []>, transpose_lhs_hint = false} : vector<1024x16xf32>, vector<16x64xf32>, vector<1024x64xf32> -> vector<1024x64xf32>
    %add3A_1100 = arith.addf %add3A_1097, %dot_general3A_1099 : vector<1024x64xf32>
    %add3A_1101 = vector.broadcast %get3A_4 : vector<1x64xf32> to vector<1024x64xf32>
    %add3A_1102 = arith.addf %add3A_1100, %add3A_1101 : vector<1024x64xf32>
    %slice3A_1103 = vector.extract_strided_slice %add3A_1102 {offsets = [0, 0], sizes = [1024, 16], strides = [1, 1]} : vector<1024x64xf32> to vector<1024x16xf32>
    %neg3A_1104 = arith.constant 0.000000e+00 : f32
    %neg3A_1105 = vector.broadcast %neg3A_1104 : f32 to vector<1024x16xf32>
    %neg3A_1106 = arith.subf %neg3A_1105, %slice3A_1103 : vector<1024x16xf32>
    %exp3A_1107 = math.exp %neg3A_1106 : vector<1024x16xf32>
    %add3A_1108 = arith.constant 1.000000e+00 : f32
    %add3A_1109 = vector.broadcast %add3A_1108 : f32 to vector<1024x16xf32>
    %add3A_1110 = arith.addf %add3A_1109, %exp3A_1107 : vector<1024x16xf32>
    %div3A_1111 = arith.constant 1.000000e+00 : f32
    %div3A_1112 = vector.broadcast %div3A_1111 : f32 to vector<1024x16xf32>
    %div3A_1113 = arith.divf %div3A_1112, %add3A_1110 : vector<1024x16xf32>
    %slice3A_1114 = vector.extract_strided_slice %add3A_1102 {offsets = [0, 16], sizes = [1024, 16], strides = [1, 1]} : vector<1024x64xf32> to vector<1024x16xf32>
    %neg3A_1115 = arith.constant 0.000000e+00 : f32
    %neg3A_1116 = vector.broadcast %neg3A_1115 : f32 to vector<1024x16xf32>
    %neg3A_1117 = arith.subf %neg3A_1116, %slice3A_1114 : vector<1024x16xf32>
    %exp3A_1118 = math.exp %neg3A_1117 : vector<1024x16xf32>
    %add3A_1119 = arith.constant 1.000000e+00 : f32
    %add3A_1120 = vector.broadcast %add3A_1119 : f32 to vector<1024x16xf32>
    %add3A_1121 = arith.addf %add3A_1120, %exp3A_1118 : vector<1024x16xf32>
    %div3A_1122 = arith.constant 1.000000e+00 : f32
    %div3A_1123 = vector.broadcast %div3A_1122 : f32 to vector<1024x16xf32>
    %div3A_1124 = arith.divf %div3A_1123, %add3A_1121 : vector<1024x16xf32>
    %slice3A_1125 = vector.extract_strided_slice %add3A_1102 {offsets = [0, 32], sizes = [1024, 16], strides = [1, 1]} : vector<1024x64xf32> to vector<1024x16xf32>
    %tanh3A_1126 = math.tanh %slice3A_1125 : vector<1024x16xf32>
    %slice3A_1127 = vector.extract_strided_slice %add3A_1102 {offsets = [0, 48], sizes = [1024, 16], strides = [1, 1]} : vector<1024x64xf32> to vector<1024x16xf32>
    %neg3A_1128 = arith.constant 0.000000e+00 : f32
    %neg3A_1129 = vector.broadcast %neg3A_1128 : f32 to vector<1024x16xf32>
    %neg3A_1130 = arith.subf %neg3A_1129, %slice3A_1127 : vector<1024x16xf32>
    %exp3A_1131 = math.exp %neg3A_1130 : vector<1024x16xf32>
    %add3A_1132 = arith.constant 1.000000e+00 : f32
    %add3A_1133 = vector.broadcast %add3A_1132 : f32 to vector<1024x16xf32>
    %add3A_1134 = arith.addf %add3A_1133, %exp3A_1131 : vector<1024x16xf32>
    %div3A_1135 = arith.constant 1.000000e+00 : f32
    %div3A_1136 = vector.broadcast %div3A_1135 : f32 to vector<1024x16xf32>
    %div3A_1137 = arith.divf %div3A_1136, %add3A_1134 : vector<1024x16xf32>
    %mul3A_1138 = arith.mulf %div3A_1124, %select_n3A_1075 : vector<1024x16xf32>
    %mul3A_1139 = arith.mulf %div3A_1113, %tanh3A_1126 : vector<1024x16xf32>
    %add3A_1140 = arith.addf %mul3A_1138, %mul3A_1139 : vector<1024x16xf32>
    %tanh3A_1141 = math.tanh %add3A_1140 : vector<1024x16xf32>
    %mul3A_1142 = arith.mulf %div3A_1137, %tanh3A_1141 : vector<1024x16xf32>
    %broadcast_in_dim3A_1143 = vector.shape_cast %gt3A_1078 : vector<1024x1xi1> to vector<1024x1xi1>
    %broadcast_in_dim3A_1144 = vector.broadcast %broadcast_in_dim3A_1143 : vector<1024x1xi1> to vector<1024x16xi1>
    %select_n3A_1145 = arith.select %broadcast_in_dim3A_1144, %mul3A_1142, %select_n3A_1072 : vector<1024x16xi1>, vector<1024x16xf32>
    %broadcast_in_dim3A_1146 = vector.shape_cast %gt3A_1078 : vector<1024x1xi1> to vector<1024x1xi1>
    %broadcast_in_dim3A_1147 = vector.broadcast %broadcast_in_dim3A_1146 : vector<1024x1xi1> to vector<1024x16xi1>
    %select_n3A_1148 = arith.select %broadcast_in_dim3A_1147, %add3A_1140, %select_n3A_1075 : vector<1024x16xi1>, vector<1024x16xf32>
    %gt3A_1149 = arith.constant 1.500000e+01 : f32
    %gt3A_1150 = vector.broadcast %gt3A_1149 : f32 to vector<1024x1xf32>
    %gt3A_1151 = arith.cmpf ogt, %min3A_11, %gt3A_1150 : vector<1024x1xf32>
    %slice3A_1152 = vector.extract_strided_slice %get3A_42 {offsets = [0, 15], sizes = [1024, 1], strides = [1, 1]} : vector<1024x32xf32> to vector<1024x1xf32>
    %mul3A_1153 = vector.broadcast %slice3A_1152 : vector<1024x1xf32> to vector<1024x64xf32>
    %mul3A_1154 = vector.broadcast %get3A_45 : vector<1x64xf32> to vector<1024x64xf32>
    %mul3A_1155 = arith.mulf %mul3A_1153, %mul3A_1154 : vector<1024x64xf32>
    %slice3A_1156 = vector.extract_strided_slice %sub3A_39 {offsets = [0, 15], sizes = [1024, 1], strides = [1, 1]} : vector<1024x32xf32> to vector<1024x1xf32>
    %mul3A_1157 = vector.broadcast %slice3A_1156 : vector<1024x1xf32> to vector<1024x64xf32>
    %mul3A_1158 = vector.broadcast %get3A_48 : vector<1x64xf32> to vector<1024x64xf32>
    %mul3A_1159 = arith.mulf %mul3A_1157, %mul3A_1158 : vector<1024x64xf32>
    %add3A_1160 = arith.addf %mul3A_1155, %mul3A_1159 : vector<1024x64xf32>
    %slice3A_1161 = vector.extract_strided_slice %floor3A {offsets = [0, 15], sizes = [1024, 1], strides = [1, 1]} : vector<1024x32xf32> to vector<1024x1xf32>
    %mul3A_1162 = vector.broadcast %slice3A_1161 : vector<1024x1xf32> to vector<1024x64xf32>
    %mul3A_1163 = vector.broadcast %get3A_51 : vector<1x64xf32> to vector<1024x64xf32>
    %mul3A_1164 = arith.mulf %mul3A_1162, %mul3A_1163 : vector<1024x64xf32>
    %add3A_1165 = arith.addf %add3A_1160, %mul3A_1164 : vector<1024x64xf32>
    %slice3A_1166 = vector.extract_strided_slice %div3A_30 {offsets = [0, 15], sizes = [1024, 1], strides = [1, 1]} : vector<1024x32xf32> to vector<1024x1xf32>
    %mul3A_1167 = vector.broadcast %slice3A_1166 : vector<1024x1xf32> to vector<1024x64xf32>
    %mul3A_1168 = vector.broadcast %get3A_54 : vector<1x64xf32> to vector<1024x64xf32>
    %mul3A_1169 = arith.mulf %mul3A_1167, %mul3A_1168 : vector<1024x64xf32>
    %add3A_1170 = arith.addf %add3A_1165, %mul3A_1169 : vector<1024x64xf32>
    %dot_general3A_1171 = arith.constant dense<0.000000e+00> : vector<1024x64xf32>
    %dot_general3A_1172 = tpu.matmul %select_n3A_1145, %get3A_1, %dot_general3A_1171 {dimension_numbers = #tpu.dot_dimension_numbers<[1], [0], [0], [1], [0, 0, 1, 1], [], []>, transpose_lhs_hint = false} : vector<1024x16xf32>, vector<16x64xf32>, vector<1024x64xf32> -> vector<1024x64xf32>
    %add3A_1173 = arith.addf %add3A_1170, %dot_general3A_1172 : vector<1024x64xf32>
    %add3A_1174 = vector.broadcast %get3A_4 : vector<1x64xf32> to vector<1024x64xf32>
    %add3A_1175 = arith.addf %add3A_1173, %add3A_1174 : vector<1024x64xf32>
    %slice3A_1176 = vector.extract_strided_slice %add3A_1175 {offsets = [0, 0], sizes = [1024, 16], strides = [1, 1]} : vector<1024x64xf32> to vector<1024x16xf32>
    %neg3A_1177 = arith.constant 0.000000e+00 : f32
    %neg3A_1178 = vector.broadcast %neg3A_1177 : f32 to vector<1024x16xf32>
    %neg3A_1179 = arith.subf %neg3A_1178, %slice3A_1176 : vector<1024x16xf32>
    %exp3A_1180 = math.exp %neg3A_1179 : vector<1024x16xf32>
    %add3A_1181 = arith.constant 1.000000e+00 : f32
    %add3A_1182 = vector.broadcast %add3A_1181 : f32 to vector<1024x16xf32>
    %add3A_1183 = arith.addf %add3A_1182, %exp3A_1180 : vector<1024x16xf32>
    %div3A_1184 = arith.constant 1.000000e+00 : f32
    %div3A_1185 = vector.broadcast %div3A_1184 : f32 to vector<1024x16xf32>
    %div3A_1186 = arith.divf %div3A_1185, %add3A_1183 : vector<1024x16xf32>
    %slice3A_1187 = vector.extract_strided_slice %add3A_1175 {offsets = [0, 16], sizes = [1024, 16], strides = [1, 1]} : vector<1024x64xf32> to vector<1024x16xf32>
    %neg3A_1188 = arith.constant 0.000000e+00 : f32
    %neg3A_1189 = vector.broadcast %neg3A_1188 : f32 to vector<1024x16xf32>
    %neg3A_1190 = arith.subf %neg3A_1189, %slice3A_1187 : vector<1024x16xf32>
    %exp3A_1191 = math.exp %neg3A_1190 : vector<1024x16xf32>
    %add3A_1192 = arith.constant 1.000000e+00 : f32
    %add3A_1193 = vector.broadcast %add3A_1192 : f32 to vector<1024x16xf32>
    %add3A_1194 = arith.addf %add3A_1193, %exp3A_1191 : vector<1024x16xf32>
    %div3A_1195 = arith.constant 1.000000e+00 : f32
    %div3A_1196 = vector.broadcast %div3A_1195 : f32 to vector<1024x16xf32>
    %div3A_1197 = arith.divf %div3A_1196, %add3A_1194 : vector<1024x16xf32>
    %slice3A_1198 = vector.extract_strided_slice %add3A_1175 {offsets = [0, 32], sizes = [1024, 16], strides = [1, 1]} : vector<1024x64xf32> to vector<1024x16xf32>
    %tanh3A_1199 = math.tanh %slice3A_1198 : vector<1024x16xf32>
    %slice3A_1200 = vector.extract_strided_slice %add3A_1175 {offsets = [0, 48], sizes = [1024, 16], strides = [1, 1]} : vector<1024x64xf32> to vector<1024x16xf32>
    %neg3A_1201 = arith.constant 0.000000e+00 : f32
    %neg3A_1202 = vector.broadcast %neg3A_1201 : f32 to vector<1024x16xf32>
    %neg3A_1203 = arith.subf %neg3A_1202, %slice3A_1200 : vector<1024x16xf32>
    %exp3A_1204 = math.exp %neg3A_1203 : vector<1024x16xf32>
    %add3A_1205 = arith.constant 1.000000e+00 : f32
    %add3A_1206 = vector.broadcast %add3A_1205 : f32 to vector<1024x16xf32>
    %add3A_1207 = arith.addf %add3A_1206, %exp3A_1204 : vector<1024x16xf32>
    %div3A_1208 = arith.constant 1.000000e+00 : f32
    %div3A_1209 = vector.broadcast %div3A_1208 : f32 to vector<1024x16xf32>
    %div3A_1210 = arith.divf %div3A_1209, %add3A_1207 : vector<1024x16xf32>
    %mul3A_1211 = arith.mulf %div3A_1197, %select_n3A_1148 : vector<1024x16xf32>
    %mul3A_1212 = arith.mulf %div3A_1186, %tanh3A_1199 : vector<1024x16xf32>
    %add3A_1213 = arith.addf %mul3A_1211, %mul3A_1212 : vector<1024x16xf32>
    %tanh3A_1214 = math.tanh %add3A_1213 : vector<1024x16xf32>
    %mul3A_1215 = arith.mulf %div3A_1210, %tanh3A_1214 : vector<1024x16xf32>
    %broadcast_in_dim3A_1216 = vector.shape_cast %gt3A_1151 : vector<1024x1xi1> to vector<1024x1xi1>
    %broadcast_in_dim3A_1217 = vector.broadcast %broadcast_in_dim3A_1216 : vector<1024x1xi1> to vector<1024x16xi1>
    %select_n3A_1218 = arith.select %broadcast_in_dim3A_1217, %mul3A_1215, %select_n3A_1145 : vector<1024x16xi1>, vector<1024x16xf32>
    %broadcast_in_dim3A_1219 = vector.shape_cast %gt3A_1151 : vector<1024x1xi1> to vector<1024x1xi1>
    %broadcast_in_dim3A_1220 = vector.broadcast %broadcast_in_dim3A_1219 : vector<1024x1xi1> to vector<1024x16xi1>
    %select_n3A_1221 = arith.select %broadcast_in_dim3A_1220, %add3A_1213, %select_n3A_1148 : vector<1024x16xi1>, vector<1024x16xf32>
    %gt3A_1222 = arith.constant 1.600000e+01 : f32
    %gt3A_1223 = vector.broadcast %gt3A_1222 : f32 to vector<1024x1xf32>
    %gt3A_1224 = arith.cmpf ogt, %min3A_11, %gt3A_1223 : vector<1024x1xf32>
    %slice3A_1225 = vector.extract_strided_slice %get3A_42 {offsets = [0, 16], sizes = [1024, 1], strides = [1, 1]} : vector<1024x32xf32> to vector<1024x1xf32>
    %mul3A_1226 = vector.broadcast %slice3A_1225 : vector<1024x1xf32> to vector<1024x64xf32>
    %mul3A_1227 = vector.broadcast %get3A_45 : vector<1x64xf32> to vector<1024x64xf32>
    %mul3A_1228 = arith.mulf %mul3A_1226, %mul3A_1227 : vector<1024x64xf32>
    %slice3A_1229 = vector.extract_strided_slice %sub3A_39 {offsets = [0, 16], sizes = [1024, 1], strides = [1, 1]} : vector<1024x32xf32> to vector<1024x1xf32>
    %mul3A_1230 = vector.broadcast %slice3A_1229 : vector<1024x1xf32> to vector<1024x64xf32>
    %mul3A_1231 = vector.broadcast %get3A_48 : vector<1x64xf32> to vector<1024x64xf32>
    %mul3A_1232 = arith.mulf %mul3A_1230, %mul3A_1231 : vector<1024x64xf32>
    %add3A_1233 = arith.addf %mul3A_1228, %mul3A_1232 : vector<1024x64xf32>
    %slice3A_1234 = vector.extract_strided_slice %floor3A {offsets = [0, 16], sizes = [1024, 1], strides = [1, 1]} : vector<1024x32xf32> to vector<1024x1xf32>
    %mul3A_1235 = vector.broadcast %slice3A_1234 : vector<1024x1xf32> to vector<1024x64xf32>
    %mul3A_1236 = vector.broadcast %get3A_51 : vector<1x64xf32> to vector<1024x64xf32>
    %mul3A_1237 = arith.mulf %mul3A_1235, %mul3A_1236 : vector<1024x64xf32>
    %add3A_1238 = arith.addf %add3A_1233, %mul3A_1237 : vector<1024x64xf32>
    %slice3A_1239 = vector.extract_strided_slice %div3A_30 {offsets = [0, 16], sizes = [1024, 1], strides = [1, 1]} : vector<1024x32xf32> to vector<1024x1xf32>
    %mul3A_1240 = vector.broadcast %slice3A_1239 : vector<1024x1xf32> to vector<1024x64xf32>
    %mul3A_1241 = vector.broadcast %get3A_54 : vector<1x64xf32> to vector<1024x64xf32>
    %mul3A_1242 = arith.mulf %mul3A_1240, %mul3A_1241 : vector<1024x64xf32>
    %add3A_1243 = arith.addf %add3A_1238, %mul3A_1242 : vector<1024x64xf32>
    %dot_general3A_1244 = arith.constant dense<0.000000e+00> : vector<1024x64xf32>
    %dot_general3A_1245 = tpu.matmul %select_n3A_1218, %get3A_1, %dot_general3A_1244 {dimension_numbers = #tpu.dot_dimension_numbers<[1], [0], [0], [1], [0, 0, 1, 1], [], []>, transpose_lhs_hint = false} : vector<1024x16xf32>, vector<16x64xf32>, vector<1024x64xf32> -> vector<1024x64xf32>
    %add3A_1246 = arith.addf %add3A_1243, %dot_general3A_1245 : vector<1024x64xf32>
    %add3A_1247 = vector.broadcast %get3A_4 : vector<1x64xf32> to vector<1024x64xf32>
    %add3A_1248 = arith.addf %add3A_1246, %add3A_1247 : vector<1024x64xf32>
    %slice3A_1249 = vector.extract_strided_slice %add3A_1248 {offsets = [0, 0], sizes = [1024, 16], strides = [1, 1]} : vector<1024x64xf32> to vector<1024x16xf32>
    %neg3A_1250 = arith.constant 0.000000e+00 : f32
    %neg3A_1251 = vector.broadcast %neg3A_1250 : f32 to vector<1024x16xf32>
    %neg3A_1252 = arith.subf %neg3A_1251, %slice3A_1249 : vector<1024x16xf32>
    %exp3A_1253 = math.exp %neg3A_1252 : vector<1024x16xf32>
    %add3A_1254 = arith.constant 1.000000e+00 : f32
    %add3A_1255 = vector.broadcast %add3A_1254 : f32 to vector<1024x16xf32>
    %add3A_1256 = arith.addf %add3A_1255, %exp3A_1253 : vector<1024x16xf32>
    %div3A_1257 = arith.constant 1.000000e+00 : f32
    %div3A_1258 = vector.broadcast %div3A_1257 : f32 to vector<1024x16xf32>
    %div3A_1259 = arith.divf %div3A_1258, %add3A_1256 : vector<1024x16xf32>
    %slice3A_1260 = vector.extract_strided_slice %add3A_1248 {offsets = [0, 16], sizes = [1024, 16], strides = [1, 1]} : vector<1024x64xf32> to vector<1024x16xf32>
    %neg3A_1261 = arith.constant 0.000000e+00 : f32
    %neg3A_1262 = vector.broadcast %neg3A_1261 : f32 to vector<1024x16xf32>
    %neg3A_1263 = arith.subf %neg3A_1262, %slice3A_1260 : vector<1024x16xf32>
    %exp3A_1264 = math.exp %neg3A_1263 : vector<1024x16xf32>
    %add3A_1265 = arith.constant 1.000000e+00 : f32
    %add3A_1266 = vector.broadcast %add3A_1265 : f32 to vector<1024x16xf32>
    %add3A_1267 = arith.addf %add3A_1266, %exp3A_1264 : vector<1024x16xf32>
    %div3A_1268 = arith.constant 1.000000e+00 : f32
    %div3A_1269 = vector.broadcast %div3A_1268 : f32 to vector<1024x16xf32>
    %div3A_1270 = arith.divf %div3A_1269, %add3A_1267 : vector<1024x16xf32>
    %slice3A_1271 = vector.extract_strided_slice %add3A_1248 {offsets = [0, 32], sizes = [1024, 16], strides = [1, 1]} : vector<1024x64xf32> to vector<1024x16xf32>
    %tanh3A_1272 = math.tanh %slice3A_1271 : vector<1024x16xf32>
    %slice3A_1273 = vector.extract_strided_slice %add3A_1248 {offsets = [0, 48], sizes = [1024, 16], strides = [1, 1]} : vector<1024x64xf32> to vector<1024x16xf32>
    %neg3A_1274 = arith.constant 0.000000e+00 : f32
    %neg3A_1275 = vector.broadcast %neg3A_1274 : f32 to vector<1024x16xf32>
    %neg3A_1276 = arith.subf %neg3A_1275, %slice3A_1273 : vector<1024x16xf32>
    %exp3A_1277 = math.exp %neg3A_1276 : vector<1024x16xf32>
    %add3A_1278 = arith.constant 1.000000e+00 : f32
    %add3A_1279 = vector.broadcast %add3A_1278 : f32 to vector<1024x16xf32>
    %add3A_1280 = arith.addf %add3A_1279, %exp3A_1277 : vector<1024x16xf32>
    %div3A_1281 = arith.constant 1.000000e+00 : f32
    %div3A_1282 = vector.broadcast %div3A_1281 : f32 to vector<1024x16xf32>
    %div3A_1283 = arith.divf %div3A_1282, %add3A_1280 : vector<1024x16xf32>
    %mul3A_1284 = arith.mulf %div3A_1270, %select_n3A_1221 : vector<1024x16xf32>
    %mul3A_1285 = arith.mulf %div3A_1259, %tanh3A_1272 : vector<1024x16xf32>
    %add3A_1286 = arith.addf %mul3A_1284, %mul3A_1285 : vector<1024x16xf32>
    %tanh3A_1287 = math.tanh %add3A_1286 : vector<1024x16xf32>
    %mul3A_1288 = arith.mulf %div3A_1283, %tanh3A_1287 : vector<1024x16xf32>
    %broadcast_in_dim3A_1289 = vector.shape_cast %gt3A_1224 : vector<1024x1xi1> to vector<1024x1xi1>
    %broadcast_in_dim3A_1290 = vector.broadcast %broadcast_in_dim3A_1289 : vector<1024x1xi1> to vector<1024x16xi1>
    %select_n3A_1291 = arith.select %broadcast_in_dim3A_1290, %mul3A_1288, %select_n3A_1218 : vector<1024x16xi1>, vector<1024x16xf32>
    %broadcast_in_dim3A_1292 = vector.shape_cast %gt3A_1224 : vector<1024x1xi1> to vector<1024x1xi1>
    %broadcast_in_dim3A_1293 = vector.broadcast %broadcast_in_dim3A_1292 : vector<1024x1xi1> to vector<1024x16xi1>
    %select_n3A_1294 = arith.select %broadcast_in_dim3A_1293, %add3A_1286, %select_n3A_1221 : vector<1024x16xi1>, vector<1024x16xf32>
    %gt3A_1295 = arith.constant 1.700000e+01 : f32
    %gt3A_1296 = vector.broadcast %gt3A_1295 : f32 to vector<1024x1xf32>
    %gt3A_1297 = arith.cmpf ogt, %min3A_11, %gt3A_1296 : vector<1024x1xf32>
    %slice3A_1298 = vector.extract_strided_slice %get3A_42 {offsets = [0, 17], sizes = [1024, 1], strides = [1, 1]} : vector<1024x32xf32> to vector<1024x1xf32>
    %mul3A_1299 = vector.broadcast %slice3A_1298 : vector<1024x1xf32> to vector<1024x64xf32>
    %mul3A_1300 = vector.broadcast %get3A_45 : vector<1x64xf32> to vector<1024x64xf32>
    %mul3A_1301 = arith.mulf %mul3A_1299, %mul3A_1300 : vector<1024x64xf32>
    %slice3A_1302 = vector.extract_strided_slice %sub3A_39 {offsets = [0, 17], sizes = [1024, 1], strides = [1, 1]} : vector<1024x32xf32> to vector<1024x1xf32>
    %mul3A_1303 = vector.broadcast %slice3A_1302 : vector<1024x1xf32> to vector<1024x64xf32>
    %mul3A_1304 = vector.broadcast %get3A_48 : vector<1x64xf32> to vector<1024x64xf32>
    %mul3A_1305 = arith.mulf %mul3A_1303, %mul3A_1304 : vector<1024x64xf32>
    %add3A_1306 = arith.addf %mul3A_1301, %mul3A_1305 : vector<1024x64xf32>
    %slice3A_1307 = vector.extract_strided_slice %floor3A {offsets = [0, 17], sizes = [1024, 1], strides = [1, 1]} : vector<1024x32xf32> to vector<1024x1xf32>
    %mul3A_1308 = vector.broadcast %slice3A_1307 : vector<1024x1xf32> to vector<1024x64xf32>
    %mul3A_1309 = vector.broadcast %get3A_51 : vector<1x64xf32> to vector<1024x64xf32>
    %mul3A_1310 = arith.mulf %mul3A_1308, %mul3A_1309 : vector<1024x64xf32>
    %add3A_1311 = arith.addf %add3A_1306, %mul3A_1310 : vector<1024x64xf32>
    %slice3A_1312 = vector.extract_strided_slice %div3A_30 {offsets = [0, 17], sizes = [1024, 1], strides = [1, 1]} : vector<1024x32xf32> to vector<1024x1xf32>
    %mul3A_1313 = vector.broadcast %slice3A_1312 : vector<1024x1xf32> to vector<1024x64xf32>
    %mul3A_1314 = vector.broadcast %get3A_54 : vector<1x64xf32> to vector<1024x64xf32>
    %mul3A_1315 = arith.mulf %mul3A_1313, %mul3A_1314 : vector<1024x64xf32>
    %add3A_1316 = arith.addf %add3A_1311, %mul3A_1315 : vector<1024x64xf32>
    %dot_general3A_1317 = arith.constant dense<0.000000e+00> : vector<1024x64xf32>
    %dot_general3A_1318 = tpu.matmul %select_n3A_1291, %get3A_1, %dot_general3A_1317 {dimension_numbers = #tpu.dot_dimension_numbers<[1], [0], [0], [1], [0, 0, 1, 1], [], []>, transpose_lhs_hint = false} : vector<1024x16xf32>, vector<16x64xf32>, vector<1024x64xf32> -> vector<1024x64xf32>
    %add3A_1319 = arith.addf %add3A_1316, %dot_general3A_1318 : vector<1024x64xf32>
    %add3A_1320 = vector.broadcast %get3A_4 : vector<1x64xf32> to vector<1024x64xf32>
    %add3A_1321 = arith.addf %add3A_1319, %add3A_1320 : vector<1024x64xf32>
    %slice3A_1322 = vector.extract_strided_slice %add3A_1321 {offsets = [0, 0], sizes = [1024, 16], strides = [1, 1]} : vector<1024x64xf32> to vector<1024x16xf32>
    %neg3A_1323 = arith.constant 0.000000e+00 : f32
    %neg3A_1324 = vector.broadcast %neg3A_1323 : f32 to vector<1024x16xf32>
    %neg3A_1325 = arith.subf %neg3A_1324, %slice3A_1322 : vector<1024x16xf32>
    %exp3A_1326 = math.exp %neg3A_1325 : vector<1024x16xf32>
    %add3A_1327 = arith.constant 1.000000e+00 : f32
    %add3A_1328 = vector.broadcast %add3A_1327 : f32 to vector<1024x16xf32>
    %add3A_1329 = arith.addf %add3A_1328, %exp3A_1326 : vector<1024x16xf32>
    %div3A_1330 = arith.constant 1.000000e+00 : f32
    %div3A_1331 = vector.broadcast %div3A_1330 : f32 to vector<1024x16xf32>
    %div3A_1332 = arith.divf %div3A_1331, %add3A_1329 : vector<1024x16xf32>
    %slice3A_1333 = vector.extract_strided_slice %add3A_1321 {offsets = [0, 16], sizes = [1024, 16], strides = [1, 1]} : vector<1024x64xf32> to vector<1024x16xf32>
    %neg3A_1334 = arith.constant 0.000000e+00 : f32
    %neg3A_1335 = vector.broadcast %neg3A_1334 : f32 to vector<1024x16xf32>
    %neg3A_1336 = arith.subf %neg3A_1335, %slice3A_1333 : vector<1024x16xf32>
    %exp3A_1337 = math.exp %neg3A_1336 : vector<1024x16xf32>
    %add3A_1338 = arith.constant 1.000000e+00 : f32
    %add3A_1339 = vector.broadcast %add3A_1338 : f32 to vector<1024x16xf32>
    %add3A_1340 = arith.addf %add3A_1339, %exp3A_1337 : vector<1024x16xf32>
    %div3A_1341 = arith.constant 1.000000e+00 : f32
    %div3A_1342 = vector.broadcast %div3A_1341 : f32 to vector<1024x16xf32>
    %div3A_1343 = arith.divf %div3A_1342, %add3A_1340 : vector<1024x16xf32>
    %slice3A_1344 = vector.extract_strided_slice %add3A_1321 {offsets = [0, 32], sizes = [1024, 16], strides = [1, 1]} : vector<1024x64xf32> to vector<1024x16xf32>
    %tanh3A_1345 = math.tanh %slice3A_1344 : vector<1024x16xf32>
    %slice3A_1346 = vector.extract_strided_slice %add3A_1321 {offsets = [0, 48], sizes = [1024, 16], strides = [1, 1]} : vector<1024x64xf32> to vector<1024x16xf32>
    %neg3A_1347 = arith.constant 0.000000e+00 : f32
    %neg3A_1348 = vector.broadcast %neg3A_1347 : f32 to vector<1024x16xf32>
    %neg3A_1349 = arith.subf %neg3A_1348, %slice3A_1346 : vector<1024x16xf32>
    %exp3A_1350 = math.exp %neg3A_1349 : vector<1024x16xf32>
    %add3A_1351 = arith.constant 1.000000e+00 : f32
    %add3A_1352 = vector.broadcast %add3A_1351 : f32 to vector<1024x16xf32>
    %add3A_1353 = arith.addf %add3A_1352, %exp3A_1350 : vector<1024x16xf32>
    %div3A_1354 = arith.constant 1.000000e+00 : f32
    %div3A_1355 = vector.broadcast %div3A_1354 : f32 to vector<1024x16xf32>
    %div3A_1356 = arith.divf %div3A_1355, %add3A_1353 : vector<1024x16xf32>
    %mul3A_1357 = arith.mulf %div3A_1343, %select_n3A_1294 : vector<1024x16xf32>
    %mul3A_1358 = arith.mulf %div3A_1332, %tanh3A_1345 : vector<1024x16xf32>
    %add3A_1359 = arith.addf %mul3A_1357, %mul3A_1358 : vector<1024x16xf32>
    %tanh3A_1360 = math.tanh %add3A_1359 : vector<1024x16xf32>
    %mul3A_1361 = arith.mulf %div3A_1356, %tanh3A_1360 : vector<1024x16xf32>
    %broadcast_in_dim3A_1362 = vector.shape_cast %gt3A_1297 : vector<1024x1xi1> to vector<1024x1xi1>
    %broadcast_in_dim3A_1363 = vector.broadcast %broadcast_in_dim3A_1362 : vector<1024x1xi1> to vector<1024x16xi1>
    %select_n3A_1364 = arith.select %broadcast_in_dim3A_1363, %mul3A_1361, %select_n3A_1291 : vector<1024x16xi1>, vector<1024x16xf32>
    %broadcast_in_dim3A_1365 = vector.shape_cast %gt3A_1297 : vector<1024x1xi1> to vector<1024x1xi1>
    %broadcast_in_dim3A_1366 = vector.broadcast %broadcast_in_dim3A_1365 : vector<1024x1xi1> to vector<1024x16xi1>
    %select_n3A_1367 = arith.select %broadcast_in_dim3A_1366, %add3A_1359, %select_n3A_1294 : vector<1024x16xi1>, vector<1024x16xf32>
    %gt3A_1368 = arith.constant 1.800000e+01 : f32
    %gt3A_1369 = vector.broadcast %gt3A_1368 : f32 to vector<1024x1xf32>
    %gt3A_1370 = arith.cmpf ogt, %min3A_11, %gt3A_1369 : vector<1024x1xf32>
    %slice3A_1371 = vector.extract_strided_slice %get3A_42 {offsets = [0, 18], sizes = [1024, 1], strides = [1, 1]} : vector<1024x32xf32> to vector<1024x1xf32>
    %mul3A_1372 = vector.broadcast %slice3A_1371 : vector<1024x1xf32> to vector<1024x64xf32>
    %mul3A_1373 = vector.broadcast %get3A_45 : vector<1x64xf32> to vector<1024x64xf32>
    %mul3A_1374 = arith.mulf %mul3A_1372, %mul3A_1373 : vector<1024x64xf32>
    %slice3A_1375 = vector.extract_strided_slice %sub3A_39 {offsets = [0, 18], sizes = [1024, 1], strides = [1, 1]} : vector<1024x32xf32> to vector<1024x1xf32>
    %mul3A_1376 = vector.broadcast %slice3A_1375 : vector<1024x1xf32> to vector<1024x64xf32>
    %mul3A_1377 = vector.broadcast %get3A_48 : vector<1x64xf32> to vector<1024x64xf32>
    %mul3A_1378 = arith.mulf %mul3A_1376, %mul3A_1377 : vector<1024x64xf32>
    %add3A_1379 = arith.addf %mul3A_1374, %mul3A_1378 : vector<1024x64xf32>
    %slice3A_1380 = vector.extract_strided_slice %floor3A {offsets = [0, 18], sizes = [1024, 1], strides = [1, 1]} : vector<1024x32xf32> to vector<1024x1xf32>
    %mul3A_1381 = vector.broadcast %slice3A_1380 : vector<1024x1xf32> to vector<1024x64xf32>
    %mul3A_1382 = vector.broadcast %get3A_51 : vector<1x64xf32> to vector<1024x64xf32>
    %mul3A_1383 = arith.mulf %mul3A_1381, %mul3A_1382 : vector<1024x64xf32>
    %add3A_1384 = arith.addf %add3A_1379, %mul3A_1383 : vector<1024x64xf32>
    %slice3A_1385 = vector.extract_strided_slice %div3A_30 {offsets = [0, 18], sizes = [1024, 1], strides = [1, 1]} : vector<1024x32xf32> to vector<1024x1xf32>
    %mul3A_1386 = vector.broadcast %slice3A_1385 : vector<1024x1xf32> to vector<1024x64xf32>
    %mul3A_1387 = vector.broadcast %get3A_54 : vector<1x64xf32> to vector<1024x64xf32>
    %mul3A_1388 = arith.mulf %mul3A_1386, %mul3A_1387 : vector<1024x64xf32>
    %add3A_1389 = arith.addf %add3A_1384, %mul3A_1388 : vector<1024x64xf32>
    %dot_general3A_1390 = arith.constant dense<0.000000e+00> : vector<1024x64xf32>
    %dot_general3A_1391 = tpu.matmul %select_n3A_1364, %get3A_1, %dot_general3A_1390 {dimension_numbers = #tpu.dot_dimension_numbers<[1], [0], [0], [1], [0, 0, 1, 1], [], []>, transpose_lhs_hint = false} : vector<1024x16xf32>, vector<16x64xf32>, vector<1024x64xf32> -> vector<1024x64xf32>
    %add3A_1392 = arith.addf %add3A_1389, %dot_general3A_1391 : vector<1024x64xf32>
    %add3A_1393 = vector.broadcast %get3A_4 : vector<1x64xf32> to vector<1024x64xf32>
    %add3A_1394 = arith.addf %add3A_1392, %add3A_1393 : vector<1024x64xf32>
    %slice3A_1395 = vector.extract_strided_slice %add3A_1394 {offsets = [0, 0], sizes = [1024, 16], strides = [1, 1]} : vector<1024x64xf32> to vector<1024x16xf32>
    %neg3A_1396 = arith.constant 0.000000e+00 : f32
    %neg3A_1397 = vector.broadcast %neg3A_1396 : f32 to vector<1024x16xf32>
    %neg3A_1398 = arith.subf %neg3A_1397, %slice3A_1395 : vector<1024x16xf32>
    %exp3A_1399 = math.exp %neg3A_1398 : vector<1024x16xf32>
    %add3A_1400 = arith.constant 1.000000e+00 : f32
    %add3A_1401 = vector.broadcast %add3A_1400 : f32 to vector<1024x16xf32>
    %add3A_1402 = arith.addf %add3A_1401, %exp3A_1399 : vector<1024x16xf32>
    %div3A_1403 = arith.constant 1.000000e+00 : f32
    %div3A_1404 = vector.broadcast %div3A_1403 : f32 to vector<1024x16xf32>
    %div3A_1405 = arith.divf %div3A_1404, %add3A_1402 : vector<1024x16xf32>
    %slice3A_1406 = vector.extract_strided_slice %add3A_1394 {offsets = [0, 16], sizes = [1024, 16], strides = [1, 1]} : vector<1024x64xf32> to vector<1024x16xf32>
    %neg3A_1407 = arith.constant 0.000000e+00 : f32
    %neg3A_1408 = vector.broadcast %neg3A_1407 : f32 to vector<1024x16xf32>
    %neg3A_1409 = arith.subf %neg3A_1408, %slice3A_1406 : vector<1024x16xf32>
    %exp3A_1410 = math.exp %neg3A_1409 : vector<1024x16xf32>
    %add3A_1411 = arith.constant 1.000000e+00 : f32
    %add3A_1412 = vector.broadcast %add3A_1411 : f32 to vector<1024x16xf32>
    %add3A_1413 = arith.addf %add3A_1412, %exp3A_1410 : vector<1024x16xf32>
    %div3A_1414 = arith.constant 1.000000e+00 : f32
    %div3A_1415 = vector.broadcast %div3A_1414 : f32 to vector<1024x16xf32>
    %div3A_1416 = arith.divf %div3A_1415, %add3A_1413 : vector<1024x16xf32>
    %slice3A_1417 = vector.extract_strided_slice %add3A_1394 {offsets = [0, 32], sizes = [1024, 16], strides = [1, 1]} : vector<1024x64xf32> to vector<1024x16xf32>
    %tanh3A_1418 = math.tanh %slice3A_1417 : vector<1024x16xf32>
    %slice3A_1419 = vector.extract_strided_slice %add3A_1394 {offsets = [0, 48], sizes = [1024, 16], strides = [1, 1]} : vector<1024x64xf32> to vector<1024x16xf32>
    %neg3A_1420 = arith.constant 0.000000e+00 : f32
    %neg3A_1421 = vector.broadcast %neg3A_1420 : f32 to vector<1024x16xf32>
    %neg3A_1422 = arith.subf %neg3A_1421, %slice3A_1419 : vector<1024x16xf32>
    %exp3A_1423 = math.exp %neg3A_1422 : vector<1024x16xf32>
    %add3A_1424 = arith.constant 1.000000e+00 : f32
    %add3A_1425 = vector.broadcast %add3A_1424 : f32 to vector<1024x16xf32>
    %add3A_1426 = arith.addf %add3A_1425, %exp3A_1423 : vector<1024x16xf32>
    %div3A_1427 = arith.constant 1.000000e+00 : f32
    %div3A_1428 = vector.broadcast %div3A_1427 : f32 to vector<1024x16xf32>
    %div3A_1429 = arith.divf %div3A_1428, %add3A_1426 : vector<1024x16xf32>
    %mul3A_1430 = arith.mulf %div3A_1416, %select_n3A_1367 : vector<1024x16xf32>
    %mul3A_1431 = arith.mulf %div3A_1405, %tanh3A_1418 : vector<1024x16xf32>
    %add3A_1432 = arith.addf %mul3A_1430, %mul3A_1431 : vector<1024x16xf32>
    %tanh3A_1433 = math.tanh %add3A_1432 : vector<1024x16xf32>
    %mul3A_1434 = arith.mulf %div3A_1429, %tanh3A_1433 : vector<1024x16xf32>
    %broadcast_in_dim3A_1435 = vector.shape_cast %gt3A_1370 : vector<1024x1xi1> to vector<1024x1xi1>
    %broadcast_in_dim3A_1436 = vector.broadcast %broadcast_in_dim3A_1435 : vector<1024x1xi1> to vector<1024x16xi1>
    %select_n3A_1437 = arith.select %broadcast_in_dim3A_1436, %mul3A_1434, %select_n3A_1364 : vector<1024x16xi1>, vector<1024x16xf32>
    %broadcast_in_dim3A_1438 = vector.shape_cast %gt3A_1370 : vector<1024x1xi1> to vector<1024x1xi1>
    %broadcast_in_dim3A_1439 = vector.broadcast %broadcast_in_dim3A_1438 : vector<1024x1xi1> to vector<1024x16xi1>
    %select_n3A_1440 = arith.select %broadcast_in_dim3A_1439, %add3A_1432, %select_n3A_1367 : vector<1024x16xi1>, vector<1024x16xf32>
    %gt3A_1441 = arith.constant 1.900000e+01 : f32
    %gt3A_1442 = vector.broadcast %gt3A_1441 : f32 to vector<1024x1xf32>
    %gt3A_1443 = arith.cmpf ogt, %min3A_11, %gt3A_1442 : vector<1024x1xf32>
    %slice3A_1444 = vector.extract_strided_slice %get3A_42 {offsets = [0, 19], sizes = [1024, 1], strides = [1, 1]} : vector<1024x32xf32> to vector<1024x1xf32>
    %mul3A_1445 = vector.broadcast %slice3A_1444 : vector<1024x1xf32> to vector<1024x64xf32>
    %mul3A_1446 = vector.broadcast %get3A_45 : vector<1x64xf32> to vector<1024x64xf32>
    %mul3A_1447 = arith.mulf %mul3A_1445, %mul3A_1446 : vector<1024x64xf32>
    %slice3A_1448 = vector.extract_strided_slice %sub3A_39 {offsets = [0, 19], sizes = [1024, 1], strides = [1, 1]} : vector<1024x32xf32> to vector<1024x1xf32>
    %mul3A_1449 = vector.broadcast %slice3A_1448 : vector<1024x1xf32> to vector<1024x64xf32>
    %mul3A_1450 = vector.broadcast %get3A_48 : vector<1x64xf32> to vector<1024x64xf32>
    %mul3A_1451 = arith.mulf %mul3A_1449, %mul3A_1450 : vector<1024x64xf32>
    %add3A_1452 = arith.addf %mul3A_1447, %mul3A_1451 : vector<1024x64xf32>
    %slice3A_1453 = vector.extract_strided_slice %floor3A {offsets = [0, 19], sizes = [1024, 1], strides = [1, 1]} : vector<1024x32xf32> to vector<1024x1xf32>
    %mul3A_1454 = vector.broadcast %slice3A_1453 : vector<1024x1xf32> to vector<1024x64xf32>
    %mul3A_1455 = vector.broadcast %get3A_51 : vector<1x64xf32> to vector<1024x64xf32>
    %mul3A_1456 = arith.mulf %mul3A_1454, %mul3A_1455 : vector<1024x64xf32>
    %add3A_1457 = arith.addf %add3A_1452, %mul3A_1456 : vector<1024x64xf32>
    %slice3A_1458 = vector.extract_strided_slice %div3A_30 {offsets = [0, 19], sizes = [1024, 1], strides = [1, 1]} : vector<1024x32xf32> to vector<1024x1xf32>
    %mul3A_1459 = vector.broadcast %slice3A_1458 : vector<1024x1xf32> to vector<1024x64xf32>
    %mul3A_1460 = vector.broadcast %get3A_54 : vector<1x64xf32> to vector<1024x64xf32>
    %mul3A_1461 = arith.mulf %mul3A_1459, %mul3A_1460 : vector<1024x64xf32>
    %add3A_1462 = arith.addf %add3A_1457, %mul3A_1461 : vector<1024x64xf32>
    %dot_general3A_1463 = arith.constant dense<0.000000e+00> : vector<1024x64xf32>
    %dot_general3A_1464 = tpu.matmul %select_n3A_1437, %get3A_1, %dot_general3A_1463 {dimension_numbers = #tpu.dot_dimension_numbers<[1], [0], [0], [1], [0, 0, 1, 1], [], []>, transpose_lhs_hint = false} : vector<1024x16xf32>, vector<16x64xf32>, vector<1024x64xf32> -> vector<1024x64xf32>
    %add3A_1465 = arith.addf %add3A_1462, %dot_general3A_1464 : vector<1024x64xf32>
    %add3A_1466 = vector.broadcast %get3A_4 : vector<1x64xf32> to vector<1024x64xf32>
    %add3A_1467 = arith.addf %add3A_1465, %add3A_1466 : vector<1024x64xf32>
    %slice3A_1468 = vector.extract_strided_slice %add3A_1467 {offsets = [0, 0], sizes = [1024, 16], strides = [1, 1]} : vector<1024x64xf32> to vector<1024x16xf32>
    %neg3A_1469 = arith.constant 0.000000e+00 : f32
    %neg3A_1470 = vector.broadcast %neg3A_1469 : f32 to vector<1024x16xf32>
    %neg3A_1471 = arith.subf %neg3A_1470, %slice3A_1468 : vector<1024x16xf32>
    %exp3A_1472 = math.exp %neg3A_1471 : vector<1024x16xf32>
    %add3A_1473 = arith.constant 1.000000e+00 : f32
    %add3A_1474 = vector.broadcast %add3A_1473 : f32 to vector<1024x16xf32>
    %add3A_1475 = arith.addf %add3A_1474, %exp3A_1472 : vector<1024x16xf32>
    %div3A_1476 = arith.constant 1.000000e+00 : f32
    %div3A_1477 = vector.broadcast %div3A_1476 : f32 to vector<1024x16xf32>
    %div3A_1478 = arith.divf %div3A_1477, %add3A_1475 : vector<1024x16xf32>
    %slice3A_1479 = vector.extract_strided_slice %add3A_1467 {offsets = [0, 16], sizes = [1024, 16], strides = [1, 1]} : vector<1024x64xf32> to vector<1024x16xf32>
    %neg3A_1480 = arith.constant 0.000000e+00 : f32
    %neg3A_1481 = vector.broadcast %neg3A_1480 : f32 to vector<1024x16xf32>
    %neg3A_1482 = arith.subf %neg3A_1481, %slice3A_1479 : vector<1024x16xf32>
    %exp3A_1483 = math.exp %neg3A_1482 : vector<1024x16xf32>
    %add3A_1484 = arith.constant 1.000000e+00 : f32
    %add3A_1485 = vector.broadcast %add3A_1484 : f32 to vector<1024x16xf32>
    %add3A_1486 = arith.addf %add3A_1485, %exp3A_1483 : vector<1024x16xf32>
    %div3A_1487 = arith.constant 1.000000e+00 : f32
    %div3A_1488 = vector.broadcast %div3A_1487 : f32 to vector<1024x16xf32>
    %div3A_1489 = arith.divf %div3A_1488, %add3A_1486 : vector<1024x16xf32>
    %slice3A_1490 = vector.extract_strided_slice %add3A_1467 {offsets = [0, 32], sizes = [1024, 16], strides = [1, 1]} : vector<1024x64xf32> to vector<1024x16xf32>
    %tanh3A_1491 = math.tanh %slice3A_1490 : vector<1024x16xf32>
    %slice3A_1492 = vector.extract_strided_slice %add3A_1467 {offsets = [0, 48], sizes = [1024, 16], strides = [1, 1]} : vector<1024x64xf32> to vector<1024x16xf32>
    %neg3A_1493 = arith.constant 0.000000e+00 : f32
    %neg3A_1494 = vector.broadcast %neg3A_1493 : f32 to vector<1024x16xf32>
    %neg3A_1495 = arith.subf %neg3A_1494, %slice3A_1492 : vector<1024x16xf32>
    %exp3A_1496 = math.exp %neg3A_1495 : vector<1024x16xf32>
    %add3A_1497 = arith.constant 1.000000e+00 : f32
    %add3A_1498 = vector.broadcast %add3A_1497 : f32 to vector<1024x16xf32>
    %add3A_1499 = arith.addf %add3A_1498, %exp3A_1496 : vector<1024x16xf32>
    %div3A_1500 = arith.constant 1.000000e+00 : f32
    %div3A_1501 = vector.broadcast %div3A_1500 : f32 to vector<1024x16xf32>
    %div3A_1502 = arith.divf %div3A_1501, %add3A_1499 : vector<1024x16xf32>
    %mul3A_1503 = arith.mulf %div3A_1489, %select_n3A_1440 : vector<1024x16xf32>
    %mul3A_1504 = arith.mulf %div3A_1478, %tanh3A_1491 : vector<1024x16xf32>
    %add3A_1505 = arith.addf %mul3A_1503, %mul3A_1504 : vector<1024x16xf32>
    %tanh3A_1506 = math.tanh %add3A_1505 : vector<1024x16xf32>
    %mul3A_1507 = arith.mulf %div3A_1502, %tanh3A_1506 : vector<1024x16xf32>
    %broadcast_in_dim3A_1508 = vector.shape_cast %gt3A_1443 : vector<1024x1xi1> to vector<1024x1xi1>
    %broadcast_in_dim3A_1509 = vector.broadcast %broadcast_in_dim3A_1508 : vector<1024x1xi1> to vector<1024x16xi1>
    %select_n3A_1510 = arith.select %broadcast_in_dim3A_1509, %mul3A_1507, %select_n3A_1437 : vector<1024x16xi1>, vector<1024x16xf32>
    %broadcast_in_dim3A_1511 = vector.shape_cast %gt3A_1443 : vector<1024x1xi1> to vector<1024x1xi1>
    %broadcast_in_dim3A_1512 = vector.broadcast %broadcast_in_dim3A_1511 : vector<1024x1xi1> to vector<1024x16xi1>
    %select_n3A_1513 = arith.select %broadcast_in_dim3A_1512, %add3A_1505, %select_n3A_1440 : vector<1024x16xi1>, vector<1024x16xf32>
    %gt3A_1514 = arith.constant 2.000000e+01 : f32
    %gt3A_1515 = vector.broadcast %gt3A_1514 : f32 to vector<1024x1xf32>
    %gt3A_1516 = arith.cmpf ogt, %min3A_11, %gt3A_1515 : vector<1024x1xf32>
    %slice3A_1517 = vector.extract_strided_slice %get3A_42 {offsets = [0, 20], sizes = [1024, 1], strides = [1, 1]} : vector<1024x32xf32> to vector<1024x1xf32>
    %mul3A_1518 = vector.broadcast %slice3A_1517 : vector<1024x1xf32> to vector<1024x64xf32>
    %mul3A_1519 = vector.broadcast %get3A_45 : vector<1x64xf32> to vector<1024x64xf32>
    %mul3A_1520 = arith.mulf %mul3A_1518, %mul3A_1519 : vector<1024x64xf32>
    %slice3A_1521 = vector.extract_strided_slice %sub3A_39 {offsets = [0, 20], sizes = [1024, 1], strides = [1, 1]} : vector<1024x32xf32> to vector<1024x1xf32>
    %mul3A_1522 = vector.broadcast %slice3A_1521 : vector<1024x1xf32> to vector<1024x64xf32>
    %mul3A_1523 = vector.broadcast %get3A_48 : vector<1x64xf32> to vector<1024x64xf32>
    %mul3A_1524 = arith.mulf %mul3A_1522, %mul3A_1523 : vector<1024x64xf32>
    %add3A_1525 = arith.addf %mul3A_1520, %mul3A_1524 : vector<1024x64xf32>
    %slice3A_1526 = vector.extract_strided_slice %floor3A {offsets = [0, 20], sizes = [1024, 1], strides = [1, 1]} : vector<1024x32xf32> to vector<1024x1xf32>
    %mul3A_1527 = vector.broadcast %slice3A_1526 : vector<1024x1xf32> to vector<1024x64xf32>
    %mul3A_1528 = vector.broadcast %get3A_51 : vector<1x64xf32> to vector<1024x64xf32>
    %mul3A_1529 = arith.mulf %mul3A_1527, %mul3A_1528 : vector<1024x64xf32>
    %add3A_1530 = arith.addf %add3A_1525, %mul3A_1529 : vector<1024x64xf32>
    %slice3A_1531 = vector.extract_strided_slice %div3A_30 {offsets = [0, 20], sizes = [1024, 1], strides = [1, 1]} : vector<1024x32xf32> to vector<1024x1xf32>
    %mul3A_1532 = vector.broadcast %slice3A_1531 : vector<1024x1xf32> to vector<1024x64xf32>
    %mul3A_1533 = vector.broadcast %get3A_54 : vector<1x64xf32> to vector<1024x64xf32>
    %mul3A_1534 = arith.mulf %mul3A_1532, %mul3A_1533 : vector<1024x64xf32>
    %add3A_1535 = arith.addf %add3A_1530, %mul3A_1534 : vector<1024x64xf32>
    %dot_general3A_1536 = arith.constant dense<0.000000e+00> : vector<1024x64xf32>
    %dot_general3A_1537 = tpu.matmul %select_n3A_1510, %get3A_1, %dot_general3A_1536 {dimension_numbers = #tpu.dot_dimension_numbers<[1], [0], [0], [1], [0, 0, 1, 1], [], []>, transpose_lhs_hint = false} : vector<1024x16xf32>, vector<16x64xf32>, vector<1024x64xf32> -> vector<1024x64xf32>
    %add3A_1538 = arith.addf %add3A_1535, %dot_general3A_1537 : vector<1024x64xf32>
    %add3A_1539 = vector.broadcast %get3A_4 : vector<1x64xf32> to vector<1024x64xf32>
    %add3A_1540 = arith.addf %add3A_1538, %add3A_1539 : vector<1024x64xf32>
    %slice3A_1541 = vector.extract_strided_slice %add3A_1540 {offsets = [0, 0], sizes = [1024, 16], strides = [1, 1]} : vector<1024x64xf32> to vector<1024x16xf32>
    %neg3A_1542 = arith.constant 0.000000e+00 : f32
    %neg3A_1543 = vector.broadcast %neg3A_1542 : f32 to vector<1024x16xf32>
    %neg3A_1544 = arith.subf %neg3A_1543, %slice3A_1541 : vector<1024x16xf32>
    %exp3A_1545 = math.exp %neg3A_1544 : vector<1024x16xf32>
    %add3A_1546 = arith.constant 1.000000e+00 : f32
    %add3A_1547 = vector.broadcast %add3A_1546 : f32 to vector<1024x16xf32>
    %add3A_1548 = arith.addf %add3A_1547, %exp3A_1545 : vector<1024x16xf32>
    %div3A_1549 = arith.constant 1.000000e+00 : f32
    %div3A_1550 = vector.broadcast %div3A_1549 : f32 to vector<1024x16xf32>
    %div3A_1551 = arith.divf %div3A_1550, %add3A_1548 : vector<1024x16xf32>
    %slice3A_1552 = vector.extract_strided_slice %add3A_1540 {offsets = [0, 16], sizes = [1024, 16], strides = [1, 1]} : vector<1024x64xf32> to vector<1024x16xf32>
    %neg3A_1553 = arith.constant 0.000000e+00 : f32
    %neg3A_1554 = vector.broadcast %neg3A_1553 : f32 to vector<1024x16xf32>
    %neg3A_1555 = arith.subf %neg3A_1554, %slice3A_1552 : vector<1024x16xf32>
    %exp3A_1556 = math.exp %neg3A_1555 : vector<1024x16xf32>
    %add3A_1557 = arith.constant 1.000000e+00 : f32
    %add3A_1558 = vector.broadcast %add3A_1557 : f32 to vector<1024x16xf32>
    %add3A_1559 = arith.addf %add3A_1558, %exp3A_1556 : vector<1024x16xf32>
    %div3A_1560 = arith.constant 1.000000e+00 : f32
    %div3A_1561 = vector.broadcast %div3A_1560 : f32 to vector<1024x16xf32>
    %div3A_1562 = arith.divf %div3A_1561, %add3A_1559 : vector<1024x16xf32>
    %slice3A_1563 = vector.extract_strided_slice %add3A_1540 {offsets = [0, 32], sizes = [1024, 16], strides = [1, 1]} : vector<1024x64xf32> to vector<1024x16xf32>
    %tanh3A_1564 = math.tanh %slice3A_1563 : vector<1024x16xf32>
    %slice3A_1565 = vector.extract_strided_slice %add3A_1540 {offsets = [0, 48], sizes = [1024, 16], strides = [1, 1]} : vector<1024x64xf32> to vector<1024x16xf32>
    %neg3A_1566 = arith.constant 0.000000e+00 : f32
    %neg3A_1567 = vector.broadcast %neg3A_1566 : f32 to vector<1024x16xf32>
    %neg3A_1568 = arith.subf %neg3A_1567, %slice3A_1565 : vector<1024x16xf32>
    %exp3A_1569 = math.exp %neg3A_1568 : vector<1024x16xf32>
    %add3A_1570 = arith.constant 1.000000e+00 : f32
    %add3A_1571 = vector.broadcast %add3A_1570 : f32 to vector<1024x16xf32>
    %add3A_1572 = arith.addf %add3A_1571, %exp3A_1569 : vector<1024x16xf32>
    %div3A_1573 = arith.constant 1.000000e+00 : f32
    %div3A_1574 = vector.broadcast %div3A_1573 : f32 to vector<1024x16xf32>
    %div3A_1575 = arith.divf %div3A_1574, %add3A_1572 : vector<1024x16xf32>
    %mul3A_1576 = arith.mulf %div3A_1562, %select_n3A_1513 : vector<1024x16xf32>
    %mul3A_1577 = arith.mulf %div3A_1551, %tanh3A_1564 : vector<1024x16xf32>
    %add3A_1578 = arith.addf %mul3A_1576, %mul3A_1577 : vector<1024x16xf32>
    %tanh3A_1579 = math.tanh %add3A_1578 : vector<1024x16xf32>
    %mul3A_1580 = arith.mulf %div3A_1575, %tanh3A_1579 : vector<1024x16xf32>
    %broadcast_in_dim3A_1581 = vector.shape_cast %gt3A_1516 : vector<1024x1xi1> to vector<1024x1xi1>
    %broadcast_in_dim3A_1582 = vector.broadcast %broadcast_in_dim3A_1581 : vector<1024x1xi1> to vector<1024x16xi1>
    %select_n3A_1583 = arith.select %broadcast_in_dim3A_1582, %mul3A_1580, %select_n3A_1510 : vector<1024x16xi1>, vector<1024x16xf32>
    %broadcast_in_dim3A_1584 = vector.shape_cast %gt3A_1516 : vector<1024x1xi1> to vector<1024x1xi1>
    %broadcast_in_dim3A_1585 = vector.broadcast %broadcast_in_dim3A_1584 : vector<1024x1xi1> to vector<1024x16xi1>
    %select_n3A_1586 = arith.select %broadcast_in_dim3A_1585, %add3A_1578, %select_n3A_1513 : vector<1024x16xi1>, vector<1024x16xf32>
    %gt3A_1587 = arith.constant 2.100000e+01 : f32
    %gt3A_1588 = vector.broadcast %gt3A_1587 : f32 to vector<1024x1xf32>
    %gt3A_1589 = arith.cmpf ogt, %min3A_11, %gt3A_1588 : vector<1024x1xf32>
    %slice3A_1590 = vector.extract_strided_slice %get3A_42 {offsets = [0, 21], sizes = [1024, 1], strides = [1, 1]} : vector<1024x32xf32> to vector<1024x1xf32>
    %mul3A_1591 = vector.broadcast %slice3A_1590 : vector<1024x1xf32> to vector<1024x64xf32>
    %mul3A_1592 = vector.broadcast %get3A_45 : vector<1x64xf32> to vector<1024x64xf32>
    %mul3A_1593 = arith.mulf %mul3A_1591, %mul3A_1592 : vector<1024x64xf32>
    %slice3A_1594 = vector.extract_strided_slice %sub3A_39 {offsets = [0, 21], sizes = [1024, 1], strides = [1, 1]} : vector<1024x32xf32> to vector<1024x1xf32>
    %mul3A_1595 = vector.broadcast %slice3A_1594 : vector<1024x1xf32> to vector<1024x64xf32>
    %mul3A_1596 = vector.broadcast %get3A_48 : vector<1x64xf32> to vector<1024x64xf32>
    %mul3A_1597 = arith.mulf %mul3A_1595, %mul3A_1596 : vector<1024x64xf32>
    %add3A_1598 = arith.addf %mul3A_1593, %mul3A_1597 : vector<1024x64xf32>
    %slice3A_1599 = vector.extract_strided_slice %floor3A {offsets = [0, 21], sizes = [1024, 1], strides = [1, 1]} : vector<1024x32xf32> to vector<1024x1xf32>
    %mul3A_1600 = vector.broadcast %slice3A_1599 : vector<1024x1xf32> to vector<1024x64xf32>
    %mul3A_1601 = vector.broadcast %get3A_51 : vector<1x64xf32> to vector<1024x64xf32>
    %mul3A_1602 = arith.mulf %mul3A_1600, %mul3A_1601 : vector<1024x64xf32>
    %add3A_1603 = arith.addf %add3A_1598, %mul3A_1602 : vector<1024x64xf32>
    %slice3A_1604 = vector.extract_strided_slice %div3A_30 {offsets = [0, 21], sizes = [1024, 1], strides = [1, 1]} : vector<1024x32xf32> to vector<1024x1xf32>
    %mul3A_1605 = vector.broadcast %slice3A_1604 : vector<1024x1xf32> to vector<1024x64xf32>
    %mul3A_1606 = vector.broadcast %get3A_54 : vector<1x64xf32> to vector<1024x64xf32>
    %mul3A_1607 = arith.mulf %mul3A_1605, %mul3A_1606 : vector<1024x64xf32>
    %add3A_1608 = arith.addf %add3A_1603, %mul3A_1607 : vector<1024x64xf32>
    %dot_general3A_1609 = arith.constant dense<0.000000e+00> : vector<1024x64xf32>
    %dot_general3A_1610 = tpu.matmul %select_n3A_1583, %get3A_1, %dot_general3A_1609 {dimension_numbers = #tpu.dot_dimension_numbers<[1], [0], [0], [1], [0, 0, 1, 1], [], []>, transpose_lhs_hint = false} : vector<1024x16xf32>, vector<16x64xf32>, vector<1024x64xf32> -> vector<1024x64xf32>
    %add3A_1611 = arith.addf %add3A_1608, %dot_general3A_1610 : vector<1024x64xf32>
    %add3A_1612 = vector.broadcast %get3A_4 : vector<1x64xf32> to vector<1024x64xf32>
    %add3A_1613 = arith.addf %add3A_1611, %add3A_1612 : vector<1024x64xf32>
    %slice3A_1614 = vector.extract_strided_slice %add3A_1613 {offsets = [0, 0], sizes = [1024, 16], strides = [1, 1]} : vector<1024x64xf32> to vector<1024x16xf32>
    %neg3A_1615 = arith.constant 0.000000e+00 : f32
    %neg3A_1616 = vector.broadcast %neg3A_1615 : f32 to vector<1024x16xf32>
    %neg3A_1617 = arith.subf %neg3A_1616, %slice3A_1614 : vector<1024x16xf32>
    %exp3A_1618 = math.exp %neg3A_1617 : vector<1024x16xf32>
    %add3A_1619 = arith.constant 1.000000e+00 : f32
    %add3A_1620 = vector.broadcast %add3A_1619 : f32 to vector<1024x16xf32>
    %add3A_1621 = arith.addf %add3A_1620, %exp3A_1618 : vector<1024x16xf32>
    %div3A_1622 = arith.constant 1.000000e+00 : f32
    %div3A_1623 = vector.broadcast %div3A_1622 : f32 to vector<1024x16xf32>
    %div3A_1624 = arith.divf %div3A_1623, %add3A_1621 : vector<1024x16xf32>
    %slice3A_1625 = vector.extract_strided_slice %add3A_1613 {offsets = [0, 16], sizes = [1024, 16], strides = [1, 1]} : vector<1024x64xf32> to vector<1024x16xf32>
    %neg3A_1626 = arith.constant 0.000000e+00 : f32
    %neg3A_1627 = vector.broadcast %neg3A_1626 : f32 to vector<1024x16xf32>
    %neg3A_1628 = arith.subf %neg3A_1627, %slice3A_1625 : vector<1024x16xf32>
    %exp3A_1629 = math.exp %neg3A_1628 : vector<1024x16xf32>
    %add3A_1630 = arith.constant 1.000000e+00 : f32
    %add3A_1631 = vector.broadcast %add3A_1630 : f32 to vector<1024x16xf32>
    %add3A_1632 = arith.addf %add3A_1631, %exp3A_1629 : vector<1024x16xf32>
    %div3A_1633 = arith.constant 1.000000e+00 : f32
    %div3A_1634 = vector.broadcast %div3A_1633 : f32 to vector<1024x16xf32>
    %div3A_1635 = arith.divf %div3A_1634, %add3A_1632 : vector<1024x16xf32>
    %slice3A_1636 = vector.extract_strided_slice %add3A_1613 {offsets = [0, 32], sizes = [1024, 16], strides = [1, 1]} : vector<1024x64xf32> to vector<1024x16xf32>
    %tanh3A_1637 = math.tanh %slice3A_1636 : vector<1024x16xf32>
    %slice3A_1638 = vector.extract_strided_slice %add3A_1613 {offsets = [0, 48], sizes = [1024, 16], strides = [1, 1]} : vector<1024x64xf32> to vector<1024x16xf32>
    %neg3A_1639 = arith.constant 0.000000e+00 : f32
    %neg3A_1640 = vector.broadcast %neg3A_1639 : f32 to vector<1024x16xf32>
    %neg3A_1641 = arith.subf %neg3A_1640, %slice3A_1638 : vector<1024x16xf32>
    %exp3A_1642 = math.exp %neg3A_1641 : vector<1024x16xf32>
    %add3A_1643 = arith.constant 1.000000e+00 : f32
    %add3A_1644 = vector.broadcast %add3A_1643 : f32 to vector<1024x16xf32>
    %add3A_1645 = arith.addf %add3A_1644, %exp3A_1642 : vector<1024x16xf32>
    %div3A_1646 = arith.constant 1.000000e+00 : f32
    %div3A_1647 = vector.broadcast %div3A_1646 : f32 to vector<1024x16xf32>
    %div3A_1648 = arith.divf %div3A_1647, %add3A_1645 : vector<1024x16xf32>
    %mul3A_1649 = arith.mulf %div3A_1635, %select_n3A_1586 : vector<1024x16xf32>
    %mul3A_1650 = arith.mulf %div3A_1624, %tanh3A_1637 : vector<1024x16xf32>
    %add3A_1651 = arith.addf %mul3A_1649, %mul3A_1650 : vector<1024x16xf32>
    %tanh3A_1652 = math.tanh %add3A_1651 : vector<1024x16xf32>
    %mul3A_1653 = arith.mulf %div3A_1648, %tanh3A_1652 : vector<1024x16xf32>
    %broadcast_in_dim3A_1654 = vector.shape_cast %gt3A_1589 : vector<1024x1xi1> to vector<1024x1xi1>
    %broadcast_in_dim3A_1655 = vector.broadcast %broadcast_in_dim3A_1654 : vector<1024x1xi1> to vector<1024x16xi1>
    %select_n3A_1656 = arith.select %broadcast_in_dim3A_1655, %mul3A_1653, %select_n3A_1583 : vector<1024x16xi1>, vector<1024x16xf32>
    %broadcast_in_dim3A_1657 = vector.shape_cast %gt3A_1589 : vector<1024x1xi1> to vector<1024x1xi1>
    %broadcast_in_dim3A_1658 = vector.broadcast %broadcast_in_dim3A_1657 : vector<1024x1xi1> to vector<1024x16xi1>
    %select_n3A_1659 = arith.select %broadcast_in_dim3A_1658, %add3A_1651, %select_n3A_1586 : vector<1024x16xi1>, vector<1024x16xf32>
    %gt3A_1660 = arith.constant 2.200000e+01 : f32
    %gt3A_1661 = vector.broadcast %gt3A_1660 : f32 to vector<1024x1xf32>
    %gt3A_1662 = arith.cmpf ogt, %min3A_11, %gt3A_1661 : vector<1024x1xf32>
    %slice3A_1663 = vector.extract_strided_slice %get3A_42 {offsets = [0, 22], sizes = [1024, 1], strides = [1, 1]} : vector<1024x32xf32> to vector<1024x1xf32>
    %mul3A_1664 = vector.broadcast %slice3A_1663 : vector<1024x1xf32> to vector<1024x64xf32>
    %mul3A_1665 = vector.broadcast %get3A_45 : vector<1x64xf32> to vector<1024x64xf32>
    %mul3A_1666 = arith.mulf %mul3A_1664, %mul3A_1665 : vector<1024x64xf32>
    %slice3A_1667 = vector.extract_strided_slice %sub3A_39 {offsets = [0, 22], sizes = [1024, 1], strides = [1, 1]} : vector<1024x32xf32> to vector<1024x1xf32>
    %mul3A_1668 = vector.broadcast %slice3A_1667 : vector<1024x1xf32> to vector<1024x64xf32>
    %mul3A_1669 = vector.broadcast %get3A_48 : vector<1x64xf32> to vector<1024x64xf32>
    %mul3A_1670 = arith.mulf %mul3A_1668, %mul3A_1669 : vector<1024x64xf32>
    %add3A_1671 = arith.addf %mul3A_1666, %mul3A_1670 : vector<1024x64xf32>
    %slice3A_1672 = vector.extract_strided_slice %floor3A {offsets = [0, 22], sizes = [1024, 1], strides = [1, 1]} : vector<1024x32xf32> to vector<1024x1xf32>
    %mul3A_1673 = vector.broadcast %slice3A_1672 : vector<1024x1xf32> to vector<1024x64xf32>
    %mul3A_1674 = vector.broadcast %get3A_51 : vector<1x64xf32> to vector<1024x64xf32>
    %mul3A_1675 = arith.mulf %mul3A_1673, %mul3A_1674 : vector<1024x64xf32>
    %add3A_1676 = arith.addf %add3A_1671, %mul3A_1675 : vector<1024x64xf32>
    %slice3A_1677 = vector.extract_strided_slice %div3A_30 {offsets = [0, 22], sizes = [1024, 1], strides = [1, 1]} : vector<1024x32xf32> to vector<1024x1xf32>
    %mul3A_1678 = vector.broadcast %slice3A_1677 : vector<1024x1xf32> to vector<1024x64xf32>
    %mul3A_1679 = vector.broadcast %get3A_54 : vector<1x64xf32> to vector<1024x64xf32>
    %mul3A_1680 = arith.mulf %mul3A_1678, %mul3A_1679 : vector<1024x64xf32>
    %add3A_1681 = arith.addf %add3A_1676, %mul3A_1680 : vector<1024x64xf32>
    %dot_general3A_1682 = arith.constant dense<0.000000e+00> : vector<1024x64xf32>
    %dot_general3A_1683 = tpu.matmul %select_n3A_1656, %get3A_1, %dot_general3A_1682 {dimension_numbers = #tpu.dot_dimension_numbers<[1], [0], [0], [1], [0, 0, 1, 1], [], []>, transpose_lhs_hint = false} : vector<1024x16xf32>, vector<16x64xf32>, vector<1024x64xf32> -> vector<1024x64xf32>
    %add3A_1684 = arith.addf %add3A_1681, %dot_general3A_1683 : vector<1024x64xf32>
    %add3A_1685 = vector.broadcast %get3A_4 : vector<1x64xf32> to vector<1024x64xf32>
    %add3A_1686 = arith.addf %add3A_1684, %add3A_1685 : vector<1024x64xf32>
    %slice3A_1687 = vector.extract_strided_slice %add3A_1686 {offsets = [0, 0], sizes = [1024, 16], strides = [1, 1]} : vector<1024x64xf32> to vector<1024x16xf32>
    %neg3A_1688 = arith.constant 0.000000e+00 : f32
    %neg3A_1689 = vector.broadcast %neg3A_1688 : f32 to vector<1024x16xf32>
    %neg3A_1690 = arith.subf %neg3A_1689, %slice3A_1687 : vector<1024x16xf32>
    %exp3A_1691 = math.exp %neg3A_1690 : vector<1024x16xf32>
    %add3A_1692 = arith.constant 1.000000e+00 : f32
    %add3A_1693 = vector.broadcast %add3A_1692 : f32 to vector<1024x16xf32>
    %add3A_1694 = arith.addf %add3A_1693, %exp3A_1691 : vector<1024x16xf32>
    %div3A_1695 = arith.constant 1.000000e+00 : f32
    %div3A_1696 = vector.broadcast %div3A_1695 : f32 to vector<1024x16xf32>
    %div3A_1697 = arith.divf %div3A_1696, %add3A_1694 : vector<1024x16xf32>
    %slice3A_1698 = vector.extract_strided_slice %add3A_1686 {offsets = [0, 16], sizes = [1024, 16], strides = [1, 1]} : vector<1024x64xf32> to vector<1024x16xf32>
    %neg3A_1699 = arith.constant 0.000000e+00 : f32
    %neg3A_1700 = vector.broadcast %neg3A_1699 : f32 to vector<1024x16xf32>
    %neg3A_1701 = arith.subf %neg3A_1700, %slice3A_1698 : vector<1024x16xf32>
    %exp3A_1702 = math.exp %neg3A_1701 : vector<1024x16xf32>
    %add3A_1703 = arith.constant 1.000000e+00 : f32
    %add3A_1704 = vector.broadcast %add3A_1703 : f32 to vector<1024x16xf32>
    %add3A_1705 = arith.addf %add3A_1704, %exp3A_1702 : vector<1024x16xf32>
    %div3A_1706 = arith.constant 1.000000e+00 : f32
    %div3A_1707 = vector.broadcast %div3A_1706 : f32 to vector<1024x16xf32>
    %div3A_1708 = arith.divf %div3A_1707, %add3A_1705 : vector<1024x16xf32>
    %slice3A_1709 = vector.extract_strided_slice %add3A_1686 {offsets = [0, 32], sizes = [1024, 16], strides = [1, 1]} : vector<1024x64xf32> to vector<1024x16xf32>
    %tanh3A_1710 = math.tanh %slice3A_1709 : vector<1024x16xf32>
    %slice3A_1711 = vector.extract_strided_slice %add3A_1686 {offsets = [0, 48], sizes = [1024, 16], strides = [1, 1]} : vector<1024x64xf32> to vector<1024x16xf32>
    %neg3A_1712 = arith.constant 0.000000e+00 : f32
    %neg3A_1713 = vector.broadcast %neg3A_1712 : f32 to vector<1024x16xf32>
    %neg3A_1714 = arith.subf %neg3A_1713, %slice3A_1711 : vector<1024x16xf32>
    %exp3A_1715 = math.exp %neg3A_1714 : vector<1024x16xf32>
    %add3A_1716 = arith.constant 1.000000e+00 : f32
    %add3A_1717 = vector.broadcast %add3A_1716 : f32 to vector<1024x16xf32>
    %add3A_1718 = arith.addf %add3A_1717, %exp3A_1715 : vector<1024x16xf32>
    %div3A_1719 = arith.constant 1.000000e+00 : f32
    %div3A_1720 = vector.broadcast %div3A_1719 : f32 to vector<1024x16xf32>
    %div3A_1721 = arith.divf %div3A_1720, %add3A_1718 : vector<1024x16xf32>
    %mul3A_1722 = arith.mulf %div3A_1708, %select_n3A_1659 : vector<1024x16xf32>
    %mul3A_1723 = arith.mulf %div3A_1697, %tanh3A_1710 : vector<1024x16xf32>
    %add3A_1724 = arith.addf %mul3A_1722, %mul3A_1723 : vector<1024x16xf32>
    %tanh3A_1725 = math.tanh %add3A_1724 : vector<1024x16xf32>
    %mul3A_1726 = arith.mulf %div3A_1721, %tanh3A_1725 : vector<1024x16xf32>
    %broadcast_in_dim3A_1727 = vector.shape_cast %gt3A_1662 : vector<1024x1xi1> to vector<1024x1xi1>
    %broadcast_in_dim3A_1728 = vector.broadcast %broadcast_in_dim3A_1727 : vector<1024x1xi1> to vector<1024x16xi1>
    %select_n3A_1729 = arith.select %broadcast_in_dim3A_1728, %mul3A_1726, %select_n3A_1656 : vector<1024x16xi1>, vector<1024x16xf32>
    %broadcast_in_dim3A_1730 = vector.shape_cast %gt3A_1662 : vector<1024x1xi1> to vector<1024x1xi1>
    %broadcast_in_dim3A_1731 = vector.broadcast %broadcast_in_dim3A_1730 : vector<1024x1xi1> to vector<1024x16xi1>
    %select_n3A_1732 = arith.select %broadcast_in_dim3A_1731, %add3A_1724, %select_n3A_1659 : vector<1024x16xi1>, vector<1024x16xf32>
    %gt3A_1733 = arith.constant 2.300000e+01 : f32
    %gt3A_1734 = vector.broadcast %gt3A_1733 : f32 to vector<1024x1xf32>
    %gt3A_1735 = arith.cmpf ogt, %min3A_11, %gt3A_1734 : vector<1024x1xf32>
    %slice3A_1736 = vector.extract_strided_slice %get3A_42 {offsets = [0, 23], sizes = [1024, 1], strides = [1, 1]} : vector<1024x32xf32> to vector<1024x1xf32>
    %mul3A_1737 = vector.broadcast %slice3A_1736 : vector<1024x1xf32> to vector<1024x64xf32>
    %mul3A_1738 = vector.broadcast %get3A_45 : vector<1x64xf32> to vector<1024x64xf32>
    %mul3A_1739 = arith.mulf %mul3A_1737, %mul3A_1738 : vector<1024x64xf32>
    %slice3A_1740 = vector.extract_strided_slice %sub3A_39 {offsets = [0, 23], sizes = [1024, 1], strides = [1, 1]} : vector<1024x32xf32> to vector<1024x1xf32>
    %mul3A_1741 = vector.broadcast %slice3A_1740 : vector<1024x1xf32> to vector<1024x64xf32>
    %mul3A_1742 = vector.broadcast %get3A_48 : vector<1x64xf32> to vector<1024x64xf32>
    %mul3A_1743 = arith.mulf %mul3A_1741, %mul3A_1742 : vector<1024x64xf32>
    %add3A_1744 = arith.addf %mul3A_1739, %mul3A_1743 : vector<1024x64xf32>
    %slice3A_1745 = vector.extract_strided_slice %floor3A {offsets = [0, 23], sizes = [1024, 1], strides = [1, 1]} : vector<1024x32xf32> to vector<1024x1xf32>
    %mul3A_1746 = vector.broadcast %slice3A_1745 : vector<1024x1xf32> to vector<1024x64xf32>
    %mul3A_1747 = vector.broadcast %get3A_51 : vector<1x64xf32> to vector<1024x64xf32>
    %mul3A_1748 = arith.mulf %mul3A_1746, %mul3A_1747 : vector<1024x64xf32>
    %add3A_1749 = arith.addf %add3A_1744, %mul3A_1748 : vector<1024x64xf32>
    %slice3A_1750 = vector.extract_strided_slice %div3A_30 {offsets = [0, 23], sizes = [1024, 1], strides = [1, 1]} : vector<1024x32xf32> to vector<1024x1xf32>
    %mul3A_1751 = vector.broadcast %slice3A_1750 : vector<1024x1xf32> to vector<1024x64xf32>
    %mul3A_1752 = vector.broadcast %get3A_54 : vector<1x64xf32> to vector<1024x64xf32>
    %mul3A_1753 = arith.mulf %mul3A_1751, %mul3A_1752 : vector<1024x64xf32>
    %add3A_1754 = arith.addf %add3A_1749, %mul3A_1753 : vector<1024x64xf32>
    %dot_general3A_1755 = arith.constant dense<0.000000e+00> : vector<1024x64xf32>
    %dot_general3A_1756 = tpu.matmul %select_n3A_1729, %get3A_1, %dot_general3A_1755 {dimension_numbers = #tpu.dot_dimension_numbers<[1], [0], [0], [1], [0, 0, 1, 1], [], []>, transpose_lhs_hint = false} : vector<1024x16xf32>, vector<16x64xf32>, vector<1024x64xf32> -> vector<1024x64xf32>
    %add3A_1757 = arith.addf %add3A_1754, %dot_general3A_1756 : vector<1024x64xf32>
    %add3A_1758 = vector.broadcast %get3A_4 : vector<1x64xf32> to vector<1024x64xf32>
    %add3A_1759 = arith.addf %add3A_1757, %add3A_1758 : vector<1024x64xf32>
    %slice3A_1760 = vector.extract_strided_slice %add3A_1759 {offsets = [0, 0], sizes = [1024, 16], strides = [1, 1]} : vector<1024x64xf32> to vector<1024x16xf32>
    %neg3A_1761 = arith.constant 0.000000e+00 : f32
    %neg3A_1762 = vector.broadcast %neg3A_1761 : f32 to vector<1024x16xf32>
    %neg3A_1763 = arith.subf %neg3A_1762, %slice3A_1760 : vector<1024x16xf32>
    %exp3A_1764 = math.exp %neg3A_1763 : vector<1024x16xf32>
    %add3A_1765 = arith.constant 1.000000e+00 : f32
    %add3A_1766 = vector.broadcast %add3A_1765 : f32 to vector<1024x16xf32>
    %add3A_1767 = arith.addf %add3A_1766, %exp3A_1764 : vector<1024x16xf32>
    %div3A_1768 = arith.constant 1.000000e+00 : f32
    %div3A_1769 = vector.broadcast %div3A_1768 : f32 to vector<1024x16xf32>
    %div3A_1770 = arith.divf %div3A_1769, %add3A_1767 : vector<1024x16xf32>
    %slice3A_1771 = vector.extract_strided_slice %add3A_1759 {offsets = [0, 16], sizes = [1024, 16], strides = [1, 1]} : vector<1024x64xf32> to vector<1024x16xf32>
    %neg3A_1772 = arith.constant 0.000000e+00 : f32
    %neg3A_1773 = vector.broadcast %neg3A_1772 : f32 to vector<1024x16xf32>
    %neg3A_1774 = arith.subf %neg3A_1773, %slice3A_1771 : vector<1024x16xf32>
    %exp3A_1775 = math.exp %neg3A_1774 : vector<1024x16xf32>
    %add3A_1776 = arith.constant 1.000000e+00 : f32
    %add3A_1777 = vector.broadcast %add3A_1776 : f32 to vector<1024x16xf32>
    %add3A_1778 = arith.addf %add3A_1777, %exp3A_1775 : vector<1024x16xf32>
    %div3A_1779 = arith.constant 1.000000e+00 : f32
    %div3A_1780 = vector.broadcast %div3A_1779 : f32 to vector<1024x16xf32>
    %div3A_1781 = arith.divf %div3A_1780, %add3A_1778 : vector<1024x16xf32>
    %slice3A_1782 = vector.extract_strided_slice %add3A_1759 {offsets = [0, 32], sizes = [1024, 16], strides = [1, 1]} : vector<1024x64xf32> to vector<1024x16xf32>
    %tanh3A_1783 = math.tanh %slice3A_1782 : vector<1024x16xf32>
    %slice3A_1784 = vector.extract_strided_slice %add3A_1759 {offsets = [0, 48], sizes = [1024, 16], strides = [1, 1]} : vector<1024x64xf32> to vector<1024x16xf32>
    %neg3A_1785 = arith.constant 0.000000e+00 : f32
    %neg3A_1786 = vector.broadcast %neg3A_1785 : f32 to vector<1024x16xf32>
    %neg3A_1787 = arith.subf %neg3A_1786, %slice3A_1784 : vector<1024x16xf32>
    %exp3A_1788 = math.exp %neg3A_1787 : vector<1024x16xf32>
    %add3A_1789 = arith.constant 1.000000e+00 : f32
    %add3A_1790 = vector.broadcast %add3A_1789 : f32 to vector<1024x16xf32>
    %add3A_1791 = arith.addf %add3A_1790, %exp3A_1788 : vector<1024x16xf32>
    %div3A_1792 = arith.constant 1.000000e+00 : f32
    %div3A_1793 = vector.broadcast %div3A_1792 : f32 to vector<1024x16xf32>
    %div3A_1794 = arith.divf %div3A_1793, %add3A_1791 : vector<1024x16xf32>
    %mul3A_1795 = arith.mulf %div3A_1781, %select_n3A_1732 : vector<1024x16xf32>
    %mul3A_1796 = arith.mulf %div3A_1770, %tanh3A_1783 : vector<1024x16xf32>
    %add3A_1797 = arith.addf %mul3A_1795, %mul3A_1796 : vector<1024x16xf32>
    %tanh3A_1798 = math.tanh %add3A_1797 : vector<1024x16xf32>
    %mul3A_1799 = arith.mulf %div3A_1794, %tanh3A_1798 : vector<1024x16xf32>
    %broadcast_in_dim3A_1800 = vector.shape_cast %gt3A_1735 : vector<1024x1xi1> to vector<1024x1xi1>
    %broadcast_in_dim3A_1801 = vector.broadcast %broadcast_in_dim3A_1800 : vector<1024x1xi1> to vector<1024x16xi1>
    %select_n3A_1802 = arith.select %broadcast_in_dim3A_1801, %mul3A_1799, %select_n3A_1729 : vector<1024x16xi1>, vector<1024x16xf32>
    %broadcast_in_dim3A_1803 = vector.shape_cast %gt3A_1735 : vector<1024x1xi1> to vector<1024x1xi1>
    %broadcast_in_dim3A_1804 = vector.broadcast %broadcast_in_dim3A_1803 : vector<1024x1xi1> to vector<1024x16xi1>
    %select_n3A_1805 = arith.select %broadcast_in_dim3A_1804, %add3A_1797, %select_n3A_1732 : vector<1024x16xi1>, vector<1024x16xf32>
    %gt3A_1806 = arith.constant 2.400000e+01 : f32
    %gt3A_1807 = vector.broadcast %gt3A_1806 : f32 to vector<1024x1xf32>
    %gt3A_1808 = arith.cmpf ogt, %min3A_11, %gt3A_1807 : vector<1024x1xf32>
    %slice3A_1809 = vector.extract_strided_slice %get3A_42 {offsets = [0, 24], sizes = [1024, 1], strides = [1, 1]} : vector<1024x32xf32> to vector<1024x1xf32>
    %mul3A_1810 = vector.broadcast %slice3A_1809 : vector<1024x1xf32> to vector<1024x64xf32>
    %mul3A_1811 = vector.broadcast %get3A_45 : vector<1x64xf32> to vector<1024x64xf32>
    %mul3A_1812 = arith.mulf %mul3A_1810, %mul3A_1811 : vector<1024x64xf32>
    %slice3A_1813 = vector.extract_strided_slice %sub3A_39 {offsets = [0, 24], sizes = [1024, 1], strides = [1, 1]} : vector<1024x32xf32> to vector<1024x1xf32>
    %mul3A_1814 = vector.broadcast %slice3A_1813 : vector<1024x1xf32> to vector<1024x64xf32>
    %mul3A_1815 = vector.broadcast %get3A_48 : vector<1x64xf32> to vector<1024x64xf32>
    %mul3A_1816 = arith.mulf %mul3A_1814, %mul3A_1815 : vector<1024x64xf32>
    %add3A_1817 = arith.addf %mul3A_1812, %mul3A_1816 : vector<1024x64xf32>
    %slice3A_1818 = vector.extract_strided_slice %floor3A {offsets = [0, 24], sizes = [1024, 1], strides = [1, 1]} : vector<1024x32xf32> to vector<1024x1xf32>
    %mul3A_1819 = vector.broadcast %slice3A_1818 : vector<1024x1xf32> to vector<1024x64xf32>
    %mul3A_1820 = vector.broadcast %get3A_51 : vector<1x64xf32> to vector<1024x64xf32>
    %mul3A_1821 = arith.mulf %mul3A_1819, %mul3A_1820 : vector<1024x64xf32>
    %add3A_1822 = arith.addf %add3A_1817, %mul3A_1821 : vector<1024x64xf32>
    %slice3A_1823 = vector.extract_strided_slice %div3A_30 {offsets = [0, 24], sizes = [1024, 1], strides = [1, 1]} : vector<1024x32xf32> to vector<1024x1xf32>
    %mul3A_1824 = vector.broadcast %slice3A_1823 : vector<1024x1xf32> to vector<1024x64xf32>
    %mul3A_1825 = vector.broadcast %get3A_54 : vector<1x64xf32> to vector<1024x64xf32>
    %mul3A_1826 = arith.mulf %mul3A_1824, %mul3A_1825 : vector<1024x64xf32>
    %add3A_1827 = arith.addf %add3A_1822, %mul3A_1826 : vector<1024x64xf32>
    %dot_general3A_1828 = arith.constant dense<0.000000e+00> : vector<1024x64xf32>
    %dot_general3A_1829 = tpu.matmul %select_n3A_1802, %get3A_1, %dot_general3A_1828 {dimension_numbers = #tpu.dot_dimension_numbers<[1], [0], [0], [1], [0, 0, 1, 1], [], []>, transpose_lhs_hint = false} : vector<1024x16xf32>, vector<16x64xf32>, vector<1024x64xf32> -> vector<1024x64xf32>
    %add3A_1830 = arith.addf %add3A_1827, %dot_general3A_1829 : vector<1024x64xf32>
    %add3A_1831 = vector.broadcast %get3A_4 : vector<1x64xf32> to vector<1024x64xf32>
    %add3A_1832 = arith.addf %add3A_1830, %add3A_1831 : vector<1024x64xf32>
    %slice3A_1833 = vector.extract_strided_slice %add3A_1832 {offsets = [0, 0], sizes = [1024, 16], strides = [1, 1]} : vector<1024x64xf32> to vector<1024x16xf32>
    %neg3A_1834 = arith.constant 0.000000e+00 : f32
    %neg3A_1835 = vector.broadcast %neg3A_1834 : f32 to vector<1024x16xf32>
    %neg3A_1836 = arith.subf %neg3A_1835, %slice3A_1833 : vector<1024x16xf32>
    %exp3A_1837 = math.exp %neg3A_1836 : vector<1024x16xf32>
    %add3A_1838 = arith.constant 1.000000e+00 : f32
    %add3A_1839 = vector.broadcast %add3A_1838 : f32 to vector<1024x16xf32>
    %add3A_1840 = arith.addf %add3A_1839, %exp3A_1837 : vector<1024x16xf32>
    %div3A_1841 = arith.constant 1.000000e+00 : f32
    %div3A_1842 = vector.broadcast %div3A_1841 : f32 to vector<1024x16xf32>
    %div3A_1843 = arith.divf %div3A_1842, %add3A_1840 : vector<1024x16xf32>
    %slice3A_1844 = vector.extract_strided_slice %add3A_1832 {offsets = [0, 16], sizes = [1024, 16], strides = [1, 1]} : vector<1024x64xf32> to vector<1024x16xf32>
    %neg3A_1845 = arith.constant 0.000000e+00 : f32
    %neg3A_1846 = vector.broadcast %neg3A_1845 : f32 to vector<1024x16xf32>
    %neg3A_1847 = arith.subf %neg3A_1846, %slice3A_1844 : vector<1024x16xf32>
    %exp3A_1848 = math.exp %neg3A_1847 : vector<1024x16xf32>
    %add3A_1849 = arith.constant 1.000000e+00 : f32
    %add3A_1850 = vector.broadcast %add3A_1849 : f32 to vector<1024x16xf32>
    %add3A_1851 = arith.addf %add3A_1850, %exp3A_1848 : vector<1024x16xf32>
    %div3A_1852 = arith.constant 1.000000e+00 : f32
    %div3A_1853 = vector.broadcast %div3A_1852 : f32 to vector<1024x16xf32>
    %div3A_1854 = arith.divf %div3A_1853, %add3A_1851 : vector<1024x16xf32>
    %slice3A_1855 = vector.extract_strided_slice %add3A_1832 {offsets = [0, 32], sizes = [1024, 16], strides = [1, 1]} : vector<1024x64xf32> to vector<1024x16xf32>
    %tanh3A_1856 = math.tanh %slice3A_1855 : vector<1024x16xf32>
    %slice3A_1857 = vector.extract_strided_slice %add3A_1832 {offsets = [0, 48], sizes = [1024, 16], strides = [1, 1]} : vector<1024x64xf32> to vector<1024x16xf32>
    %neg3A_1858 = arith.constant 0.000000e+00 : f32
    %neg3A_1859 = vector.broadcast %neg3A_1858 : f32 to vector<1024x16xf32>
    %neg3A_1860 = arith.subf %neg3A_1859, %slice3A_1857 : vector<1024x16xf32>
    %exp3A_1861 = math.exp %neg3A_1860 : vector<1024x16xf32>
    %add3A_1862 = arith.constant 1.000000e+00 : f32
    %add3A_1863 = vector.broadcast %add3A_1862 : f32 to vector<1024x16xf32>
    %add3A_1864 = arith.addf %add3A_1863, %exp3A_1861 : vector<1024x16xf32>
    %div3A_1865 = arith.constant 1.000000e+00 : f32
    %div3A_1866 = vector.broadcast %div3A_1865 : f32 to vector<1024x16xf32>
    %div3A_1867 = arith.divf %div3A_1866, %add3A_1864 : vector<1024x16xf32>
    %mul3A_1868 = arith.mulf %div3A_1854, %select_n3A_1805 : vector<1024x16xf32>
    %mul3A_1869 = arith.mulf %div3A_1843, %tanh3A_1856 : vector<1024x16xf32>
    %add3A_1870 = arith.addf %mul3A_1868, %mul3A_1869 : vector<1024x16xf32>
    %tanh3A_1871 = math.tanh %add3A_1870 : vector<1024x16xf32>
    %mul3A_1872 = arith.mulf %div3A_1867, %tanh3A_1871 : vector<1024x16xf32>
    %broadcast_in_dim3A_1873 = vector.shape_cast %gt3A_1808 : vector<1024x1xi1> to vector<1024x1xi1>
    %broadcast_in_dim3A_1874 = vector.broadcast %broadcast_in_dim3A_1873 : vector<1024x1xi1> to vector<1024x16xi1>
    %select_n3A_1875 = arith.select %broadcast_in_dim3A_1874, %mul3A_1872, %select_n3A_1802 : vector<1024x16xi1>, vector<1024x16xf32>
    %broadcast_in_dim3A_1876 = vector.shape_cast %gt3A_1808 : vector<1024x1xi1> to vector<1024x1xi1>
    %broadcast_in_dim3A_1877 = vector.broadcast %broadcast_in_dim3A_1876 : vector<1024x1xi1> to vector<1024x16xi1>
    %select_n3A_1878 = arith.select %broadcast_in_dim3A_1877, %add3A_1870, %select_n3A_1805 : vector<1024x16xi1>, vector<1024x16xf32>
    %gt3A_1879 = arith.constant 2.500000e+01 : f32
    %gt3A_1880 = vector.broadcast %gt3A_1879 : f32 to vector<1024x1xf32>
    %gt3A_1881 = arith.cmpf ogt, %min3A_11, %gt3A_1880 : vector<1024x1xf32>
    %slice3A_1882 = vector.extract_strided_slice %get3A_42 {offsets = [0, 25], sizes = [1024, 1], strides = [1, 1]} : vector<1024x32xf32> to vector<1024x1xf32>
    %mul3A_1883 = vector.broadcast %slice3A_1882 : vector<1024x1xf32> to vector<1024x64xf32>
    %mul3A_1884 = vector.broadcast %get3A_45 : vector<1x64xf32> to vector<1024x64xf32>
    %mul3A_1885 = arith.mulf %mul3A_1883, %mul3A_1884 : vector<1024x64xf32>
    %slice3A_1886 = vector.extract_strided_slice %sub3A_39 {offsets = [0, 25], sizes = [1024, 1], strides = [1, 1]} : vector<1024x32xf32> to vector<1024x1xf32>
    %mul3A_1887 = vector.broadcast %slice3A_1886 : vector<1024x1xf32> to vector<1024x64xf32>
    %mul3A_1888 = vector.broadcast %get3A_48 : vector<1x64xf32> to vector<1024x64xf32>
    %mul3A_1889 = arith.mulf %mul3A_1887, %mul3A_1888 : vector<1024x64xf32>
    %add3A_1890 = arith.addf %mul3A_1885, %mul3A_1889 : vector<1024x64xf32>
    %slice3A_1891 = vector.extract_strided_slice %floor3A {offsets = [0, 25], sizes = [1024, 1], strides = [1, 1]} : vector<1024x32xf32> to vector<1024x1xf32>
    %mul3A_1892 = vector.broadcast %slice3A_1891 : vector<1024x1xf32> to vector<1024x64xf32>
    %mul3A_1893 = vector.broadcast %get3A_51 : vector<1x64xf32> to vector<1024x64xf32>
    %mul3A_1894 = arith.mulf %mul3A_1892, %mul3A_1893 : vector<1024x64xf32>
    %add3A_1895 = arith.addf %add3A_1890, %mul3A_1894 : vector<1024x64xf32>
    %slice3A_1896 = vector.extract_strided_slice %div3A_30 {offsets = [0, 25], sizes = [1024, 1], strides = [1, 1]} : vector<1024x32xf32> to vector<1024x1xf32>
    %mul3A_1897 = vector.broadcast %slice3A_1896 : vector<1024x1xf32> to vector<1024x64xf32>
    %mul3A_1898 = vector.broadcast %get3A_54 : vector<1x64xf32> to vector<1024x64xf32>
    %mul3A_1899 = arith.mulf %mul3A_1897, %mul3A_1898 : vector<1024x64xf32>
    %add3A_1900 = arith.addf %add3A_1895, %mul3A_1899 : vector<1024x64xf32>
    %dot_general3A_1901 = arith.constant dense<0.000000e+00> : vector<1024x64xf32>
    %dot_general3A_1902 = tpu.matmul %select_n3A_1875, %get3A_1, %dot_general3A_1901 {dimension_numbers = #tpu.dot_dimension_numbers<[1], [0], [0], [1], [0, 0, 1, 1], [], []>, transpose_lhs_hint = false} : vector<1024x16xf32>, vector<16x64xf32>, vector<1024x64xf32> -> vector<1024x64xf32>
    %add3A_1903 = arith.addf %add3A_1900, %dot_general3A_1902 : vector<1024x64xf32>
    %add3A_1904 = vector.broadcast %get3A_4 : vector<1x64xf32> to vector<1024x64xf32>
    %add3A_1905 = arith.addf %add3A_1903, %add3A_1904 : vector<1024x64xf32>
    %slice3A_1906 = vector.extract_strided_slice %add3A_1905 {offsets = [0, 0], sizes = [1024, 16], strides = [1, 1]} : vector<1024x64xf32> to vector<1024x16xf32>
    %neg3A_1907 = arith.constant 0.000000e+00 : f32
    %neg3A_1908 = vector.broadcast %neg3A_1907 : f32 to vector<1024x16xf32>
    %neg3A_1909 = arith.subf %neg3A_1908, %slice3A_1906 : vector<1024x16xf32>
    %exp3A_1910 = math.exp %neg3A_1909 : vector<1024x16xf32>
    %add3A_1911 = arith.constant 1.000000e+00 : f32
    %add3A_1912 = vector.broadcast %add3A_1911 : f32 to vector<1024x16xf32>
    %add3A_1913 = arith.addf %add3A_1912, %exp3A_1910 : vector<1024x16xf32>
    %div3A_1914 = arith.constant 1.000000e+00 : f32
    %div3A_1915 = vector.broadcast %div3A_1914 : f32 to vector<1024x16xf32>
    %div3A_1916 = arith.divf %div3A_1915, %add3A_1913 : vector<1024x16xf32>
    %slice3A_1917 = vector.extract_strided_slice %add3A_1905 {offsets = [0, 16], sizes = [1024, 16], strides = [1, 1]} : vector<1024x64xf32> to vector<1024x16xf32>
    %neg3A_1918 = arith.constant 0.000000e+00 : f32
    %neg3A_1919 = vector.broadcast %neg3A_1918 : f32 to vector<1024x16xf32>
    %neg3A_1920 = arith.subf %neg3A_1919, %slice3A_1917 : vector<1024x16xf32>
    %exp3A_1921 = math.exp %neg3A_1920 : vector<1024x16xf32>
    %add3A_1922 = arith.constant 1.000000e+00 : f32
    %add3A_1923 = vector.broadcast %add3A_1922 : f32 to vector<1024x16xf32>
    %add3A_1924 = arith.addf %add3A_1923, %exp3A_1921 : vector<1024x16xf32>
    %div3A_1925 = arith.constant 1.000000e+00 : f32
    %div3A_1926 = vector.broadcast %div3A_1925 : f32 to vector<1024x16xf32>
    %div3A_1927 = arith.divf %div3A_1926, %add3A_1924 : vector<1024x16xf32>
    %slice3A_1928 = vector.extract_strided_slice %add3A_1905 {offsets = [0, 32], sizes = [1024, 16], strides = [1, 1]} : vector<1024x64xf32> to vector<1024x16xf32>
    %tanh3A_1929 = math.tanh %slice3A_1928 : vector<1024x16xf32>
    %slice3A_1930 = vector.extract_strided_slice %add3A_1905 {offsets = [0, 48], sizes = [1024, 16], strides = [1, 1]} : vector<1024x64xf32> to vector<1024x16xf32>
    %neg3A_1931 = arith.constant 0.000000e+00 : f32
    %neg3A_1932 = vector.broadcast %neg3A_1931 : f32 to vector<1024x16xf32>
    %neg3A_1933 = arith.subf %neg3A_1932, %slice3A_1930 : vector<1024x16xf32>
    %exp3A_1934 = math.exp %neg3A_1933 : vector<1024x16xf32>
    %add3A_1935 = arith.constant 1.000000e+00 : f32
    %add3A_1936 = vector.broadcast %add3A_1935 : f32 to vector<1024x16xf32>
    %add3A_1937 = arith.addf %add3A_1936, %exp3A_1934 : vector<1024x16xf32>
    %div3A_1938 = arith.constant 1.000000e+00 : f32
    %div3A_1939 = vector.broadcast %div3A_1938 : f32 to vector<1024x16xf32>
    %div3A_1940 = arith.divf %div3A_1939, %add3A_1937 : vector<1024x16xf32>
    %mul3A_1941 = arith.mulf %div3A_1927, %select_n3A_1878 : vector<1024x16xf32>
    %mul3A_1942 = arith.mulf %div3A_1916, %tanh3A_1929 : vector<1024x16xf32>
    %add3A_1943 = arith.addf %mul3A_1941, %mul3A_1942 : vector<1024x16xf32>
    %tanh3A_1944 = math.tanh %add3A_1943 : vector<1024x16xf32>
    %mul3A_1945 = arith.mulf %div3A_1940, %tanh3A_1944 : vector<1024x16xf32>
    %broadcast_in_dim3A_1946 = vector.shape_cast %gt3A_1881 : vector<1024x1xi1> to vector<1024x1xi1>
    %broadcast_in_dim3A_1947 = vector.broadcast %broadcast_in_dim3A_1946 : vector<1024x1xi1> to vector<1024x16xi1>
    %select_n3A_1948 = arith.select %broadcast_in_dim3A_1947, %mul3A_1945, %select_n3A_1875 : vector<1024x16xi1>, vector<1024x16xf32>
    %broadcast_in_dim3A_1949 = vector.shape_cast %gt3A_1881 : vector<1024x1xi1> to vector<1024x1xi1>
    %broadcast_in_dim3A_1950 = vector.broadcast %broadcast_in_dim3A_1949 : vector<1024x1xi1> to vector<1024x16xi1>
    %select_n3A_1951 = arith.select %broadcast_in_dim3A_1950, %add3A_1943, %select_n3A_1878 : vector<1024x16xi1>, vector<1024x16xf32>
    %gt3A_1952 = arith.constant 2.600000e+01 : f32
    %gt3A_1953 = vector.broadcast %gt3A_1952 : f32 to vector<1024x1xf32>
    %gt3A_1954 = arith.cmpf ogt, %min3A_11, %gt3A_1953 : vector<1024x1xf32>
    %slice3A_1955 = vector.extract_strided_slice %get3A_42 {offsets = [0, 26], sizes = [1024, 1], strides = [1, 1]} : vector<1024x32xf32> to vector<1024x1xf32>
    %mul3A_1956 = vector.broadcast %slice3A_1955 : vector<1024x1xf32> to vector<1024x64xf32>
    %mul3A_1957 = vector.broadcast %get3A_45 : vector<1x64xf32> to vector<1024x64xf32>
    %mul3A_1958 = arith.mulf %mul3A_1956, %mul3A_1957 : vector<1024x64xf32>
    %slice3A_1959 = vector.extract_strided_slice %sub3A_39 {offsets = [0, 26], sizes = [1024, 1], strides = [1, 1]} : vector<1024x32xf32> to vector<1024x1xf32>
    %mul3A_1960 = vector.broadcast %slice3A_1959 : vector<1024x1xf32> to vector<1024x64xf32>
    %mul3A_1961 = vector.broadcast %get3A_48 : vector<1x64xf32> to vector<1024x64xf32>
    %mul3A_1962 = arith.mulf %mul3A_1960, %mul3A_1961 : vector<1024x64xf32>
    %add3A_1963 = arith.addf %mul3A_1958, %mul3A_1962 : vector<1024x64xf32>
    %slice3A_1964 = vector.extract_strided_slice %floor3A {offsets = [0, 26], sizes = [1024, 1], strides = [1, 1]} : vector<1024x32xf32> to vector<1024x1xf32>
    %mul3A_1965 = vector.broadcast %slice3A_1964 : vector<1024x1xf32> to vector<1024x64xf32>
    %mul3A_1966 = vector.broadcast %get3A_51 : vector<1x64xf32> to vector<1024x64xf32>
    %mul3A_1967 = arith.mulf %mul3A_1965, %mul3A_1966 : vector<1024x64xf32>
    %add3A_1968 = arith.addf %add3A_1963, %mul3A_1967 : vector<1024x64xf32>
    %slice3A_1969 = vector.extract_strided_slice %div3A_30 {offsets = [0, 26], sizes = [1024, 1], strides = [1, 1]} : vector<1024x32xf32> to vector<1024x1xf32>
    %mul3A_1970 = vector.broadcast %slice3A_1969 : vector<1024x1xf32> to vector<1024x64xf32>
    %mul3A_1971 = vector.broadcast %get3A_54 : vector<1x64xf32> to vector<1024x64xf32>
    %mul3A_1972 = arith.mulf %mul3A_1970, %mul3A_1971 : vector<1024x64xf32>
    %add3A_1973 = arith.addf %add3A_1968, %mul3A_1972 : vector<1024x64xf32>
    %dot_general3A_1974 = arith.constant dense<0.000000e+00> : vector<1024x64xf32>
    %dot_general3A_1975 = tpu.matmul %select_n3A_1948, %get3A_1, %dot_general3A_1974 {dimension_numbers = #tpu.dot_dimension_numbers<[1], [0], [0], [1], [0, 0, 1, 1], [], []>, transpose_lhs_hint = false} : vector<1024x16xf32>, vector<16x64xf32>, vector<1024x64xf32> -> vector<1024x64xf32>
    %add3A_1976 = arith.addf %add3A_1973, %dot_general3A_1975 : vector<1024x64xf32>
    %add3A_1977 = vector.broadcast %get3A_4 : vector<1x64xf32> to vector<1024x64xf32>
    %add3A_1978 = arith.addf %add3A_1976, %add3A_1977 : vector<1024x64xf32>
    %slice3A_1979 = vector.extract_strided_slice %add3A_1978 {offsets = [0, 0], sizes = [1024, 16], strides = [1, 1]} : vector<1024x64xf32> to vector<1024x16xf32>
    %neg3A_1980 = arith.constant 0.000000e+00 : f32
    %neg3A_1981 = vector.broadcast %neg3A_1980 : f32 to vector<1024x16xf32>
    %neg3A_1982 = arith.subf %neg3A_1981, %slice3A_1979 : vector<1024x16xf32>
    %exp3A_1983 = math.exp %neg3A_1982 : vector<1024x16xf32>
    %add3A_1984 = arith.constant 1.000000e+00 : f32
    %add3A_1985 = vector.broadcast %add3A_1984 : f32 to vector<1024x16xf32>
    %add3A_1986 = arith.addf %add3A_1985, %exp3A_1983 : vector<1024x16xf32>
    %div3A_1987 = arith.constant 1.000000e+00 : f32
    %div3A_1988 = vector.broadcast %div3A_1987 : f32 to vector<1024x16xf32>
    %div3A_1989 = arith.divf %div3A_1988, %add3A_1986 : vector<1024x16xf32>
    %slice3A_1990 = vector.extract_strided_slice %add3A_1978 {offsets = [0, 16], sizes = [1024, 16], strides = [1, 1]} : vector<1024x64xf32> to vector<1024x16xf32>
    %neg3A_1991 = arith.constant 0.000000e+00 : f32
    %neg3A_1992 = vector.broadcast %neg3A_1991 : f32 to vector<1024x16xf32>
    %neg3A_1993 = arith.subf %neg3A_1992, %slice3A_1990 : vector<1024x16xf32>
    %exp3A_1994 = math.exp %neg3A_1993 : vector<1024x16xf32>
    %add3A_1995 = arith.constant 1.000000e+00 : f32
    %add3A_1996 = vector.broadcast %add3A_1995 : f32 to vector<1024x16xf32>
    %add3A_1997 = arith.addf %add3A_1996, %exp3A_1994 : vector<1024x16xf32>
    %div3A_1998 = arith.constant 1.000000e+00 : f32
    %div3A_1999 = vector.broadcast %div3A_1998 : f32 to vector<1024x16xf32>
    %div3A_2000 = arith.divf %div3A_1999, %add3A_1997 : vector<1024x16xf32>
    %slice3A_2001 = vector.extract_strided_slice %add3A_1978 {offsets = [0, 32], sizes = [1024, 16], strides = [1, 1]} : vector<1024x64xf32> to vector<1024x16xf32>
    %tanh3A_2002 = math.tanh %slice3A_2001 : vector<1024x16xf32>
    %slice3A_2003 = vector.extract_strided_slice %add3A_1978 {offsets = [0, 48], sizes = [1024, 16], strides = [1, 1]} : vector<1024x64xf32> to vector<1024x16xf32>
    %neg3A_2004 = arith.constant 0.000000e+00 : f32
    %neg3A_2005 = vector.broadcast %neg3A_2004 : f32 to vector<1024x16xf32>
    %neg3A_2006 = arith.subf %neg3A_2005, %slice3A_2003 : vector<1024x16xf32>
    %exp3A_2007 = math.exp %neg3A_2006 : vector<1024x16xf32>
    %add3A_2008 = arith.constant 1.000000e+00 : f32
    %add3A_2009 = vector.broadcast %add3A_2008 : f32 to vector<1024x16xf32>
    %add3A_2010 = arith.addf %add3A_2009, %exp3A_2007 : vector<1024x16xf32>
    %div3A_2011 = arith.constant 1.000000e+00 : f32
    %div3A_2012 = vector.broadcast %div3A_2011 : f32 to vector<1024x16xf32>
    %div3A_2013 = arith.divf %div3A_2012, %add3A_2010 : vector<1024x16xf32>
    %mul3A_2014 = arith.mulf %div3A_2000, %select_n3A_1951 : vector<1024x16xf32>
    %mul3A_2015 = arith.mulf %div3A_1989, %tanh3A_2002 : vector<1024x16xf32>
    %add3A_2016 = arith.addf %mul3A_2014, %mul3A_2015 : vector<1024x16xf32>
    %tanh3A_2017 = math.tanh %add3A_2016 : vector<1024x16xf32>
    %mul3A_2018 = arith.mulf %div3A_2013, %tanh3A_2017 : vector<1024x16xf32>
    %broadcast_in_dim3A_2019 = vector.shape_cast %gt3A_1954 : vector<1024x1xi1> to vector<1024x1xi1>
    %broadcast_in_dim3A_2020 = vector.broadcast %broadcast_in_dim3A_2019 : vector<1024x1xi1> to vector<1024x16xi1>
    %select_n3A_2021 = arith.select %broadcast_in_dim3A_2020, %mul3A_2018, %select_n3A_1948 : vector<1024x16xi1>, vector<1024x16xf32>
    %broadcast_in_dim3A_2022 = vector.shape_cast %gt3A_1954 : vector<1024x1xi1> to vector<1024x1xi1>
    %broadcast_in_dim3A_2023 = vector.broadcast %broadcast_in_dim3A_2022 : vector<1024x1xi1> to vector<1024x16xi1>
    %select_n3A_2024 = arith.select %broadcast_in_dim3A_2023, %add3A_2016, %select_n3A_1951 : vector<1024x16xi1>, vector<1024x16xf32>
    %gt3A_2025 = arith.constant 2.700000e+01 : f32
    %gt3A_2026 = vector.broadcast %gt3A_2025 : f32 to vector<1024x1xf32>
    %gt3A_2027 = arith.cmpf ogt, %min3A_11, %gt3A_2026 : vector<1024x1xf32>
    %slice3A_2028 = vector.extract_strided_slice %get3A_42 {offsets = [0, 27], sizes = [1024, 1], strides = [1, 1]} : vector<1024x32xf32> to vector<1024x1xf32>
    %mul3A_2029 = vector.broadcast %slice3A_2028 : vector<1024x1xf32> to vector<1024x64xf32>
    %mul3A_2030 = vector.broadcast %get3A_45 : vector<1x64xf32> to vector<1024x64xf32>
    %mul3A_2031 = arith.mulf %mul3A_2029, %mul3A_2030 : vector<1024x64xf32>
    %slice3A_2032 = vector.extract_strided_slice %sub3A_39 {offsets = [0, 27], sizes = [1024, 1], strides = [1, 1]} : vector<1024x32xf32> to vector<1024x1xf32>
    %mul3A_2033 = vector.broadcast %slice3A_2032 : vector<1024x1xf32> to vector<1024x64xf32>
    %mul3A_2034 = vector.broadcast %get3A_48 : vector<1x64xf32> to vector<1024x64xf32>
    %mul3A_2035 = arith.mulf %mul3A_2033, %mul3A_2034 : vector<1024x64xf32>
    %add3A_2036 = arith.addf %mul3A_2031, %mul3A_2035 : vector<1024x64xf32>
    %slice3A_2037 = vector.extract_strided_slice %floor3A {offsets = [0, 27], sizes = [1024, 1], strides = [1, 1]} : vector<1024x32xf32> to vector<1024x1xf32>
    %mul3A_2038 = vector.broadcast %slice3A_2037 : vector<1024x1xf32> to vector<1024x64xf32>
    %mul3A_2039 = vector.broadcast %get3A_51 : vector<1x64xf32> to vector<1024x64xf32>
    %mul3A_2040 = arith.mulf %mul3A_2038, %mul3A_2039 : vector<1024x64xf32>
    %add3A_2041 = arith.addf %add3A_2036, %mul3A_2040 : vector<1024x64xf32>
    %slice3A_2042 = vector.extract_strided_slice %div3A_30 {offsets = [0, 27], sizes = [1024, 1], strides = [1, 1]} : vector<1024x32xf32> to vector<1024x1xf32>
    %mul3A_2043 = vector.broadcast %slice3A_2042 : vector<1024x1xf32> to vector<1024x64xf32>
    %mul3A_2044 = vector.broadcast %get3A_54 : vector<1x64xf32> to vector<1024x64xf32>
    %mul3A_2045 = arith.mulf %mul3A_2043, %mul3A_2044 : vector<1024x64xf32>
    %add3A_2046 = arith.addf %add3A_2041, %mul3A_2045 : vector<1024x64xf32>
    %dot_general3A_2047 = arith.constant dense<0.000000e+00> : vector<1024x64xf32>
    %dot_general3A_2048 = tpu.matmul %select_n3A_2021, %get3A_1, %dot_general3A_2047 {dimension_numbers = #tpu.dot_dimension_numbers<[1], [0], [0], [1], [0, 0, 1, 1], [], []>, transpose_lhs_hint = false} : vector<1024x16xf32>, vector<16x64xf32>, vector<1024x64xf32> -> vector<1024x64xf32>
    %add3A_2049 = arith.addf %add3A_2046, %dot_general3A_2048 : vector<1024x64xf32>
    %add3A_2050 = vector.broadcast %get3A_4 : vector<1x64xf32> to vector<1024x64xf32>
    %add3A_2051 = arith.addf %add3A_2049, %add3A_2050 : vector<1024x64xf32>
    %slice3A_2052 = vector.extract_strided_slice %add3A_2051 {offsets = [0, 0], sizes = [1024, 16], strides = [1, 1]} : vector<1024x64xf32> to vector<1024x16xf32>
    %neg3A_2053 = arith.constant 0.000000e+00 : f32
    %neg3A_2054 = vector.broadcast %neg3A_2053 : f32 to vector<1024x16xf32>
    %neg3A_2055 = arith.subf %neg3A_2054, %slice3A_2052 : vector<1024x16xf32>
    %exp3A_2056 = math.exp %neg3A_2055 : vector<1024x16xf32>
    %add3A_2057 = arith.constant 1.000000e+00 : f32
    %add3A_2058 = vector.broadcast %add3A_2057 : f32 to vector<1024x16xf32>
    %add3A_2059 = arith.addf %add3A_2058, %exp3A_2056 : vector<1024x16xf32>
    %div3A_2060 = arith.constant 1.000000e+00 : f32
    %div3A_2061 = vector.broadcast %div3A_2060 : f32 to vector<1024x16xf32>
    %div3A_2062 = arith.divf %div3A_2061, %add3A_2059 : vector<1024x16xf32>
    %slice3A_2063 = vector.extract_strided_slice %add3A_2051 {offsets = [0, 16], sizes = [1024, 16], strides = [1, 1]} : vector<1024x64xf32> to vector<1024x16xf32>
    %neg3A_2064 = arith.constant 0.000000e+00 : f32
    %neg3A_2065 = vector.broadcast %neg3A_2064 : f32 to vector<1024x16xf32>
    %neg3A_2066 = arith.subf %neg3A_2065, %slice3A_2063 : vector<1024x16xf32>
    %exp3A_2067 = math.exp %neg3A_2066 : vector<1024x16xf32>
    %add3A_2068 = arith.constant 1.000000e+00 : f32
    %add3A_2069 = vector.broadcast %add3A_2068 : f32 to vector<1024x16xf32>
    %add3A_2070 = arith.addf %add3A_2069, %exp3A_2067 : vector<1024x16xf32>
    %div3A_2071 = arith.constant 1.000000e+00 : f32
    %div3A_2072 = vector.broadcast %div3A_2071 : f32 to vector<1024x16xf32>
    %div3A_2073 = arith.divf %div3A_2072, %add3A_2070 : vector<1024x16xf32>
    %slice3A_2074 = vector.extract_strided_slice %add3A_2051 {offsets = [0, 32], sizes = [1024, 16], strides = [1, 1]} : vector<1024x64xf32> to vector<1024x16xf32>
    %tanh3A_2075 = math.tanh %slice3A_2074 : vector<1024x16xf32>
    %slice3A_2076 = vector.extract_strided_slice %add3A_2051 {offsets = [0, 48], sizes = [1024, 16], strides = [1, 1]} : vector<1024x64xf32> to vector<1024x16xf32>
    %neg3A_2077 = arith.constant 0.000000e+00 : f32
    %neg3A_2078 = vector.broadcast %neg3A_2077 : f32 to vector<1024x16xf32>
    %neg3A_2079 = arith.subf %neg3A_2078, %slice3A_2076 : vector<1024x16xf32>
    %exp3A_2080 = math.exp %neg3A_2079 : vector<1024x16xf32>
    %add3A_2081 = arith.constant 1.000000e+00 : f32
    %add3A_2082 = vector.broadcast %add3A_2081 : f32 to vector<1024x16xf32>
    %add3A_2083 = arith.addf %add3A_2082, %exp3A_2080 : vector<1024x16xf32>
    %div3A_2084 = arith.constant 1.000000e+00 : f32
    %div3A_2085 = vector.broadcast %div3A_2084 : f32 to vector<1024x16xf32>
    %div3A_2086 = arith.divf %div3A_2085, %add3A_2083 : vector<1024x16xf32>
    %mul3A_2087 = arith.mulf %div3A_2073, %select_n3A_2024 : vector<1024x16xf32>
    %mul3A_2088 = arith.mulf %div3A_2062, %tanh3A_2075 : vector<1024x16xf32>
    %add3A_2089 = arith.addf %mul3A_2087, %mul3A_2088 : vector<1024x16xf32>
    %tanh3A_2090 = math.tanh %add3A_2089 : vector<1024x16xf32>
    %mul3A_2091 = arith.mulf %div3A_2086, %tanh3A_2090 : vector<1024x16xf32>
    %broadcast_in_dim3A_2092 = vector.shape_cast %gt3A_2027 : vector<1024x1xi1> to vector<1024x1xi1>
    %broadcast_in_dim3A_2093 = vector.broadcast %broadcast_in_dim3A_2092 : vector<1024x1xi1> to vector<1024x16xi1>
    %select_n3A_2094 = arith.select %broadcast_in_dim3A_2093, %mul3A_2091, %select_n3A_2021 : vector<1024x16xi1>, vector<1024x16xf32>
    %broadcast_in_dim3A_2095 = vector.shape_cast %gt3A_2027 : vector<1024x1xi1> to vector<1024x1xi1>
    %broadcast_in_dim3A_2096 = vector.broadcast %broadcast_in_dim3A_2095 : vector<1024x1xi1> to vector<1024x16xi1>
    %select_n3A_2097 = arith.select %broadcast_in_dim3A_2096, %add3A_2089, %select_n3A_2024 : vector<1024x16xi1>, vector<1024x16xf32>
    %gt3A_2098 = arith.constant 2.800000e+01 : f32
    %gt3A_2099 = vector.broadcast %gt3A_2098 : f32 to vector<1024x1xf32>
    %gt3A_2100 = arith.cmpf ogt, %min3A_11, %gt3A_2099 : vector<1024x1xf32>
    %slice3A_2101 = vector.extract_strided_slice %get3A_42 {offsets = [0, 28], sizes = [1024, 1], strides = [1, 1]} : vector<1024x32xf32> to vector<1024x1xf32>
    %mul3A_2102 = vector.broadcast %slice3A_2101 : vector<1024x1xf32> to vector<1024x64xf32>
    %mul3A_2103 = vector.broadcast %get3A_45 : vector<1x64xf32> to vector<1024x64xf32>
    %mul3A_2104 = arith.mulf %mul3A_2102, %mul3A_2103 : vector<1024x64xf32>
    %slice3A_2105 = vector.extract_strided_slice %sub3A_39 {offsets = [0, 28], sizes = [1024, 1], strides = [1, 1]} : vector<1024x32xf32> to vector<1024x1xf32>
    %mul3A_2106 = vector.broadcast %slice3A_2105 : vector<1024x1xf32> to vector<1024x64xf32>
    %mul3A_2107 = vector.broadcast %get3A_48 : vector<1x64xf32> to vector<1024x64xf32>
    %mul3A_2108 = arith.mulf %mul3A_2106, %mul3A_2107 : vector<1024x64xf32>
    %add3A_2109 = arith.addf %mul3A_2104, %mul3A_2108 : vector<1024x64xf32>
    %slice3A_2110 = vector.extract_strided_slice %floor3A {offsets = [0, 28], sizes = [1024, 1], strides = [1, 1]} : vector<1024x32xf32> to vector<1024x1xf32>
    %mul3A_2111 = vector.broadcast %slice3A_2110 : vector<1024x1xf32> to vector<1024x64xf32>
    %mul3A_2112 = vector.broadcast %get3A_51 : vector<1x64xf32> to vector<1024x64xf32>
    %mul3A_2113 = arith.mulf %mul3A_2111, %mul3A_2112 : vector<1024x64xf32>
    %add3A_2114 = arith.addf %add3A_2109, %mul3A_2113 : vector<1024x64xf32>
    %slice3A_2115 = vector.extract_strided_slice %div3A_30 {offsets = [0, 28], sizes = [1024, 1], strides = [1, 1]} : vector<1024x32xf32> to vector<1024x1xf32>
    %mul3A_2116 = vector.broadcast %slice3A_2115 : vector<1024x1xf32> to vector<1024x64xf32>
    %mul3A_2117 = vector.broadcast %get3A_54 : vector<1x64xf32> to vector<1024x64xf32>
    %mul3A_2118 = arith.mulf %mul3A_2116, %mul3A_2117 : vector<1024x64xf32>
    %add3A_2119 = arith.addf %add3A_2114, %mul3A_2118 : vector<1024x64xf32>
    %dot_general3A_2120 = arith.constant dense<0.000000e+00> : vector<1024x64xf32>
    %dot_general3A_2121 = tpu.matmul %select_n3A_2094, %get3A_1, %dot_general3A_2120 {dimension_numbers = #tpu.dot_dimension_numbers<[1], [0], [0], [1], [0, 0, 1, 1], [], []>, transpose_lhs_hint = false} : vector<1024x16xf32>, vector<16x64xf32>, vector<1024x64xf32> -> vector<1024x64xf32>
    %add3A_2122 = arith.addf %add3A_2119, %dot_general3A_2121 : vector<1024x64xf32>
    %add3A_2123 = vector.broadcast %get3A_4 : vector<1x64xf32> to vector<1024x64xf32>
    %add3A_2124 = arith.addf %add3A_2122, %add3A_2123 : vector<1024x64xf32>
    %slice3A_2125 = vector.extract_strided_slice %add3A_2124 {offsets = [0, 0], sizes = [1024, 16], strides = [1, 1]} : vector<1024x64xf32> to vector<1024x16xf32>
    %neg3A_2126 = arith.constant 0.000000e+00 : f32
    %neg3A_2127 = vector.broadcast %neg3A_2126 : f32 to vector<1024x16xf32>
    %neg3A_2128 = arith.subf %neg3A_2127, %slice3A_2125 : vector<1024x16xf32>
    %exp3A_2129 = math.exp %neg3A_2128 : vector<1024x16xf32>
    %add3A_2130 = arith.constant 1.000000e+00 : f32
    %add3A_2131 = vector.broadcast %add3A_2130 : f32 to vector<1024x16xf32>
    %add3A_2132 = arith.addf %add3A_2131, %exp3A_2129 : vector<1024x16xf32>
    %div3A_2133 = arith.constant 1.000000e+00 : f32
    %div3A_2134 = vector.broadcast %div3A_2133 : f32 to vector<1024x16xf32>
    %div3A_2135 = arith.divf %div3A_2134, %add3A_2132 : vector<1024x16xf32>
    %slice3A_2136 = vector.extract_strided_slice %add3A_2124 {offsets = [0, 16], sizes = [1024, 16], strides = [1, 1]} : vector<1024x64xf32> to vector<1024x16xf32>
    %neg3A_2137 = arith.constant 0.000000e+00 : f32
    %neg3A_2138 = vector.broadcast %neg3A_2137 : f32 to vector<1024x16xf32>
    %neg3A_2139 = arith.subf %neg3A_2138, %slice3A_2136 : vector<1024x16xf32>
    %exp3A_2140 = math.exp %neg3A_2139 : vector<1024x16xf32>
    %add3A_2141 = arith.constant 1.000000e+00 : f32
    %add3A_2142 = vector.broadcast %add3A_2141 : f32 to vector<1024x16xf32>
    %add3A_2143 = arith.addf %add3A_2142, %exp3A_2140 : vector<1024x16xf32>
    %div3A_2144 = arith.constant 1.000000e+00 : f32
    %div3A_2145 = vector.broadcast %div3A_2144 : f32 to vector<1024x16xf32>
    %div3A_2146 = arith.divf %div3A_2145, %add3A_2143 : vector<1024x16xf32>
    %slice3A_2147 = vector.extract_strided_slice %add3A_2124 {offsets = [0, 32], sizes = [1024, 16], strides = [1, 1]} : vector<1024x64xf32> to vector<1024x16xf32>
    %tanh3A_2148 = math.tanh %slice3A_2147 : vector<1024x16xf32>
    %slice3A_2149 = vector.extract_strided_slice %add3A_2124 {offsets = [0, 48], sizes = [1024, 16], strides = [1, 1]} : vector<1024x64xf32> to vector<1024x16xf32>
    %neg3A_2150 = arith.constant 0.000000e+00 : f32
    %neg3A_2151 = vector.broadcast %neg3A_2150 : f32 to vector<1024x16xf32>
    %neg3A_2152 = arith.subf %neg3A_2151, %slice3A_2149 : vector<1024x16xf32>
    %exp3A_2153 = math.exp %neg3A_2152 : vector<1024x16xf32>
    %add3A_2154 = arith.constant 1.000000e+00 : f32
    %add3A_2155 = vector.broadcast %add3A_2154 : f32 to vector<1024x16xf32>
    %add3A_2156 = arith.addf %add3A_2155, %exp3A_2153 : vector<1024x16xf32>
    %div3A_2157 = arith.constant 1.000000e+00 : f32
    %div3A_2158 = vector.broadcast %div3A_2157 : f32 to vector<1024x16xf32>
    %div3A_2159 = arith.divf %div3A_2158, %add3A_2156 : vector<1024x16xf32>
    %mul3A_2160 = arith.mulf %div3A_2146, %select_n3A_2097 : vector<1024x16xf32>
    %mul3A_2161 = arith.mulf %div3A_2135, %tanh3A_2148 : vector<1024x16xf32>
    %add3A_2162 = arith.addf %mul3A_2160, %mul3A_2161 : vector<1024x16xf32>
    %tanh3A_2163 = math.tanh %add3A_2162 : vector<1024x16xf32>
    %mul3A_2164 = arith.mulf %div3A_2159, %tanh3A_2163 : vector<1024x16xf32>
    %broadcast_in_dim3A_2165 = vector.shape_cast %gt3A_2100 : vector<1024x1xi1> to vector<1024x1xi1>
    %broadcast_in_dim3A_2166 = vector.broadcast %broadcast_in_dim3A_2165 : vector<1024x1xi1> to vector<1024x16xi1>
    %select_n3A_2167 = arith.select %broadcast_in_dim3A_2166, %mul3A_2164, %select_n3A_2094 : vector<1024x16xi1>, vector<1024x16xf32>
    %broadcast_in_dim3A_2168 = vector.shape_cast %gt3A_2100 : vector<1024x1xi1> to vector<1024x1xi1>
    %broadcast_in_dim3A_2169 = vector.broadcast %broadcast_in_dim3A_2168 : vector<1024x1xi1> to vector<1024x16xi1>
    %select_n3A_2170 = arith.select %broadcast_in_dim3A_2169, %add3A_2162, %select_n3A_2097 : vector<1024x16xi1>, vector<1024x16xf32>
    %gt3A_2171 = arith.constant 2.900000e+01 : f32
    %gt3A_2172 = vector.broadcast %gt3A_2171 : f32 to vector<1024x1xf32>
    %gt3A_2173 = arith.cmpf ogt, %min3A_11, %gt3A_2172 : vector<1024x1xf32>
    %slice3A_2174 = vector.extract_strided_slice %get3A_42 {offsets = [0, 29], sizes = [1024, 1], strides = [1, 1]} : vector<1024x32xf32> to vector<1024x1xf32>
    %mul3A_2175 = vector.broadcast %slice3A_2174 : vector<1024x1xf32> to vector<1024x64xf32>
    %mul3A_2176 = vector.broadcast %get3A_45 : vector<1x64xf32> to vector<1024x64xf32>
    %mul3A_2177 = arith.mulf %mul3A_2175, %mul3A_2176 : vector<1024x64xf32>
    %slice3A_2178 = vector.extract_strided_slice %sub3A_39 {offsets = [0, 29], sizes = [1024, 1], strides = [1, 1]} : vector<1024x32xf32> to vector<1024x1xf32>
    %mul3A_2179 = vector.broadcast %slice3A_2178 : vector<1024x1xf32> to vector<1024x64xf32>
    %mul3A_2180 = vector.broadcast %get3A_48 : vector<1x64xf32> to vector<1024x64xf32>
    %mul3A_2181 = arith.mulf %mul3A_2179, %mul3A_2180 : vector<1024x64xf32>
    %add3A_2182 = arith.addf %mul3A_2177, %mul3A_2181 : vector<1024x64xf32>
    %slice3A_2183 = vector.extract_strided_slice %floor3A {offsets = [0, 29], sizes = [1024, 1], strides = [1, 1]} : vector<1024x32xf32> to vector<1024x1xf32>
    %mul3A_2184 = vector.broadcast %slice3A_2183 : vector<1024x1xf32> to vector<1024x64xf32>
    %mul3A_2185 = vector.broadcast %get3A_51 : vector<1x64xf32> to vector<1024x64xf32>
    %mul3A_2186 = arith.mulf %mul3A_2184, %mul3A_2185 : vector<1024x64xf32>
    %add3A_2187 = arith.addf %add3A_2182, %mul3A_2186 : vector<1024x64xf32>
    %slice3A_2188 = vector.extract_strided_slice %div3A_30 {offsets = [0, 29], sizes = [1024, 1], strides = [1, 1]} : vector<1024x32xf32> to vector<1024x1xf32>
    %mul3A_2189 = vector.broadcast %slice3A_2188 : vector<1024x1xf32> to vector<1024x64xf32>
    %mul3A_2190 = vector.broadcast %get3A_54 : vector<1x64xf32> to vector<1024x64xf32>
    %mul3A_2191 = arith.mulf %mul3A_2189, %mul3A_2190 : vector<1024x64xf32>
    %add3A_2192 = arith.addf %add3A_2187, %mul3A_2191 : vector<1024x64xf32>
    %dot_general3A_2193 = arith.constant dense<0.000000e+00> : vector<1024x64xf32>
    %dot_general3A_2194 = tpu.matmul %select_n3A_2167, %get3A_1, %dot_general3A_2193 {dimension_numbers = #tpu.dot_dimension_numbers<[1], [0], [0], [1], [0, 0, 1, 1], [], []>, transpose_lhs_hint = false} : vector<1024x16xf32>, vector<16x64xf32>, vector<1024x64xf32> -> vector<1024x64xf32>
    %add3A_2195 = arith.addf %add3A_2192, %dot_general3A_2194 : vector<1024x64xf32>
    %add3A_2196 = vector.broadcast %get3A_4 : vector<1x64xf32> to vector<1024x64xf32>
    %add3A_2197 = arith.addf %add3A_2195, %add3A_2196 : vector<1024x64xf32>
    %slice3A_2198 = vector.extract_strided_slice %add3A_2197 {offsets = [0, 0], sizes = [1024, 16], strides = [1, 1]} : vector<1024x64xf32> to vector<1024x16xf32>
    %neg3A_2199 = arith.constant 0.000000e+00 : f32
    %neg3A_2200 = vector.broadcast %neg3A_2199 : f32 to vector<1024x16xf32>
    %neg3A_2201 = arith.subf %neg3A_2200, %slice3A_2198 : vector<1024x16xf32>
    %exp3A_2202 = math.exp %neg3A_2201 : vector<1024x16xf32>
    %add3A_2203 = arith.constant 1.000000e+00 : f32
    %add3A_2204 = vector.broadcast %add3A_2203 : f32 to vector<1024x16xf32>
    %add3A_2205 = arith.addf %add3A_2204, %exp3A_2202 : vector<1024x16xf32>
    %div3A_2206 = arith.constant 1.000000e+00 : f32
    %div3A_2207 = vector.broadcast %div3A_2206 : f32 to vector<1024x16xf32>
    %div3A_2208 = arith.divf %div3A_2207, %add3A_2205 : vector<1024x16xf32>
    %slice3A_2209 = vector.extract_strided_slice %add3A_2197 {offsets = [0, 16], sizes = [1024, 16], strides = [1, 1]} : vector<1024x64xf32> to vector<1024x16xf32>
    %neg3A_2210 = arith.constant 0.000000e+00 : f32
    %neg3A_2211 = vector.broadcast %neg3A_2210 : f32 to vector<1024x16xf32>
    %neg3A_2212 = arith.subf %neg3A_2211, %slice3A_2209 : vector<1024x16xf32>
    %exp3A_2213 = math.exp %neg3A_2212 : vector<1024x16xf32>
    %add3A_2214 = arith.constant 1.000000e+00 : f32
    %add3A_2215 = vector.broadcast %add3A_2214 : f32 to vector<1024x16xf32>
    %add3A_2216 = arith.addf %add3A_2215, %exp3A_2213 : vector<1024x16xf32>
    %div3A_2217 = arith.constant 1.000000e+00 : f32
    %div3A_2218 = vector.broadcast %div3A_2217 : f32 to vector<1024x16xf32>
    %div3A_2219 = arith.divf %div3A_2218, %add3A_2216 : vector<1024x16xf32>
    %slice3A_2220 = vector.extract_strided_slice %add3A_2197 {offsets = [0, 32], sizes = [1024, 16], strides = [1, 1]} : vector<1024x64xf32> to vector<1024x16xf32>
    %tanh3A_2221 = math.tanh %slice3A_2220 : vector<1024x16xf32>
    %slice3A_2222 = vector.extract_strided_slice %add3A_2197 {offsets = [0, 48], sizes = [1024, 16], strides = [1, 1]} : vector<1024x64xf32> to vector<1024x16xf32>
    %neg3A_2223 = arith.constant 0.000000e+00 : f32
    %neg3A_2224 = vector.broadcast %neg3A_2223 : f32 to vector<1024x16xf32>
    %neg3A_2225 = arith.subf %neg3A_2224, %slice3A_2222 : vector<1024x16xf32>
    %exp3A_2226 = math.exp %neg3A_2225 : vector<1024x16xf32>
    %add3A_2227 = arith.constant 1.000000e+00 : f32
    %add3A_2228 = vector.broadcast %add3A_2227 : f32 to vector<1024x16xf32>
    %add3A_2229 = arith.addf %add3A_2228, %exp3A_2226 : vector<1024x16xf32>
    %div3A_2230 = arith.constant 1.000000e+00 : f32
    %div3A_2231 = vector.broadcast %div3A_2230 : f32 to vector<1024x16xf32>
    %div3A_2232 = arith.divf %div3A_2231, %add3A_2229 : vector<1024x16xf32>
    %mul3A_2233 = arith.mulf %div3A_2219, %select_n3A_2170 : vector<1024x16xf32>
    %mul3A_2234 = arith.mulf %div3A_2208, %tanh3A_2221 : vector<1024x16xf32>
    %add3A_2235 = arith.addf %mul3A_2233, %mul3A_2234 : vector<1024x16xf32>
    %tanh3A_2236 = math.tanh %add3A_2235 : vector<1024x16xf32>
    %mul3A_2237 = arith.mulf %div3A_2232, %tanh3A_2236 : vector<1024x16xf32>
    %broadcast_in_dim3A_2238 = vector.shape_cast %gt3A_2173 : vector<1024x1xi1> to vector<1024x1xi1>
    %broadcast_in_dim3A_2239 = vector.broadcast %broadcast_in_dim3A_2238 : vector<1024x1xi1> to vector<1024x16xi1>
    %select_n3A_2240 = arith.select %broadcast_in_dim3A_2239, %mul3A_2237, %select_n3A_2167 : vector<1024x16xi1>, vector<1024x16xf32>
    %broadcast_in_dim3A_2241 = vector.shape_cast %gt3A_2173 : vector<1024x1xi1> to vector<1024x1xi1>
    %broadcast_in_dim3A_2242 = vector.broadcast %broadcast_in_dim3A_2241 : vector<1024x1xi1> to vector<1024x16xi1>
    %select_n3A_2243 = arith.select %broadcast_in_dim3A_2242, %add3A_2235, %select_n3A_2170 : vector<1024x16xi1>, vector<1024x16xf32>
    %gt3A_2244 = arith.constant 3.000000e+01 : f32
    %gt3A_2245 = vector.broadcast %gt3A_2244 : f32 to vector<1024x1xf32>
    %gt3A_2246 = arith.cmpf ogt, %min3A_11, %gt3A_2245 : vector<1024x1xf32>
    %slice3A_2247 = vector.extract_strided_slice %get3A_42 {offsets = [0, 30], sizes = [1024, 1], strides = [1, 1]} : vector<1024x32xf32> to vector<1024x1xf32>
    %mul3A_2248 = vector.broadcast %slice3A_2247 : vector<1024x1xf32> to vector<1024x64xf32>
    %mul3A_2249 = vector.broadcast %get3A_45 : vector<1x64xf32> to vector<1024x64xf32>
    %mul3A_2250 = arith.mulf %mul3A_2248, %mul3A_2249 : vector<1024x64xf32>
    %slice3A_2251 = vector.extract_strided_slice %sub3A_39 {offsets = [0, 30], sizes = [1024, 1], strides = [1, 1]} : vector<1024x32xf32> to vector<1024x1xf32>
    %mul3A_2252 = vector.broadcast %slice3A_2251 : vector<1024x1xf32> to vector<1024x64xf32>
    %mul3A_2253 = vector.broadcast %get3A_48 : vector<1x64xf32> to vector<1024x64xf32>
    %mul3A_2254 = arith.mulf %mul3A_2252, %mul3A_2253 : vector<1024x64xf32>
    %add3A_2255 = arith.addf %mul3A_2250, %mul3A_2254 : vector<1024x64xf32>
    %slice3A_2256 = vector.extract_strided_slice %floor3A {offsets = [0, 30], sizes = [1024, 1], strides = [1, 1]} : vector<1024x32xf32> to vector<1024x1xf32>
    %mul3A_2257 = vector.broadcast %slice3A_2256 : vector<1024x1xf32> to vector<1024x64xf32>
    %mul3A_2258 = vector.broadcast %get3A_51 : vector<1x64xf32> to vector<1024x64xf32>
    %mul3A_2259 = arith.mulf %mul3A_2257, %mul3A_2258 : vector<1024x64xf32>
    %add3A_2260 = arith.addf %add3A_2255, %mul3A_2259 : vector<1024x64xf32>
    %slice3A_2261 = vector.extract_strided_slice %div3A_30 {offsets = [0, 30], sizes = [1024, 1], strides = [1, 1]} : vector<1024x32xf32> to vector<1024x1xf32>
    %mul3A_2262 = vector.broadcast %slice3A_2261 : vector<1024x1xf32> to vector<1024x64xf32>
    %mul3A_2263 = vector.broadcast %get3A_54 : vector<1x64xf32> to vector<1024x64xf32>
    %mul3A_2264 = arith.mulf %mul3A_2262, %mul3A_2263 : vector<1024x64xf32>
    %add3A_2265 = arith.addf %add3A_2260, %mul3A_2264 : vector<1024x64xf32>
    %dot_general3A_2266 = arith.constant dense<0.000000e+00> : vector<1024x64xf32>
    %dot_general3A_2267 = tpu.matmul %select_n3A_2240, %get3A_1, %dot_general3A_2266 {dimension_numbers = #tpu.dot_dimension_numbers<[1], [0], [0], [1], [0, 0, 1, 1], [], []>, transpose_lhs_hint = false} : vector<1024x16xf32>, vector<16x64xf32>, vector<1024x64xf32> -> vector<1024x64xf32>
    %add3A_2268 = arith.addf %add3A_2265, %dot_general3A_2267 : vector<1024x64xf32>
    %add3A_2269 = vector.broadcast %get3A_4 : vector<1x64xf32> to vector<1024x64xf32>
    %add3A_2270 = arith.addf %add3A_2268, %add3A_2269 : vector<1024x64xf32>
    %slice3A_2271 = vector.extract_strided_slice %add3A_2270 {offsets = [0, 0], sizes = [1024, 16], strides = [1, 1]} : vector<1024x64xf32> to vector<1024x16xf32>
    %neg3A_2272 = arith.constant 0.000000e+00 : f32
    %neg3A_2273 = vector.broadcast %neg3A_2272 : f32 to vector<1024x16xf32>
    %neg3A_2274 = arith.subf %neg3A_2273, %slice3A_2271 : vector<1024x16xf32>
    %exp3A_2275 = math.exp %neg3A_2274 : vector<1024x16xf32>
    %add3A_2276 = arith.constant 1.000000e+00 : f32
    %add3A_2277 = vector.broadcast %add3A_2276 : f32 to vector<1024x16xf32>
    %add3A_2278 = arith.addf %add3A_2277, %exp3A_2275 : vector<1024x16xf32>
    %div3A_2279 = arith.constant 1.000000e+00 : f32
    %div3A_2280 = vector.broadcast %div3A_2279 : f32 to vector<1024x16xf32>
    %div3A_2281 = arith.divf %div3A_2280, %add3A_2278 : vector<1024x16xf32>
    %slice3A_2282 = vector.extract_strided_slice %add3A_2270 {offsets = [0, 16], sizes = [1024, 16], strides = [1, 1]} : vector<1024x64xf32> to vector<1024x16xf32>
    %neg3A_2283 = arith.constant 0.000000e+00 : f32
    %neg3A_2284 = vector.broadcast %neg3A_2283 : f32 to vector<1024x16xf32>
    %neg3A_2285 = arith.subf %neg3A_2284, %slice3A_2282 : vector<1024x16xf32>
    %exp3A_2286 = math.exp %neg3A_2285 : vector<1024x16xf32>
    %add3A_2287 = arith.constant 1.000000e+00 : f32
    %add3A_2288 = vector.broadcast %add3A_2287 : f32 to vector<1024x16xf32>
    %add3A_2289 = arith.addf %add3A_2288, %exp3A_2286 : vector<1024x16xf32>
    %div3A_2290 = arith.constant 1.000000e+00 : f32
    %div3A_2291 = vector.broadcast %div3A_2290 : f32 to vector<1024x16xf32>
    %div3A_2292 = arith.divf %div3A_2291, %add3A_2289 : vector<1024x16xf32>
    %slice3A_2293 = vector.extract_strided_slice %add3A_2270 {offsets = [0, 32], sizes = [1024, 16], strides = [1, 1]} : vector<1024x64xf32> to vector<1024x16xf32>
    %tanh3A_2294 = math.tanh %slice3A_2293 : vector<1024x16xf32>
    %slice3A_2295 = vector.extract_strided_slice %add3A_2270 {offsets = [0, 48], sizes = [1024, 16], strides = [1, 1]} : vector<1024x64xf32> to vector<1024x16xf32>
    %neg3A_2296 = arith.constant 0.000000e+00 : f32
    %neg3A_2297 = vector.broadcast %neg3A_2296 : f32 to vector<1024x16xf32>
    %neg3A_2298 = arith.subf %neg3A_2297, %slice3A_2295 : vector<1024x16xf32>
    %exp3A_2299 = math.exp %neg3A_2298 : vector<1024x16xf32>
    %add3A_2300 = arith.constant 1.000000e+00 : f32
    %add3A_2301 = vector.broadcast %add3A_2300 : f32 to vector<1024x16xf32>
    %add3A_2302 = arith.addf %add3A_2301, %exp3A_2299 : vector<1024x16xf32>
    %div3A_2303 = arith.constant 1.000000e+00 : f32
    %div3A_2304 = vector.broadcast %div3A_2303 : f32 to vector<1024x16xf32>
    %div3A_2305 = arith.divf %div3A_2304, %add3A_2302 : vector<1024x16xf32>
    %mul3A_2306 = arith.mulf %div3A_2292, %select_n3A_2243 : vector<1024x16xf32>
    %mul3A_2307 = arith.mulf %div3A_2281, %tanh3A_2294 : vector<1024x16xf32>
    %add3A_2308 = arith.addf %mul3A_2306, %mul3A_2307 : vector<1024x16xf32>
    %tanh3A_2309 = math.tanh %add3A_2308 : vector<1024x16xf32>
    %mul3A_2310 = arith.mulf %div3A_2305, %tanh3A_2309 : vector<1024x16xf32>
    %broadcast_in_dim3A_2311 = vector.shape_cast %gt3A_2246 : vector<1024x1xi1> to vector<1024x1xi1>
    %broadcast_in_dim3A_2312 = vector.broadcast %broadcast_in_dim3A_2311 : vector<1024x1xi1> to vector<1024x16xi1>
    %select_n3A_2313 = arith.select %broadcast_in_dim3A_2312, %mul3A_2310, %select_n3A_2240 : vector<1024x16xi1>, vector<1024x16xf32>
    %broadcast_in_dim3A_2314 = vector.shape_cast %gt3A_2246 : vector<1024x1xi1> to vector<1024x1xi1>
    %broadcast_in_dim3A_2315 = vector.broadcast %broadcast_in_dim3A_2314 : vector<1024x1xi1> to vector<1024x16xi1>
    %select_n3A_2316 = arith.select %broadcast_in_dim3A_2315, %add3A_2308, %select_n3A_2243 : vector<1024x16xi1>, vector<1024x16xf32>
    %gt3A_2317 = arith.constant 3.100000e+01 : f32
    %gt3A_2318 = vector.broadcast %gt3A_2317 : f32 to vector<1024x1xf32>
    %gt3A_2319 = arith.cmpf ogt, %min3A_11, %gt3A_2318 : vector<1024x1xf32>
    %slice3A_2320 = vector.extract_strided_slice %get3A_42 {offsets = [0, 31], sizes = [1024, 1], strides = [1, 1]} : vector<1024x32xf32> to vector<1024x1xf32>
    %mul3A_2321 = vector.broadcast %slice3A_2320 : vector<1024x1xf32> to vector<1024x64xf32>
    %mul3A_2322 = vector.broadcast %get3A_45 : vector<1x64xf32> to vector<1024x64xf32>
    %mul3A_2323 = arith.mulf %mul3A_2321, %mul3A_2322 : vector<1024x64xf32>
    %slice3A_2324 = vector.extract_strided_slice %sub3A_39 {offsets = [0, 31], sizes = [1024, 1], strides = [1, 1]} : vector<1024x32xf32> to vector<1024x1xf32>
    %mul3A_2325 = vector.broadcast %slice3A_2324 : vector<1024x1xf32> to vector<1024x64xf32>
    %mul3A_2326 = vector.broadcast %get3A_48 : vector<1x64xf32> to vector<1024x64xf32>
    %mul3A_2327 = arith.mulf %mul3A_2325, %mul3A_2326 : vector<1024x64xf32>
    %add3A_2328 = arith.addf %mul3A_2323, %mul3A_2327 : vector<1024x64xf32>
    %slice3A_2329 = vector.extract_strided_slice %floor3A {offsets = [0, 31], sizes = [1024, 1], strides = [1, 1]} : vector<1024x32xf32> to vector<1024x1xf32>
    %mul3A_2330 = vector.broadcast %slice3A_2329 : vector<1024x1xf32> to vector<1024x64xf32>
    %mul3A_2331 = vector.broadcast %get3A_51 : vector<1x64xf32> to vector<1024x64xf32>
    %mul3A_2332 = arith.mulf %mul3A_2330, %mul3A_2331 : vector<1024x64xf32>
    %add3A_2333 = arith.addf %add3A_2328, %mul3A_2332 : vector<1024x64xf32>
    %slice3A_2334 = vector.extract_strided_slice %div3A_30 {offsets = [0, 31], sizes = [1024, 1], strides = [1, 1]} : vector<1024x32xf32> to vector<1024x1xf32>
    %mul3A_2335 = vector.broadcast %slice3A_2334 : vector<1024x1xf32> to vector<1024x64xf32>
    %mul3A_2336 = vector.broadcast %get3A_54 : vector<1x64xf32> to vector<1024x64xf32>
    %mul3A_2337 = arith.mulf %mul3A_2335, %mul3A_2336 : vector<1024x64xf32>
    %add3A_2338 = arith.addf %add3A_2333, %mul3A_2337 : vector<1024x64xf32>
    %dot_general3A_2339 = arith.constant dense<0.000000e+00> : vector<1024x64xf32>
    %dot_general3A_2340 = tpu.matmul %select_n3A_2313, %get3A_1, %dot_general3A_2339 {dimension_numbers = #tpu.dot_dimension_numbers<[1], [0], [0], [1], [0, 0, 1, 1], [], []>, transpose_lhs_hint = false} : vector<1024x16xf32>, vector<16x64xf32>, vector<1024x64xf32> -> vector<1024x64xf32>
    %add3A_2341 = arith.addf %add3A_2338, %dot_general3A_2340 : vector<1024x64xf32>
    %add3A_2342 = vector.broadcast %get3A_4 : vector<1x64xf32> to vector<1024x64xf32>
    %add3A_2343 = arith.addf %add3A_2341, %add3A_2342 : vector<1024x64xf32>
    %slice3A_2344 = vector.extract_strided_slice %add3A_2343 {offsets = [0, 0], sizes = [1024, 16], strides = [1, 1]} : vector<1024x64xf32> to vector<1024x16xf32>
    %neg3A_2345 = arith.constant 0.000000e+00 : f32
    %neg3A_2346 = vector.broadcast %neg3A_2345 : f32 to vector<1024x16xf32>
    %neg3A_2347 = arith.subf %neg3A_2346, %slice3A_2344 : vector<1024x16xf32>
    %exp3A_2348 = math.exp %neg3A_2347 : vector<1024x16xf32>
    %add3A_2349 = arith.constant 1.000000e+00 : f32
    %add3A_2350 = vector.broadcast %add3A_2349 : f32 to vector<1024x16xf32>
    %add3A_2351 = arith.addf %add3A_2350, %exp3A_2348 : vector<1024x16xf32>
    %div3A_2352 = arith.constant 1.000000e+00 : f32
    %div3A_2353 = vector.broadcast %div3A_2352 : f32 to vector<1024x16xf32>
    %div3A_2354 = arith.divf %div3A_2353, %add3A_2351 : vector<1024x16xf32>
    %slice3A_2355 = vector.extract_strided_slice %add3A_2343 {offsets = [0, 16], sizes = [1024, 16], strides = [1, 1]} : vector<1024x64xf32> to vector<1024x16xf32>
    %neg3A_2356 = arith.constant 0.000000e+00 : f32
    %neg3A_2357 = vector.broadcast %neg3A_2356 : f32 to vector<1024x16xf32>
    %neg3A_2358 = arith.subf %neg3A_2357, %slice3A_2355 : vector<1024x16xf32>
    %exp3A_2359 = math.exp %neg3A_2358 : vector<1024x16xf32>
    %add3A_2360 = arith.constant 1.000000e+00 : f32
    %add3A_2361 = vector.broadcast %add3A_2360 : f32 to vector<1024x16xf32>
    %add3A_2362 = arith.addf %add3A_2361, %exp3A_2359 : vector<1024x16xf32>
    %div3A_2363 = arith.constant 1.000000e+00 : f32
    %div3A_2364 = vector.broadcast %div3A_2363 : f32 to vector<1024x16xf32>
    %div3A_2365 = arith.divf %div3A_2364, %add3A_2362 : vector<1024x16xf32>
    %slice3A_2366 = vector.extract_strided_slice %add3A_2343 {offsets = [0, 32], sizes = [1024, 16], strides = [1, 1]} : vector<1024x64xf32> to vector<1024x16xf32>
    %tanh3A_2367 = math.tanh %slice3A_2366 : vector<1024x16xf32>
    %slice3A_2368 = vector.extract_strided_slice %add3A_2343 {offsets = [0, 48], sizes = [1024, 16], strides = [1, 1]} : vector<1024x64xf32> to vector<1024x16xf32>
    %neg3A_2369 = arith.constant 0.000000e+00 : f32
    %neg3A_2370 = vector.broadcast %neg3A_2369 : f32 to vector<1024x16xf32>
    %neg3A_2371 = arith.subf %neg3A_2370, %slice3A_2368 : vector<1024x16xf32>
    %exp3A_2372 = math.exp %neg3A_2371 : vector<1024x16xf32>
    %add3A_2373 = arith.constant 1.000000e+00 : f32
    %add3A_2374 = vector.broadcast %add3A_2373 : f32 to vector<1024x16xf32>
    %add3A_2375 = arith.addf %add3A_2374, %exp3A_2372 : vector<1024x16xf32>
    %div3A_2376 = arith.constant 1.000000e+00 : f32
    %div3A_2377 = vector.broadcast %div3A_2376 : f32 to vector<1024x16xf32>
    %div3A_2378 = arith.divf %div3A_2377, %add3A_2375 : vector<1024x16xf32>
    %mul3A_2379 = arith.mulf %div3A_2365, %select_n3A_2316 : vector<1024x16xf32>
    %mul3A_2380 = arith.mulf %div3A_2354, %tanh3A_2367 : vector<1024x16xf32>
    %add3A_2381 = arith.addf %mul3A_2379, %mul3A_2380 : vector<1024x16xf32>
    %tanh3A_2382 = math.tanh %add3A_2381 : vector<1024x16xf32>
    %mul3A_2383 = arith.mulf %div3A_2378, %tanh3A_2382 : vector<1024x16xf32>
    %broadcast_in_dim3A_2384 = vector.shape_cast %gt3A_2319 : vector<1024x1xi1> to vector<1024x1xi1>
    %broadcast_in_dim3A_2385 = vector.broadcast %broadcast_in_dim3A_2384 : vector<1024x1xi1> to vector<1024x16xi1>
    %select_n3A_2386 = arith.select %broadcast_in_dim3A_2385, %mul3A_2383, %select_n3A_2313 : vector<1024x16xi1>, vector<1024x16xf32>
    %swap3A = arith.constant 0 : index
    %swap3A_2387 = arith.constant 0 : index
    %swap3A_2388 = vector.load %arg8[%swap3A, %swap3A_2387] : memref<1024x16xf32, #tpu.memory_space<vmem>>, vector<1024x16xf32>
    tpu.vector_store %arg8[%swap3A, %swap3A_2387], %select_n3A_2386 {strides = array<i32>} : memref<1024x16xf32, #tpu.memory_space<vmem>>, vector<1024x16xf32>,
    return
  }
  func.func @transform_0(%arg0: i32) -> (i32, i32) {
    %c0_i32 = arith.constant 0 : i32
    %c0_i32_0 = arith.constant 0 : i32
    return %arg0, %c0_i32 : i32, i32
  }
  func.func @transform_1(%arg0: i32) -> (i32, i32) {
    %c0_i32 = arith.constant 0 : i32
    %c0_i32_0 = arith.constant 0 : i32
    return %arg0, %c0_i32 : i32, i32
  }
  func.func @transform_2(%arg0: i32) -> (i32, i32) {
    %c0_i32 = arith.constant 0 : i32
    %c0_i32_0 = arith.constant 0 : i32
    return %arg0, %c0_i32 : i32, i32
  }
  func.func @transform_3(%arg0: i32) -> (i32, i32, i32) {
    %c0_i32 = arith.constant 0 : i32
    %c0_i32_0 = arith.constant 0 : i32
    %c0_i32_1 = arith.constant 0 : i32
    return %arg0, %c0_i32, %c0_i32_0 : i32, i32, i32
  }
  func.func @transform_4(%arg0: i32) -> (i32, i32) {
    %c0_i32 = arith.constant 0 : i32
    %c0_i32_0 = arith.constant 0 : i32
    %c0_i32_1 = arith.constant 0 : i32
    return %c0_i32, %c0_i32_0 : i32, i32
  }
  func.func @transform_5(%arg0: i32) -> (i32, i32) {
    %c0_i32 = arith.constant 0 : i32
    %c0_i32_0 = arith.constant 0 : i32
    %c0_i32_1 = arith.constant 0 : i32
    return %c0_i32, %c0_i32_0 : i32, i32
  }
  func.func @transform_6(%arg0: i32) -> (i32, i32) {
    %c0_i32 = arith.constant 0 : i32
    %c0_i32_0 = arith.constant 0 : i32
    %c0_i32_1 = arith.constant 0 : i32
    return %c0_i32, %c0_i32_0 : i32, i32
  }
  func.func @transform_7(%arg0: i32) -> (i32, i32) {
    %c0_i32 = arith.constant 0 : i32
    %c0_i32_0 = arith.constant 0 : i32
    return %arg0, %c0_i32 : i32, i32
  }
}

</mosaic_0001>

<sc_bundles>
// kernel: kernel.5.cloned.1.call-start
scs
__scs_entry_jumppad:
0x0: {  	(pc) =	sbr.rel $0x88, $3  }
0x1: {  	(tag) =	ssettag $0x0;
	lr =	simm.s32 $0x1  }
0x2: {  	[smem:$0x3F99] =	sst lr;
	_ =	strace $0xD0000000  }
0x3: {  	_ = 	snop  }
0x4: {  	_ = 	snop  }
0x5: {  	_ = 	snop  }
0x6: {  	_ = 	snop  }
0x7: {  	_ = 	snop  }
__scs_overlays_trampoline_lowered:
0x8: {  	[smem:$0x3FA8] =	sst s0  }
0x9: {  	[smem:$0x3FA9] =	sst s1  }
0xa: {  	[smem:$0x3FAA] =	sst s2  }
0xb: {  	[smem:$0x3FAB] =	sst s3  }
0xc: {  	[smem:$0x3FAC] =	sst s4  }
0xd: {  	[smem:$0x3FAD] =	sst s5  }
0xe: {  	[smem:$0x3FAE] =	sst s6  }
0xf: {  	[smem:$0x3FAF] =	sst s7  }
0x10: {  	[smem:$0x3FB0] =	sst s8  }
0x11: {  	[smem:$0x3FB1] =	sst s9;
	s0 =	simm.s32 @!p0 $0x0  }
0x12: {  	s1 =	sld [smem:$0x3F97];
	s0 =	simm.s32 @p0 $0x1  }
0x13: {  	[smem:$0x3FB2] =	sst s0;
	s0 =	simm.s32 @!p1 $0x0  }
0x14: {  	s2 =	sld [smem:$0x3F96];
	s0 =	simm.s32 @p1 $0x1  }
0x15: {  	[smem:$0x3FB3] =	sst s0;
	s0 =	simm.s32 @!p2 $0x0  }
0x16: {  	s3 =	sld [smem:$0x3FDB];
	s0 =	simm.s32 @p2 $0x1  }
0x17: {  	s4 =	simm.s32 $0x1BF5;
	[smem:$0x3FB5] =	sst s0  }
0x18: {  	s0 =	sld [smem:$0x3F98];
	_ =	swait.ge [sflag:s4], $0x0  }
0x19: {  	s7 =	sld [smem:$0x3F99]  }
0x1a: {  	s8 =	sadd.s32 $0xFFFFE003, lr  }
0x1b: {  	s9 =	sadd.s32 $0xFFFFFEF7, lr;
	s5 =	simm.s32 $0xFFFFFFFF;
	p2 =	slt.u32 s8, $0xFFFFF086  }
0x1c: {  	p1 =	slt.u32 s9, $0xF7A;
	s5 =	simm.s32 @!p2 $0x0  }
0x1d: {  	s5 =	simm.s32 @p1 $0x1;
	p0 =	seq.s32 s7, s2  }
0x1e: {  	s7 =	smul.u32 @!p0 $0xF7A, s2;
	p2 =	seq.s32 @!p0 s5, $0x0  }
0x1f: {  	s9 =	smul.u32 $0xF7A, s1;
	s8 =	simm.s32 @!p0 $0x1BF5;
	p2 =	por !p2, p0  }
0x20: {  	[sflag:s8] =	ssyncset.s32 @!p0 $0xFFFFF086;
	s6 =	sadd.s32 @!p0 s3, s7;
	s7 =	simm.s32 @!p0 $0x108  }
0x21: {  	s3 =	sadd.s32 s3, s9;
	s6 =	sadd.s32 @!p0 $0x88, s6;
	s7 =	simm.s32 @p2 $0x1082  }
0x22: {  	[simem:s7], [sflag:s8] =	dma.local @!p0 [hbm:s6], $0xF7A  }
0x23: {  	s9 =	sor.u32 $0xD0000000, s2;
	s6 =	simm.s32 $0x108;
	_ =	swait.ge @!p0 [sflag:s8], $0x0  }
0x24: {  	s3 =	sadd.s32 $0x88, s3;
	s6 =	simm.s32 @!p1 $0x1082;
	[sflag:s4] =	ssyncset.s32 $0xFFFFF086  }
0x25: {  	[simem:s6], [sflag:s4] =	dma.local [hbm:s3], $0xF7A  }
0x26: {  	[smem:$0x3F99] =	sst s1;
	(tag) =	ssettag s2;
	_ =	strace s9  }
0x27: {  	s1 =	sld [smem:$0x3FA9]  }
0x28: {  	s2 =	sld [smem:$0x3FAA]  }
0x29: {  	s4 =	sld [smem:$0x3FAC]  }
0x2a: {  	p0 =	seq.s32 s5, $0x0;
	s5 =	sld [smem:$0x3FAD]  }
0x2b: {  	s6 =	sld [smem:$0x3FAE]  }
0x2c: {  	s7 =	sld [smem:$0x3FAF]  }
0x2d: {  	s3 =	simm.s32 $0x108;
	s8 =	sld [smem:$0x3FB0]  }
0x2e: {  	s3 =	simm.s32 @!p0 $0x1082;
	s9 =	sld [smem:$0x3FB1]  }
0x2f: {  	lr =	sadd.s32 s0, s3;
	s0 =	sld [smem:$0x3FA8]  }
0x30: {  	s3 =	sld [smem:$0x3FAB]  }
0x31: {  	[smem:$0x3FB4] =	sst s10  }
0x32: {  	s10 =	sld [smem:$0x3FB2];
	_ =	sdelay $0x3  }
0x33: {  	p0 =	seq.s32 s10, $0x1;
	s10 =	sld [smem:$0x3FB4];
	_ =	sdelay $0x3  }
0x34: {  	[smem:$0x3FB4] =	sst s10  }
0x35: {  	s10 =	sld [smem:$0x3FB3];
	_ =	sdelay $0x3  }
0x36: {  	p1 =	seq.s32 s10, $0x1;
	s10 =	sld [smem:$0x3FB4];
	_ =	sdelay $0x3  }
0x37: {  	[smem:$0x3FB4] =	sst s10  }
0x38: {  	s10 =	sld [smem:$0x3FB5]  }
0x39: {  	_ = 	snop;
	(pc) =	sbr.ind lr, $3  }
0x3a: {  	_ = 	snop  }
0x3b: {  	_ = 	snop  }
0x3c: {  	p2 =	seq.s32 s10, $0x1;
	s10 =	sld [smem:$0x3FB4]  }
0x3d: {  	_ =	shalt  }
0x3e: {  	_ =	shalt  }
0x3f: {  	_ =	shalt  }
0x40: {  	_ =	shalt  }
0x41: {  	_ =	shalt  }
0x42: {  	_ =	shalt  }
0x43: {  	_ =	shalt  }
0x44: {  	_ =	shalt  }
0x45: {  	_ =	shalt  }
0x46: {  	_ =	shalt  }
0x47: {  	_ =	shalt  }
0x48: {  	_ =	shalt  }
0x49: {  	_ =	shalt  }
0x4a: {  	_ =	shalt  }
0x4b: {  	_ =	shalt  }
0x4c: {  	_ =	shalt  }
0x4d: {  	_ =	shalt  }
0x4e: {  	_ =	shalt  }
0x4f: {  	_ =	shalt  }
0x50: {  	_ =	shalt  }
0x51: {  	_ =	shalt  }
0x52: {  	_ =	shalt  }
0x53: {  	_ =	shalt  }
0x54: {  	_ =	shalt  }
0x55: {  	_ =	shalt  }
0x56: {  	_ =	shalt  }
0x57: {  	_ =	shalt  }
0x58: {  	_ =	shalt  }
0x59: {  	_ =	shalt  }
0x5a: {  	_ =	shalt  }
0x5b: {  	_ =	shalt  }
0x5c: {  	_ =	shalt  }
0x5d: {  	_ =	shalt  }
0x5e: {  	_ =	shalt  }
0x5f: {  	_ =	shalt  }
0x60: {  	_ =	shalt  }
0x61: {  	_ =	shalt  }
0x62: {  	_ =	shalt  }
0x63: {  	_ =	shalt  }
0x64: {  	_ =	shalt  }
0x65: {  	_ =	shalt  }
0x66: {  	_ =	shalt  }
0x67: {  	_ =	shalt  }
0x68: {  	_ =	shalt  }
0x69: {  	_ =	shalt  }
0x6a: {  	_ =	shalt  }
0x6b: {  	_ =	shalt  }
0x6c: {  	_ =	shalt  }
0x6d: {  	_ =	shalt  }
0x6e: {  	_ =	shalt  }
0x6f: {  	_ =	shalt  }
0x70: {  	_ =	shalt  }
0x71: {  	_ =	shalt  }
0x72: {  	_ =	shalt  }
0x73: {  	_ =	shalt  }
0x74: {  	_ =	shalt  }
0x75: {  	_ =	shalt  }
0x76: {  	_ =	shalt  }
0x77: {  	_ =	shalt  }
0x78: {  	_ =	shalt  }
0x79: {  	_ =	shalt  }
0x7a: {  	_ =	shalt  }
0x7b: {  	_ =	shalt  }
0x7c: {  	_ =	shalt  }
0x7d: {  	_ =	shalt  }
0x7e: {  	_ =	shalt  }
0x7f: {  	_ =	shalt  }
0x80: {  	_ =	shalt  }
0x81: {  	_ =	shalt  }
0x82: {  	_ =	shalt  }
0x83: {  	_ =	shalt  }
0x84: {  	_ =	shalt  }
0x85: {  	_ =	shalt  }
0x86: {  	_ =	shalt  }
0x87: {  	_ =	shalt  }
.Lfunc_end0:
.L_simem_size_0:
called_computation_lowered:
.L_overlay_start_0:
0x88: {  	s2 =	sld [smem:$0x3FD9]  }
0x89: {  	s3 =	sld [smem:$0x3FFE];
	_ =	sdelay $0x1  }
0x8a: {  	s1 =	srdreg.scid  }
0x8b: {  	s0 =	sand.u32 $0x1, s1  }
0x8c: {  	s17 =	sshll.u32 s0, $0xA;
	s2 =	sadd.s32 s3, s2  }
0x8d: {  	s2 =	sadd.s32 s2, s17  }
0x8e: {  	[smem:$0x3FC0] =	sst s2  }
0x8f: {  	_ = 	snop  }
0x90: {  	s2 =	sld [smem:$0x3FC9]  }
0x91: {  	s18 =	sld [smem:$0x3FC7]  }
0x92: {  	s4 =	sld [smem:$0x3FD0];
	(tm) =	ssettm $0x1  }
0x93: {  	s5 =	sld [smem:$0x3FFB];
	_ =	sdelay $0x3  }
0x94: {  	_ =	strace s5  }
0x95: {  	s5 =	sld [smem:$0x3FFC];
	_ =	sdelay $0x3  }
0x96: {  	_ =	strace s5  }
0x97: {  	s5 =	sld [smem:$0x3FFD];
	_ =	sdelay $0x3  }
0x98: {  	_ =	strace s5  }
0x99: {  	_ =	strace $0x8FFFFFFF  }
0x9a: {  	s19 =	sld [smem:$0x3FDB];
	_ =	sdelay $0x1  }
0x9b: {  	s6 =	simm.s32 $_scs_section_size  }
0x9c: {  	s7 =	simm.s32 $_size__tile_overlayer_lowered;
	s8 =	simm.s32 $_tile_overlayer_lowered  }
0x9d: {  	s22 =	simm.s32 $0x1BFF;
	s21 =	sshll.u32 s8, $0x1;
	s5 =	sadd.s32 s6, s19  }
0x9e: {  	s9 =	simm.s32 $0x0;
	s20 =	sshll.u32 s7, $0x1;
	s7 =	sadd.s32 s21, s5  }
0x9f: {  	[timem:s9], [sflag:s22] =	dma.local [hbm:s7], s20  }
0xa0: {  	_ =	swait.ge [sflag:s22], s20  }
0xa1: {  	s6 =	ssub.s32 $0x0, s20;
	[sflag:s22] =	ssyncset.done $0x0  }
0xa2: {  	[sflag:s22] =	ssyncadd.s32 s6;
	_ =	sdelay $0x1  }
0xa3: {  	s23 =	simm.s32 $0x1B8B  }
0xa4: {  	_ =	swait.ge [sflag:s23], $0x1  }
0xa5: {  	[sflag:s23] =	ssyncset.done $0x0  }
0xa6: {  	s25 =	simm.s32 $0x1B8E;
	s24 =	sld [smem:$0x3FFE];
	[sflag:s23] =	ssyncadd.s32 $0xFFFFFFFF  }
0xa7: {  	s26 =	simm.s32 $execute0_lowered;
	[smem:$0x3FD2] =	sst s25  }
0xa8: {  	s7 =	sshll.u32 s26, $0x1;
	_ =	strace $0x80000046;
	[dreg:$0x1] =	wrdreg $0xFFFFFFFF  }
0xa9: {  	s28 =	simm.s32 $_size_execute0_lowered;
	s5 =	sadd.s32 s5, s7;
	[dreg:$0x0] =	wrdreg $0x0  }
0xaa: {  	s7 =	sshll.u32 s28, $0x1;
	[dreg:$0x2] =	wrdreg s5  }
0xab: {  	[dreg:$0x3] =	wrdreg s7  }
0xac: {  	[dreg:$0x4] =	wrdreg $0xC0  }
0xad: {  	_ =	task [dreg:s9], $0x5FFFF  }
0xae: {  	[dreg:$0x1] =	wrdreg $0xFFFFFFFF  }
0xaf: {  	[dreg:$0x0] =	wrdreg $0x60  }
0xb0: {  	[dreg:$0x2] =	wrdreg s24  }
0xb1: {  	[dreg:$0x3] =	wrdreg s2  }
0xb2: {  	[dreg:$0x4] =	wrdreg s18  }
0xb3: {  	[dreg:$0x5] =	wrdreg s4  }
0xb4: {  	[dreg:$0x6] =	wrdreg $0x9  }
0xb5: {  	_ =	task.clear_ibuf [dreg:s9], $0x7FFFF;
	_ =	strace $0x90000046  }
0xb6: {  	s29 =	simm.s32 $0x9;
	_ =	strace $0x80000048  }
0xb7: {  	_ =	swait.ge [sflag:s29], $0x1  }
0xb8: {  	[sflag:s29] =	ssyncadd.s32 $0xFFFFFFFF  }
0xb9: {  	_ =	strace $0x90000048  }
0xba: {  	_ =	sfence  }
0xbb: {  	s30 =	sld [smem:$0x0];
	_ =	sdelay $0x2  }
0xbc: {  	s31 =	sshll.u32 s1, $0xD;
	s1 =	sshrl.u32 s1, $0x2  }
0xbd: {  	s3 =	sand.u32 $0x4000, s31;
	s1 =	sadd.s32 s1, s30  }
0xbe: {  	s0 =	sor.u32 s3, s0;
	s1 =	sshll.u32 s1, $0x11  }
0xbf: {  	s0 =	sor.u32 s1, s0  }
0xc0: {  	s0 =	sadd.s32 $0x8F2B, s0  }
0xc1: {  	[sflag:s0] =	ssyncadd.remote.s32 $0x1  }
0xc2: {  	_ =	sfence.sel $0xFFFF  }
0xc3: {  	[dreg:$0x0] =	wrdreg $0xFFFFFFFF;
	(pc) =	sbr.abs _section_cstart, $3  }
0xc4: {  	[dreg:$0x1] =	wrdreg $0xFFFFFFFF  }
0xc5: {  	_ =	task.clear_ibuf [dreg:s9], $0x2FFFF;
	_ =	strace $0x9FFFFFFF  }
0xc6: {  	(tm) =	ssettm $0x7FFFFFFF  }
0xc7: {  	_ =	shalt  }
tec
execute0_lowered:
.L_overlay_start_1:
0x0: {  	(tag) =	ssettag $0x1  }
0x1: {  	s5 =	rddreg [dreg:$0x0]  }
0x2: {  	s8 =	rddreg [dreg:$0x1]  }
0x3: {  	s10 =	rddreg [dreg:$0x2]  }
0x4: {  	s2 =	rddreg [dreg:$0x3];
	s3 =	srdreg.scid  }
0x5: {  	s0 =	rddreg [dreg:$0x4];
	s1 =	stileid.u32  }
0x6: {  	s13 =	simm.s32 $0x800;
	s14 =	simm.s32 $0x1000;
	s15 =	simm.s32 $0x1800  }
0x7: {  	s16 =	simm.s32 $0x2000;
	s17 =	simm.s32 $0x80;
	s18 =	simm.s32 $0x1  }
0x8: {  	s19 =	simm.s32 $0x0;
	s4 =	sand.u32 $0x1, s3;
	s3 =	simm.s32 $0x0  }
0x9: {  	s6 =	sshll.u32 s1, $0x9;
	s7 =	sshll.u32 s4, $0x8;
	[smem:$0x7FF] =	sst s3  }
0xa: {  	s30 =	ssub.s32 $0x2, s4;
	s4 =	sadd.s32 $0x7C00, s5;
	s11 =	sor.u32 s7, s6  }
0xb: {  	_ =	strace $0x80000047;
	s31 =	sshrl.u32 s30, $0x1;
	s9 =	sadd.s32 s11, s5  }
0xc: {  	s5 =	sadd.s32 $0x11C00, s5;
	s12 =	ssub.s32 s30, s31;
	s8 =	sadd.s32 s8, s11  }
0xd: {  	s10 =	sadd.s32 s10, s11;
	s6 =	sadd.s32 $0x1C00, s9;
	s7 =	sadd.s32 $0x3C00, s9  }
0xe: {  	s9 =	sadd.s32 $0x5C00, s9;
	s11 =	smax.u32 s12, $0x1;
	s12 =	simm.s32 $0x2  }
.LBB2_1:
0xf: {  	[tilespmem:s3], [sflag:$0x2] =	stream.linear.gather [hbm4b:s6+s3], $0x800, $0x38;
	[tilespmem:$0x2800] =	vst v63  }
0x10: {  	_ =	swait.ge [sflag:s12], $0x800  }
0x11: {  	[sflag:s12] =	ssyncset.done $0x0  }
0x12: {  	[sflag:s12] =	ssyncadd.s32 $0xFFFFF800  }
0x13: {  	[tilespmem:s13], [sflag:$0x2] =	stream.linear.gather [hbm4b:s7+s3], $0x800, $0x38;
	[tilespmem:$0x2800] =	vst v63  }
0x14: {  	_ =	swait.ge [sflag:s12], $0x800  }
0x15: {  	[sflag:s12] =	ssyncset.done $0x0  }
0x16: {  	[sflag:s12] =	ssyncadd.s32 $0xFFFFF800  }
0x17: {  	[tilespmem:s14], [sflag:$0x2] =	stream.linear.gather [hbm4b:s8+s3], $0x800, $0x38;
	[tilespmem:$0x2800] =	vst v63  }
0x18: {  	_ =	swait.ge [sflag:s12], $0x800  }
0x19: {  	[sflag:s12] =	ssyncset.done $0x0  }
0x1a: {  	[sflag:s12] =	ssyncadd.s32 $0xFFFFF800  }
0x1b: {  	[tilespmem:s15], [sflag:$0x2] =	stream.linear.gather [hbm4b:s9+s3], $0x800, $0x38;
	[tilespmem:$0x2800] =	vst v63  }
0x1c: {  	_ =	swait.ge [sflag:s12], $0x800  }
0x1d: {  	[sflag:s12] =	ssyncset.done $0x0  }
0x1e: {  	[sflag:s12] =	ssyncadd.s32 $0xFFFFF800  }
0x1f: {  	[tilespmem:s16], [sflag:$0x2] =	stream.linear.gather [hbm4b:s10+s3], $0x800, $0x38;
	[tilespmem:$0x2800] =	vst v63  }
0x20: {  	_ =	swait.ge [sflag:s12], $0x800  }
0x21: {  	[sflag:s12] =	ssyncset.done $0x0  }
0x22: {  	s20 =	simm.s32 $0x0;
	s21 =	simm.s32 $0x1000;
	[sflag:s12] =	ssyncadd.s32 $0xFFFFF800  }
0x23: {  	[hbm4b:s4+s17] =	stream.indirect.scatter [tilespmem:s21], [sflag:$0x1], $0x1, s20, s17, $0xb8;
	[tilespmem:$0x2800] =	vst v63  }
0x24: {  	s29 =	simm.s32 $0x1800  }
0x25: {  	[hbm4b:s5+s17] =	stream.indirect.scatter [tilespmem:s29], [sflag:$0x1], $0x1, s20, s17, $0xb8;
	[tilespmem:$0x2800] =	vst v63  }
0x26: {  	s30 =	simm.s32 $0x2000;
	s31 =	simm.s32 $0x800  }
0x27: {  	[hbm4b:s2+s17] =	stream.indirect.scatter [tilespmem:s30], [sflag:$0x1], $0x1, s31, s17, $0xb8;
	[tilespmem:$0x2800] =	vst v63  }
0x28: {  	_ =	swait.ge [sflag:s18], $0x80  }
0x29: {  	[sflag:s18] =	ssyncset.done $0x0  }
0x2a: {  	[sflag:s18] =	ssyncadd.s32 $0xFFFFFF80  }
0x2b: {  	_ =	swait.ge [sflag:s18], $0x80  }
0x2c: {  	[sflag:s18] =	ssyncset.done $0x0  }
0x2d: {  	[sflag:s18] =	ssyncadd.s32 $0xFFFFFF80  }
0x2e: {  	_ =	swait.ge [sflag:s18], $0x80  }
0x2f: {  	s21 =	simm.s32 $0x400;
	s20 =	simm.s32 $0x80;
	[sflag:s18] =	ssyncset.done $0x0  }
.LBB2_2:
0x30: {  	s22 =	sadd.s32 $0x1000, s20  }
0x31: {  	[sflag:s18] =	ssyncadd.s32 $0xFFFFFF80;
	s23 =	smov.u32 s21;
	s24 =	sadd.s32 $0x200, s21  }
0x32: {  	[hbm4b:s4+s17] =	stream.indirect.scatter [tilespmem:s22], [sflag:$0x1], $0x1, s20, s17, $0xb8;
	[tilespmem:$0x2800] =	vst v63  }
0x33: {  	p0 =	sne.s32 s21, $0x1E00;
	s21 =	sadd.s32 $0x1800, s20  }
0x34: {  	[hbm4b:s5+s17] =	stream.indirect.scatter [tilespmem:s21], [sflag:$0x1], $0x1, s20, s17, $0xb8;
	[tilespmem:$0x2800] =	vst v63  }
0x35: {  	s21 =	sadd.s32 $0x2000, s20;
	s20 =	sadd.s32 $0x800, s20  }
0x36: {  	[hbm4b:s2+s17] =	stream.indirect.scatter [tilespmem:s21], [sflag:$0x1], $0x1, s20, s17, $0xb8;
	[tilespmem:$0x2800] =	vst v63  }
0x37: {  	_ =	swait.ge [sflag:s18], $0x80  }
0x38: {  	[sflag:s18] =	ssyncset.done $0x0  }
0x39: {  	[sflag:s18] =	ssyncadd.s32 $0xFFFFFF80  }
.Ltmp0:
0x3a: {  	_ =	swait.ge [sflag:s18], $0x80;
	(pc) =	sbr.rel @p0 .LBB2_2-.Ltmp0, $4  }
0x3b: {  	[sflag:s18] =	ssyncset.done $0x0  }
0x3c: {  	[sflag:s18] =	ssyncadd.s32 $0xFFFFFF80  }
0x3d: {  	_ =	swait.ge [sflag:s18], $0x80  }
0x3e: {  	s20 =	sshra.s32 s23, $0x2;
	s21 =	smov.u32 s24;
	[sflag:s18] =	ssyncset.done $0x0  }
0x3f: {  	s21 =	sadd.s32 $0x1000, s20;
	[sflag:s18] =	ssyncadd.s32 $0xFFFFFF80  }
0x40: {  	[hbm4b:s4+s17] =	stream.indirect.scatter [tilespmem:s21], [sflag:$0x1], $0x1, s20, s17, $0xb8;
	[tilespmem:$0x2800] =	vst v63  }
0x41: {  	s29 =	sadd.s32 $0x1800, s20  }
0x42: {  	[hbm4b:s5+s17] =	stream.indirect.scatter [tilespmem:s29], [sflag:$0x1], $0x1, s20, s17, $0xb8;
	[tilespmem:$0x2800] =	vst v63  }
0x43: {  	s30 =	sadd.s32 $0x2000, s20;
	s31 =	sadd.s32 $0x800, s20  }
0x44: {  	[hbm4b:s2+s17] =	stream.indirect.scatter [tilespmem:s30], [sflag:$0x1], $0x1, s31, s17, $0xb8;
	[tilespmem:$0x2800] =	vst v63  }
0x45: {  	_ =	swait.ge [sflag:s18], $0x80  }
0x46: {  	[sflag:s18] =	ssyncset.done $0x0  }
0x47: {  	s19 =	sadd.s32 $0x1, s19;
	[sflag:s18] =	ssyncadd.s32 $0xFFFFFF80  }
0x48: {  	p0 =	sne.s32 s19, s11;
	_ =	swait.ge [sflag:s18], $0x80  }
.Ltmp1:
0x49: {  	[sflag:s18] =	ssyncset.done $0x0;
	(pc) =	sbr.rel @p0 .LBB2_1-.Ltmp1, $4  }
0x4a: {  	[sflag:s18] =	ssyncadd.s32 $0xFFFFFF80  }
0x4b: {  	_ =	swait.ge [sflag:s18], $0x80  }
0x4c: {  	[sflag:s18] =	ssyncset.done $0x0  }
0x4d: {  	[sflag:s18] =	ssyncadd.s32 $0xFFFFFF80  }
0x4e: {  	_ =	sfence.sel $0x180000  }
0x4f: {  	[bflag:$0x0] =	sbarrier.arrive $0xFFFF  }
0x50: {  	p0 =	sne.s32 s1, $0x0;
	_ =	strace $0x90000047  }
0x51: {  	s0 =	sadd.s32 @!p0 $0x100000, s0;
	[bflag:$0x2] =	sbarrier.arrive $0xFFFF  }
0x52: {  	[sflag:s0] =	ssyncadd.tile.s32 @!p0 $0x1;
	_ =	shalt  }
.Lfunc_end2:
_tile_overlayer_lowered:
.L_overlay_start_2:
0x53: {  	(tag) =	ssettag $0x2  }
0x54: {  	s0 =	rddreg [dreg:$0x0];
	s2 =	stileid.u32  }
0x55: {  	s1 =	rddreg [dreg:$0x1];
	p0 =	sne.s32 s2, $0x0  }
0x56: {  	s3 =	rddreg [dreg:$0x2];
	[bflag:$0x3] =	sbarrier.arrive $0xFFFF;
	s2 =	simm.s32 @!p0 $0x1C02  }
0x57: {  	[timem:s3], [sflag:s2] =	dma.local @!p0 [hbm:s0], s1  }
0x58: {  	s0 =	simm.s32 @!p0 $0x2  }
0x59: {  	_ =	swait.ge @!p0 [sflag:s0], s1  }
0x5a: {  	s1 =	ssub.s32 @!p0 $0x0, s1;
	[sflag:s0] =	ssyncset.done @!p0 $0x0  }
0x5b: {  	[sflag:s0] =	ssyncadd.s32 @!p0 s1  }
0x5c: {  	[bflag:$0x3] =	sbarrier.arrive $0xFFFF  }
0x5d: {  	_ =	shalt  }

</sc_bundles>
